<compile_context>
chip_gen: v7x
topology: tpu7x:2x2x1
jax: 0.10.2.dev20260603
libtpu: 0.0.44.dev20260713+nightly
codegen_flags: <defaults>
</compile_context>

<pallas_src>
import functools

import jax
import jax.numpy as jnp
from jax import lax
from jax.experimental import pallas as pl
from jax.experimental.pallas import tpu as pltpu
from jax.experimental.pallas import tpu_sc as plsc

N_EXP = 16
N_SLOTS = 2 * N_EXP
TB = 512
FB = 1024
NW = 32


def _cumsum_axis0(a, s):
    k = 1
    while k < s:
        pad = jnp.zeros((k, a.shape[1]), a.dtype)
        a = a + jnp.concatenate([pad, a[:s - k, :]], axis=0)
        k *= 2
    return a


def _route_body(tok_ref, wg_ref, s1_ref, s2_ref, w1_ref, w2_ref, win_ref,
                loss_ref):
    s = tok_ref.shape[0]
    tok = tok_ref[...]
    logits = jax.lax.dot_general(tok, wg_ref[...], (((1,), (1,)), ((), ())),
                                 preferred_element_type=jnp.float32)
    m = jnp.max(logits, axis=1, keepdims=True)
    p = jnp.exp(logits - m)
    probs = p / jnp.sum(p, axis=1, keepdims=True)
    eio = jax.lax.broadcasted_iota(jnp.int32, (s, N_EXP), 1).astype(jnp.float32)
    mx1 = jnp.max(probs, axis=1, keepdims=True)
    t1 = jnp.min(jnp.where(probs >= mx1, eio, float(N_EXP)), axis=1,
                 keepdims=True)
    probs2 = jnp.where(eio == t1, -1.0, probs)
    mx2 = jnp.max(probs2, axis=1, keepdims=True)
    t2 = jnp.min(jnp.where(probs2 >= mx2, eio, float(N_EXP)), axis=1,
                 keepdims=True)
    g1, g2 = mx1, mx2
    imp = jnp.sum(probs, axis=0, keepdims=True)

    oh1 = (eio == t1).astype(jnp.float32)
    oh2 = (eio == t2).astype(jnp.float32)
    hits = oh1 + oh2
    incl = _cumsum_axis0(hits, s)
    excl = incl - hits
    counts = incl[s - 1:s, :]
    mp1 = jnp.max(jnp.where(eio < t1, counts, 0.0), axis=1, keepdims=True)
    mp2 = jnp.max(jnp.where(eio < t2, counts, 0.0), axis=1, keepdims=True)
    ex1 = jnp.sum(oh1 * excl, axis=1, keepdims=True)
    ex2 = jnp.sum(oh2 * excl, axis=1, keepdims=True)
    s1 = 2.0 * t1 + (ex1 >= mp1).astype(jnp.float32)
    s2 = 2.0 * t2 + (ex2 >= mp2).astype(jnp.float32)
    gsum = g1 + g2
    s1_ref[...] = s1.astype(jnp.int32)
    s2_ref[...] = s2.astype(jnp.int32)
    w1_ref[...] = g1 / gsum
    w2_ref[...] = g2 / gsum
    sio = jax.lax.broadcasted_iota(jnp.int32, (s, N_SLOTS), 1).astype(jnp.float32)
    tio = jax.lax.broadcasted_iota(jnp.int32, (s, N_SLOTS), 0).astype(jnp.float32)
    f1 = jnp.where(sio == s1, 2.0 * tio, -1.0)
    f2 = jnp.where(sio == s2, 2.0 * tio + 1.0, -1.0)
    wflat = jnp.max(jnp.maximum(f1, f2), axis=0, keepdims=True)
    wtok = jnp.floor(wflat * 0.5)
    gm = (tio == wtok).astype(jnp.float32)
    winners = jax.lax.dot_general(gm, tok, (((0,), (0,)), ((), ())),
                                  preferred_element_type=jnp.float32)
    win_ref[...] = winners
    loss_ref[...] = jnp.sum(imp * counts, axis=1, keepdims=True) * (
        float(N_EXP) / (float(s) * float(s)))


def _wmat_sc_call(s1, s2, wg1, wg2, s_tokens):
    tpw = s_tokens // NW
    mesh = plsc.VectorSubcoreMesh(core_axis_name="c", subcore_axis_name="s")

    @functools.partial(
        pl.kernel, mesh=mesh,
        out_type=jax.ShapeDtypeStruct((s_tokens * N_SLOTS,), jnp.float32),
        scratch_types=[
            pltpu.VMEM((tpw,), jnp.int32),
            pltpu.VMEM((tpw,), jnp.int32),
            pltpu.VMEM((tpw,), jnp.float32),
            pltpu.VMEM((tpw,), jnp.float32),
            pltpu.VMEM((2 * tpw,), jnp.int32),
            pltpu.VMEM((2 * tpw,), jnp.float32),
            pltpu.VMEM((tpw * N_SLOTS,), jnp.float32),
            pltpu.SemaphoreType.DMA,
        ],
    )
    def _wmat_sc(s1_hbm, s2_hbm, w1_hbm, w2_hbm, out_hbm,
                 s1v, s2v, w1v, w2v, idxv, valv, buf, sem):
        wid = lax.axis_index("s") * 2 + lax.axis_index("c")
        base = wid * tpw
        pltpu.sync_copy(s1_hbm.at[pl.ds(base, tpw)], s1v)
        pltpu.sync_copy(s2_hbm.at[pl.ds(base, tpw)], s2v)
        pltpu.sync_copy(w1_hbm.at[pl.ds(base, tpw)], w1v)
        pltpu.sync_copy(w2_hbm.at[pl.ds(base, tpw)], w2v)

        zeros16 = jnp.zeros((16,), jnp.float32)
        for i in range((tpw * N_SLOTS) // 16):
            buf[pl.ds(i * 16, 16)] = zeros16

        lane = lax.iota(jnp.int32, 16)
        for g in range(tpw // 16):
            gbase = (base + g * 16 + lane) * N_SLOTS
            idxv[pl.ds(g * 16, 16)] = gbase + s1v[pl.ds(g * 16, 16)]
            idxv[pl.ds(tpw + g * 16, 16)] = gbase + s2v[pl.ds(g * 16, 16)]
            valv[pl.ds(g * 16, 16)] = w1v[pl.ds(g * 16, 16)]
            valv[pl.ds(tpw + g * 16, 16)] = w2v[pl.ds(g * 16, 16)]

        pltpu.sync_copy(buf, out_hbm.at[pl.ds(base * N_SLOTS, tpw * N_SLOTS)])
        pltpu.async_copy(valv, out_hbm.at[idxv], sem).wait()

    return _wmat_sc(s1, s2, wg1, wg2)


def _ffn_body(win_ref, w1_ref, b1_ref, w2_ref, b2_ref, out_ref):
    c = pl.program_id(1)
    wt = win_ref[0]
    h = jax.lax.dot_general(wt, w1_ref[0], (((1,), (1,)), ((), ())),
                            preferred_element_type=jnp.float32)
    h = h + b1_ref[0]
    h = 0.5 * h * (1.0 + jax.lax.erf(h * (2.0 ** -0.5)))
    o = jax.lax.dot_general(h, w2_ref[0], (((1,), (1,)), ((), ())),
                            preferred_element_type=jnp.float32)

    @pl.when(c == 0)
    def _():
        out_ref[0] = o + b2_ref[0]

    @pl.when(c != 0)
    def _():
        out_ref[0] += o


def _combine_body(wmat_ref, tab_ref, y_ref):
    y_ref[...] = jax.lax.dot_general(wmat_ref[...], tab_ref[...],
                                     (((1,), (0,)), ((), ())),
                                     preferred_element_type=jnp.float32)


def kernel(x, Wg, W1, b1, W2, b2):
    B, T, D = x.shape
    S = B * T
    D_FF = W1.shape[1]
    tokens = x.reshape(S, D)
    nb = S // TB

    s1i, s2i, wg1, wg2, winners, loss = pl.pallas_call(
        _route_body,
        in_specs=[
            pl.BlockSpec((S, D), lambda: (0, 0)),
            pl.BlockSpec((N_EXP, D), lambda: (0, 0)),
        ],
        out_specs=[
            pl.BlockSpec((S, 1), lambda: (0, 0)),
            pl.BlockSpec((S, 1), lambda: (0, 0)),
            pl.BlockSpec((S, 1), lambda: (0, 0)),
            pl.BlockSpec((S, 1), lambda: (0, 0)),
            pl.BlockSpec((N_SLOTS, D), lambda: (0, 0)),
            pl.BlockSpec((1, 1), lambda: (0, 0)),
        ],
        out_shape=[
            jax.ShapeDtypeStruct((S, 1), jnp.int32),
            jax.ShapeDtypeStruct((S, 1), jnp.int32),
            jax.ShapeDtypeStruct((S, 1), jnp.float32),
            jax.ShapeDtypeStruct((S, 1), jnp.float32),
            jax.ShapeDtypeStruct((N_SLOTS, D), jnp.float32),
            jax.ShapeDtypeStruct((1, 1), jnp.float32),
        ],
    )(tokens, Wg)

    wmat = _wmat_sc_call(s1i.reshape(S), s2i.reshape(S),
                         wg1.reshape(S), wg2.reshape(S), S).reshape(S, N_SLOTS)

    nc = D_FF // FB
    table = pl.pallas_call(
        _ffn_body,
        grid=(N_EXP, nc),
        in_specs=[
            pl.BlockSpec((1, 2, D), lambda e, c: (e, 0, 0)),
            pl.BlockSpec((1, FB, D), lambda e, c: (e, c, 0)),
            pl.BlockSpec((1, 1, FB), lambda e, c: (e, 0, c)),
            pl.BlockSpec((1, D, FB), lambda e, c: (e, 0, c)),
            pl.BlockSpec((1, 1, D), lambda e, c: (e, 0, 0)),
        ],
        out_specs=pl.BlockSpec((1, 2, D), lambda e, c: (e, 0, 0)),
        out_shape=jax.ShapeDtypeStruct((N_EXP, 2, D), jnp.float32),
    )(winners.reshape(N_EXP, 2, D), W1, b1.reshape(N_EXP, 1, D_FF),
      W2, b2.reshape(N_EXP, 1, D))
    table = table.reshape(N_SLOTS, D)

    y = pl.pallas_call(
        _combine_body,
        grid=(nb,),
        in_specs=[
            pl.BlockSpec((TB, N_SLOTS), lambda i: (i, 0)),
            pl.BlockSpec((N_SLOTS, D), lambda i: (0, 0)),
        ],
        out_specs=pl.BlockSpec((TB, D), lambda i: (i, 0)),
        out_shape=jax.ShapeDtypeStruct((S, D), jnp.float32),
    )(wmat, table)

    return y.reshape(B, T, D), loss[0, 0]

# --- scband reference (transcript-rebuilt; emitter-appended) ---
"""Pipeline reference for scband-mo-elayer-distributed-optimized-67903432949842 (READ-ONLY COPY).

The authoritative reference and input builder live on the scoring server;
editing this copy changes nothing except your own understanding.
"""

import jax, jax.numpy as jnp
import numpy as np
import math

B = 2
T = 2048
D_MODEL = 1024
D_FF = 4096
N_EXPERTS = 16
K = 2
CAP_FACTOR = 1.25


def setup_inputs(seed: int = 0) -> dict:
    key = jax.random.key(seed)
    ks = jax.random.split(key, 6)
    x = jax.random.normal(ks[0], (B, T, D_MODEL), dtype=jnp.float32)
    Wg = jax.random.normal(ks[1], (N_EXPERTS, D_MODEL), dtype=jnp.float32) * (1.0 / math.sqrt(D_MODEL))
    W1 = jax.random.normal(ks[2], (N_EXPERTS, D_FF, D_MODEL), dtype=jnp.float32) * (1.0 / math.sqrt(D_MODEL))
    b1 = jnp.zeros((N_EXPERTS, D_FF), dtype=jnp.float32)
    W2 = jax.random.normal(ks[3], (N_EXPERTS, D_MODEL, D_FF), dtype=jnp.float32) * (1.0 / math.sqrt(D_FF))
    b2 = jnp.zeros((N_EXPERTS, D_MODEL), dtype=jnp.float32)
    return {"x": x, "Wg": Wg, "W1": W1, "b1": b1, "W2": W2, "b2": b2}


def _moe_forward(x, Wg, W1, b1, W2, b2):
    Bb, Tt, D = x.shape
    tokens = x.reshape(-1, D)
    S = tokens.shape[0]
    logits = tokens @ Wg.T
    probs = jax.nn.softmax(logits, axis=-1)
    topk_vals, topk_idx = jax.lax.top_k(probs, K)
    importance = probs.sum(axis=0)
    topk_onehot = jnp.zeros((S, N_EXPERTS), dtype=jnp.float32).at[jnp.arange(S)[:, None], topk_idx].set(1.0)
    load = topk_onehot.sum(axis=0)
    load_balance_loss = jnp.mean(importance * load) * (N_EXPERTS ** 2) / (S * S)
    capacity = int(math.ceil(S / N_EXPERTS * CAP_FACTOR))
    expert_idx_flat = topk_idx.reshape(-1)
    gate_vals_flat = topk_vals.reshape(-1)
    token_idx_flat = jnp.repeat(jnp.arange(S), K)
    # world_size == 1, rank == 0 -> every dispatch entry is local
    sorted_idx = jnp.argsort(expert_idx_flat)
    local_expert_idx = expert_idx_flat[sorted_idx]
    local_token_idx = token_idx_flat[sorted_idx]
    local_gate_vals = gate_vals_flat[sorted_idx]
    one_hot = jax.nn.one_hot(local_expert_idx, N_EXPERTS, dtype=jnp.float32)
    # faithful to the torch code: cumsum -> argmax -> -1, then clamp(max=capacity-1)
    positions = jnp.argmax(jnp.cumsum(one_hot, axis=0), axis=1) - 1
    positions = jnp.minimum(positions, capacity - 1)
    expert_input = jnp.zeros((N_EXPERTS, capacity, D), dtype=tokens.dtype)
    expert_input = expert_input.at[local_expert_idx, positions].set(tokens[local_token_idx])
    # expert FFNs (gelu, exact erf form to match torch F.gelu default)
    h = jnp.einsum('ecd,efd->ecf', expert_input, W1) + b1[:, None, :]
    h = jax.nn.gelu(h, approximate=False)
    expert_output = jnp.einsum('ecf,edf->ecd', h, W2) + b2[:, None, :]
    # all_to_all_single with world_size=1 is identity
    expert_output_full = expert_output
    gathered = expert_output_full[local_expert_idx, positions]
    combined = jnp.zeros((S, D), dtype=tokens.dtype).at[local_token_idx].add(gathered * local_gate_vals[:, None])
    weight_sums = jnp.zeros((S,), dtype=tokens.dtype).at[local_token_idx].add(local_gate_vals)
    safe = jnp.where(weight_sums > 0, weight_sums, 1.0)
    combined = jnp.where((weight_sums > 0)[:, None], combined / safe[:, None], combined)
    y = combined.reshape(Bb, Tt, D)
    return y, load_balance_loss


def reference(x, Wg, W1, b1, W2, b2):
    return _moe_forward(x, Wg, W1, b1, W2, b2)

if __name__ == "__main__":
    import jax
    _d = setup_inputs()
    print(jax.jit(kernel)(*tuple(_d.values())))

</pallas_src>

<mosaic_0001>
#map = affine_map<(d0, d1) -> (0)>
module attributes {stable_mosaic.version = 14 : i64} {
  func.func @_wmat_sc(%arg0: i32, %arg1: i32, %arg2: memref<4096xi32, #tpu.memory_space<hbm>>, %arg3: memref<4096xi32, #tpu.memory_space<hbm>>, %arg4: memref<4096xf32, #tpu.memory_space<hbm>>, %arg5: memref<4096xf32, #tpu.memory_space<hbm>>, %arg6: memref<131072xf32, #tpu.memory_space<hbm>>, %arg7: memref<128xi32, #tpu.memory_space<vmem>>, %arg8: memref<128xi32, #tpu.memory_space<vmem>>, %arg9: memref<128xf32, #tpu.memory_space<vmem>>, %arg10: memref<128xf32, #tpu.memory_space<vmem>>, %arg11: memref<256xi32, #tpu.memory_space<vmem>>, %arg12: memref<256xf32, #tpu.memory_space<vmem>>, %arg13: memref<4096xf32, #tpu.memory_space<vmem>>, %arg14: memref<!tpu.dma_semaphore, #tpu.memory_space<semaphore_mem>>) attributes {dimension_semantics = [#tpu.dimension_semantics<core_parallel>, #tpu.dimension_semantics<subcore_parallel>], iteration_bounds = array<i64: 2, 16>, scalar_prefetch = 0 : i64, scratch_operands = 8 : i64, tpu.core_type = #tpu.core_type<sc_vector_subcore>, window_params = [{transform_indices = #map}, {transform_indices = #map}, {transform_indices = #map}, {transform_indices = #map}, {transform_indices = #map}]} {
    %mul3A = arith.constant 2 : i32
    %mul3A_0 = arith.muli %arg1, %mul3A : i32
    %add3A = arith.addi %mul3A_0, %arg0 : i32
    %mul3A_1 = arith.constant 128 : i32
    %mul3A_2 = arith.muli %add3A, %mul3A_1 : i32
    "tpu.region"() ({
      %run_scoped3A = tpu.sem_alloc : memref<!tpu.dma_semaphore, #tpu.memory_space<semaphore_mem>>
      %dma_start3A_1326 = tpu.memref_slice %arg2[%mul3A_2] : memref<4096xi32, #tpu.memory_space<hbm>> -> memref<128xi32, #tpu.memory_space<hbm>>
      %dma_start3A_1327 = tpu.memref_slice %arg2[%mul3A_2] : memref<4096xi32, #tpu.memory_space<hbm>> -> memref<128xi32, #tpu.memory_space<hbm>>
      tpu.enqueue_dma source(%dma_start3A_1327 : memref<128xi32, #tpu.memory_space<hbm>>) target(%arg7 : memref<128xi32, #tpu.memory_space<vmem>>) target_semaphore(%run_scoped3A : memref<!tpu.dma_semaphore, #tpu.memory_space<semaphore_mem>>)
      %dma_wait3A_1328 = tpu.memref_slice %arg2[%mul3A_2] : memref<4096xi32, #tpu.memory_space<hbm>> -> memref<128xi32, #tpu.memory_space<hbm>>
      %dma_wait3A_1329 = tpu.memref_slice %arg2[%mul3A_2] : memref<4096xi32, #tpu.memory_space<hbm>> -> memref<128xi32, #tpu.memory_space<hbm>>
      tpu.wait_dma2 semaphore(%run_scoped3A : memref<!tpu.dma_semaphore, #tpu.memory_space<semaphore_mem>>) src(%dma_wait3A_1329 : memref<128xi32, #tpu.memory_space<hbm>>) dst(%arg7 : memref<128xi32, #tpu.memory_space<vmem>>)
      tpu.yield
    }) : () -> ()
    "tpu.region"() ({
      %run_scoped3A = tpu.sem_alloc : memref<!tpu.dma_semaphore, #tpu.memory_space<semaphore_mem>>
      %dma_start3A_1326 = tpu.memref_slice %arg3[%mul3A_2] : memref<4096xi32, #tpu.memory_space<hbm>> -> memref<128xi32, #tpu.memory_space<hbm>>
      %dma_start3A_1327 = tpu.memref_slice %arg3[%mul3A_2] : memref<4096xi32, #tpu.memory_space<hbm>> -> memref<128xi32, #tpu.memory_space<hbm>>
      tpu.enqueue_dma source(%dma_start3A_1327 : memref<128xi32, #tpu.memory_space<hbm>>) target(%arg8 : memref<128xi32, #tpu.memory_space<vmem>>) target_semaphore(%run_scoped3A : memref<!tpu.dma_semaphore, #tpu.memory_space<semaphore_mem>>)
      %dma_wait3A_1328 = tpu.memref_slice %arg3[%mul3A_2] : memref<4096xi32, #tpu.memory_space<hbm>> -> memref<128xi32, #tpu.memory_space<hbm>>
      %dma_wait3A_1329 = tpu.memref_slice %arg3[%mul3A_2] : memref<4096xi32, #tpu.memory_space<hbm>> -> memref<128xi32, #tpu.memory_space<hbm>>
      tpu.wait_dma2 semaphore(%run_scoped3A : memref<!tpu.dma_semaphore, #tpu.memory_space<semaphore_mem>>) src(%dma_wait3A_1329 : memref<128xi32, #tpu.memory_space<hbm>>) dst(%arg8 : memref<128xi32, #tpu.memory_space<vmem>>)
      tpu.yield
    }) : () -> ()
    "tpu.region"() ({
      %run_scoped3A = tpu.sem_alloc : memref<!tpu.dma_semaphore, #tpu.memory_space<semaphore_mem>>
      %dma_start3A_1326 = tpu.memref_slice %arg4[%mul3A_2] : memref<4096xf32, #tpu.memory_space<hbm>> -> memref<128xf32, #tpu.memory_space<hbm>>
      %dma_start3A_1327 = tpu.memref_slice %arg4[%mul3A_2] : memref<4096xf32, #tpu.memory_space<hbm>> -> memref<128xf32, #tpu.memory_space<hbm>>
      tpu.enqueue_dma source(%dma_start3A_1327 : memref<128xf32, #tpu.memory_space<hbm>>) target(%arg9 : memref<128xf32, #tpu.memory_space<vmem>>) target_semaphore(%run_scoped3A : memref<!tpu.dma_semaphore, #tpu.memory_space<semaphore_mem>>)
      %dma_wait3A_1328 = tpu.memref_slice %arg4[%mul3A_2] : memref<4096xf32, #tpu.memory_space<hbm>> -> memref<128xf32, #tpu.memory_space<hbm>>
      %dma_wait3A_1329 = tpu.memref_slice %arg4[%mul3A_2] : memref<4096xf32, #tpu.memory_space<hbm>> -> memref<128xf32, #tpu.memory_space<hbm>>
      tpu.wait_dma2 semaphore(%run_scoped3A : memref<!tpu.dma_semaphore, #tpu.memory_space<semaphore_mem>>) src(%dma_wait3A_1329 : memref<128xf32, #tpu.memory_space<hbm>>) dst(%arg9 : memref<128xf32, #tpu.memory_space<vmem>>)
      tpu.yield
    }) : () -> ()
    "tpu.region"() ({
      %run_scoped3A = tpu.sem_alloc : memref<!tpu.dma_semaphore, #tpu.memory_space<semaphore_mem>>
      %dma_start3A_1326 = tpu.memref_slice %arg5[%mul3A_2] : memref<4096xf32, #tpu.memory_space<hbm>> -> memref<128xf32, #tpu.memory_space<hbm>>
      %dma_start3A_1327 = tpu.memref_slice %arg5[%mul3A_2] : memref<4096xf32, #tpu.memory_space<hbm>> -> memref<128xf32, #tpu.memory_space<hbm>>
      tpu.enqueue_dma source(%dma_start3A_1327 : memref<128xf32, #tpu.memory_space<hbm>>) target(%arg10 : memref<128xf32, #tpu.memory_space<vmem>>) target_semaphore(%run_scoped3A : memref<!tpu.dma_semaphore, #tpu.memory_space<semaphore_mem>>)
      %dma_wait3A_1328 = tpu.memref_slice %arg5[%mul3A_2] : memref<4096xf32, #tpu.memory_space<hbm>> -> memref<128xf32, #tpu.memory_space<hbm>>
      %dma_wait3A_1329 = tpu.memref_slice %arg5[%mul3A_2] : memref<4096xf32, #tpu.memory_space<hbm>> -> memref<128xf32, #tpu.memory_space<hbm>>
      tpu.wait_dma2 semaphore(%run_scoped3A : memref<!tpu.dma_semaphore, #tpu.memory_space<semaphore_mem>>) src(%dma_wait3A_1329 : memref<128xf32, #tpu.memory_space<hbm>>) dst(%arg10 : memref<128xf32, #tpu.memory_space<vmem>>)
      tpu.yield
    }) : () -> ()
    %broadcast_in_dim3A = arith.constant 0.000000e+00 : f32
    %broadcast_in_dim3A_3 = vector.broadcast %broadcast_in_dim3A : f32 to vector<16xf32>
    %swap3A = arith.constant 0 : index
    %swap3A_4 = tpu.vector_load %arg13[%swap3A] {strides = array<i32>} : memref<4096xf32, #tpu.memory_space<vmem>>, vector<16xf32>,
    %swap3A_5 = vector.shape_cast %swap3A_4 : vector<16xf32> to vector<16xf32>
    %swap3A_6 = vector.shape_cast %broadcast_in_dim3A_3 : vector<16xf32> to vector<16xf32>
    tpu.vector_store %arg13[%swap3A], %swap3A_6 {strides = array<i32>} : memref<4096xf32, #tpu.memory_space<vmem>>, vector<16xf32>,
    %swap3A_7 = arith.constant 16 : index
    %swap3A_8 = tpu.vector_load %arg13[%swap3A_7] {strides = array<i32>} : memref<4096xf32, #tpu.memory_space<vmem>>, vector<16xf32>,
    %swap3A_9 = vector.shape_cast %swap3A_8 : vector<16xf32> to vector<16xf32>
    %swap3A_10 = vector.shape_cast %broadcast_in_dim3A_3 : vector<16xf32> to vector<16xf32>
    tpu.vector_store %arg13[%swap3A_7], %swap3A_10 {strides = array<i32>} : memref<4096xf32, #tpu.memory_space<vmem>>, vector<16xf32>,
    %swap3A_11 = arith.constant 32 : index
    %swap3A_12 = tpu.vector_load %arg13[%swap3A_11] {strides = array<i32>} : memref<4096xf32, #tpu.memory_space<vmem>>, vector<16xf32>,
    %swap3A_13 = vector.shape_cast %swap3A_12 : vector<16xf32> to vector<16xf32>
    %swap3A_14 = vector.shape_cast %broadcast_in_dim3A_3 : vector<16xf32> to vector<16xf32>
    tpu.vector_store %arg13[%swap3A_11], %swap3A_14 {strides = array<i32>} : memref<4096xf32, #tpu.memory_space<vmem>>, vector<16xf32>,
    %swap3A_15 = arith.constant 48 : index
    %swap3A_16 = tpu.vector_load %arg13[%swap3A_15] {strides = array<i32>} : memref<4096xf32, #tpu.memory_space<vmem>>, vector<16xf32>,
    %swap3A_17 = vector.shape_cast %swap3A_16 : vector<16xf32> to vector<16xf32>
    %swap3A_18 = vector.shape_cast %broadcast_in_dim3A_3 : vector<16xf32> to vector<16xf32>
    tpu.vector_store %arg13[%swap3A_15], %swap3A_18 {strides = array<i32>} : memref<4096xf32, #tpu.memory_space<vmem>>, vector<16xf32>,
    %swap3A_19 = arith.constant 64 : index
    %swap3A_20 = tpu.vector_load %arg13[%swap3A_19] {strides = array<i32>} : memref<4096xf32, #tpu.memory_space<vmem>>, vector<16xf32>,
    %swap3A_21 = vector.shape_cast %swap3A_20 : vector<16xf32> to vector<16xf32>
    %swap3A_22 = vector.shape_cast %broadcast_in_dim3A_3 : vector<16xf32> to vector<16xf32>
    tpu.vector_store %arg13[%swap3A_19], %swap3A_22 {strides = array<i32>} : memref<4096xf32, #tpu.memory_space<vmem>>, vector<16xf32>,
    %swap3A_23 = arith.constant 80 : index
    %swap3A_24 = tpu.vector_load %arg13[%swap3A_23] {strides = array<i32>} : memref<4096xf32, #tpu.memory_space<vmem>>, vector<16xf32>,
    %swap3A_25 = vector.shape_cast %swap3A_24 : vector<16xf32> to vector<16xf32>
    %swap3A_26 = vector.shape_cast %broadcast_in_dim3A_3 : vector<16xf32> to vector<16xf32>
    tpu.vector_store %arg13[%swap3A_23], %swap3A_26 {strides = array<i32>} : memref<4096xf32, #tpu.memory_space<vmem>>, vector<16xf32>,
    %swap3A_27 = arith.constant 96 : index
    %swap3A_28 = tpu.vector_load %arg13[%swap3A_27] {strides = array<i32>} : memref<4096xf32, #tpu.memory_space<vmem>>, vector<16xf32>,
    %swap3A_29 = vector.shape_cast %swap3A_28 : vector<16xf32> to vector<16xf32>
    %swap3A_30 = vector.shape_cast %broadcast_in_dim3A_3 : vector<16xf32> to vector<16xf32>
    tpu.vector_store %arg13[%swap3A_27], %swap3A_30 {strides = array<i32>} : memref<4096xf32, #tpu.memory_space<vmem>>, vector<16xf32>,
    %swap3A_31 = arith.constant 112 : index
    %swap3A_32 = tpu.vector_load %arg13[%swap3A_31] {strides = array<i32>} : memref<4096xf32, #tpu.memory_space<vmem>>, vector<16xf32>,
    %swap3A_33 = vector.shape_cast %swap3A_32 : vector<16xf32> to vector<16xf32>
    %swap3A_34 = vector.shape_cast %broadcast_in_dim3A_3 : vector<16xf32> to vector<16xf32>
    tpu.vector_store %arg13[%swap3A_31], %swap3A_34 {strides = array<i32>} : memref<4096xf32, #tpu.memory_space<vmem>>, vector<16xf32>,
    %swap3A_35 = arith.constant 128 : index
    %swap3A_36 = tpu.vector_load %arg13[%swap3A_35] {strides = array<i32>} : memref<4096xf32, #tpu.memory_space<vmem>>, vector<16xf32>,
    %swap3A_37 = vector.shape_cast %swap3A_36 : vector<16xf32> to vector<16xf32>
    %swap3A_38 = vector.shape_cast %broadcast_in_dim3A_3 : vector<16xf32> to vector<16xf32>
    tpu.vector_store %arg13[%swap3A_35], %swap3A_38 {strides = array<i32>} : memref<4096xf32, #tpu.memory_space<vmem>>, vector<16xf32>,
    %swap3A_39 = arith.constant 144 : index
    %swap3A_40 = tpu.vector_load %arg13[%swap3A_39] {strides = array<i32>} : memref<4096xf32, #tpu.memory_space<vmem>>, vector<16xf32>,
    %swap3A_41 = vector.shape_cast %swap3A_40 : vector<16xf32> to vector<16xf32>
    %swap3A_42 = vector.shape_cast %broadcast_in_dim3A_3 : vector<16xf32> to vector<16xf32>
    tpu.vector_store %arg13[%swap3A_39], %swap3A_42 {strides = array<i32>} : memref<4096xf32, #tpu.memory_space<vmem>>, vector<16xf32>,
    %swap3A_43 = arith.constant 160 : index
    %swap3A_44 = tpu.vector_load %arg13[%swap3A_43] {strides = array<i32>} : memref<4096xf32, #tpu.memory_space<vmem>>, vector<16xf32>,
    %swap3A_45 = vector.shape_cast %swap3A_44 : vector<16xf32> to vector<16xf32>
    %swap3A_46 = vector.shape_cast %broadcast_in_dim3A_3 : vector<16xf32> to vector<16xf32>
    tpu.vector_store %arg13[%swap3A_43], %swap3A_46 {strides = array<i32>} : memref<4096xf32, #tpu.memory_space<vmem>>, vector<16xf32>,
    %swap3A_47 = arith.constant 176 : index
    %swap3A_48 = tpu.vector_load %arg13[%swap3A_47] {strides = array<i32>} : memref<4096xf32, #tpu.memory_space<vmem>>, vector<16xf32>,
    %swap3A_49 = vector.shape_cast %swap3A_48 : vector<16xf32> to vector<16xf32>
    %swap3A_50 = vector.shape_cast %broadcast_in_dim3A_3 : vector<16xf32> to vector<16xf32>
    tpu.vector_store %arg13[%swap3A_47], %swap3A_50 {strides = array<i32>} : memref<4096xf32, #tpu.memory_space<vmem>>, vector<16xf32>,
    %swap3A_51 = arith.constant 192 : index
    %swap3A_52 = tpu.vector_load %arg13[%swap3A_51] {strides = array<i32>} : memref<4096xf32, #tpu.memory_space<vmem>>, vector<16xf32>,
    %swap3A_53 = vector.shape_cast %swap3A_52 : vector<16xf32> to vector<16xf32>
    %swap3A_54 = vector.shape_cast %broadcast_in_dim3A_3 : vector<16xf32> to vector<16xf32>
    tpu.vector_store %arg13[%swap3A_51], %swap3A_54 {strides = array<i32>} : memref<4096xf32, #tpu.memory_space<vmem>>, vector<16xf32>,
    %swap3A_55 = arith.constant 208 : index
    %swap3A_56 = tpu.vector_load %arg13[%swap3A_55] {strides = array<i32>} : memref<4096xf32, #tpu.memory_space<vmem>>, vector<16xf32>,
    %swap3A_57 = vector.shape_cast %swap3A_56 : vector<16xf32> to vector<16xf32>
    %swap3A_58 = vector.shape_cast %broadcast_in_dim3A_3 : vector<16xf32> to vector<16xf32>
    tpu.vector_store %arg13[%swap3A_55], %swap3A_58 {strides = array<i32>} : memref<4096xf32, #tpu.memory_space<vmem>>, vector<16xf32>,
    %swap3A_59 = arith.constant 224 : index
    %swap3A_60 = tpu.vector_load %arg13[%swap3A_59] {strides = array<i32>} : memref<4096xf32, #tpu.memory_space<vmem>>, vector<16xf32>,
    %swap3A_61 = vector.shape_cast %swap3A_60 : vector<16xf32> to vector<16xf32>
    %swap3A_62 = vector.shape_cast %broadcast_in_dim3A_3 : vector<16xf32> to vector<16xf32>
    tpu.vector_store %arg13[%swap3A_59], %swap3A_62 {strides = array<i32>} : memref<4096xf32, #tpu.memory_space<vmem>>, vector<16xf32>,
    %swap3A_63 = arith.constant 240 : index
    %swap3A_64 = tpu.vector_load %arg13[%swap3A_63] {strides = array<i32>} : memref<4096xf32, #tpu.memory_space<vmem>>, vector<16xf32>,
    %swap3A_65 = vector.shape_cast %swap3A_64 : vector<16xf32> to vector<16xf32>
    %swap3A_66 = vector.shape_cast %broadcast_in_dim3A_3 : vector<16xf32> to vector<16xf32>
    tpu.vector_store %arg13[%swap3A_63], %swap3A_66 {strides = array<i32>} : memref<4096xf32, #tpu.memory_space<vmem>>, vector<16xf32>,
    %swap3A_67 = arith.constant 256 : index
    %swap3A_68 = tpu.vector_load %arg13[%swap3A_67] {strides = array<i32>} : memref<4096xf32, #tpu.memory_space<vmem>>, vector<16xf32>,
    %swap3A_69 = vector.shape_cast %swap3A_68 : vector<16xf32> to vector<16xf32>
    %swap3A_70 = vector.shape_cast %broadcast_in_dim3A_3 : vector<16xf32> to vector<16xf32>
    tpu.vector_store %arg13[%swap3A_67], %swap3A_70 {strides = array<i32>} : memref<4096xf32, #tpu.memory_space<vmem>>, vector<16xf32>,
    %swap3A_71 = arith.constant 272 : index
    %swap3A_72 = tpu.vector_load %arg13[%swap3A_71] {strides = array<i32>} : memref<4096xf32, #tpu.memory_space<vmem>>, vector<16xf32>,
    %swap3A_73 = vector.shape_cast %swap3A_72 : vector<16xf32> to vector<16xf32>
    %swap3A_74 = vector.shape_cast %broadcast_in_dim3A_3 : vector<16xf32> to vector<16xf32>
    tpu.vector_store %arg13[%swap3A_71], %swap3A_74 {strides = array<i32>} : memref<4096xf32, #tpu.memory_space<vmem>>, vector<16xf32>,
    %swap3A_75 = arith.constant 288 : index
    %swap3A_76 = tpu.vector_load %arg13[%swap3A_75] {strides = array<i32>} : memref<4096xf32, #tpu.memory_space<vmem>>, vector<16xf32>,
    %swap3A_77 = vector.shape_cast %swap3A_76 : vector<16xf32> to vector<16xf32>
    %swap3A_78 = vector.shape_cast %broadcast_in_dim3A_3 : vector<16xf32> to vector<16xf32>
    tpu.vector_store %arg13[%swap3A_75], %swap3A_78 {strides = array<i32>} : memref<4096xf32, #tpu.memory_space<vmem>>, vector<16xf32>,
    %swap3A_79 = arith.constant 304 : index
    %swap3A_80 = tpu.vector_load %arg13[%swap3A_79] {strides = array<i32>} : memref<4096xf32, #tpu.memory_space<vmem>>, vector<16xf32>,
    %swap3A_81 = vector.shape_cast %swap3A_80 : vector<16xf32> to vector<16xf32>
    %swap3A_82 = vector.shape_cast %broadcast_in_dim3A_3 : vector<16xf32> to vector<16xf32>
    tpu.vector_store %arg13[%swap3A_79], %swap3A_82 {strides = array<i32>} : memref<4096xf32, #tpu.memory_space<vmem>>, vector<16xf32>,
    %swap3A_83 = arith.constant 320 : index
    %swap3A_84 = tpu.vector_load %arg13[%swap3A_83] {strides = array<i32>} : memref<4096xf32, #tpu.memory_space<vmem>>, vector<16xf32>,
    %swap3A_85 = vector.shape_cast %swap3A_84 : vector<16xf32> to vector<16xf32>
    %swap3A_86 = vector.shape_cast %broadcast_in_dim3A_3 : vector<16xf32> to vector<16xf32>
    tpu.vector_store %arg13[%swap3A_83], %swap3A_86 {strides = array<i32>} : memref<4096xf32, #tpu.memory_space<vmem>>, vector<16xf32>,
    %swap3A_87 = arith.constant 336 : index
    %swap3A_88 = tpu.vector_load %arg13[%swap3A_87] {strides = array<i32>} : memref<4096xf32, #tpu.memory_space<vmem>>, vector<16xf32>,
    %swap3A_89 = vector.shape_cast %swap3A_88 : vector<16xf32> to vector<16xf32>
    %swap3A_90 = vector.shape_cast %broadcast_in_dim3A_3 : vector<16xf32> to vector<16xf32>
    tpu.vector_store %arg13[%swap3A_87], %swap3A_90 {strides = array<i32>} : memref<4096xf32, #tpu.memory_space<vmem>>, vector<16xf32>,
    %swap3A_91 = arith.constant 352 : index
    %swap3A_92 = tpu.vector_load %arg13[%swap3A_91] {strides = array<i32>} : memref<4096xf32, #tpu.memory_space<vmem>>, vector<16xf32>,
    %swap3A_93 = vector.shape_cast %swap3A_92 : vector<16xf32> to vector<16xf32>
    %swap3A_94 = vector.shape_cast %broadcast_in_dim3A_3 : vector<16xf32> to vector<16xf32>
    tpu.vector_store %arg13[%swap3A_91], %swap3A_94 {strides = array<i32>} : memref<4096xf32, #tpu.memory_space<vmem>>, vector<16xf32>,
    %swap3A_95 = arith.constant 368 : index
    %swap3A_96 = tpu.vector_load %arg13[%swap3A_95] {strides = array<i32>} : memref<4096xf32, #tpu.memory_space<vmem>>, vector<16xf32>,
    %swap3A_97 = vector.shape_cast %swap3A_96 : vector<16xf32> to vector<16xf32>
    %swap3A_98 = vector.shape_cast %broadcast_in_dim3A_3 : vector<16xf32> to vector<16xf32>
    tpu.vector_store %arg13[%swap3A_95], %swap3A_98 {strides = array<i32>} : memref<4096xf32, #tpu.memory_space<vmem>>, vector<16xf32>,
    %swap3A_99 = arith.constant 384 : index
    %swap3A_100 = tpu.vector_load %arg13[%swap3A_99] {strides = array<i32>} : memref<4096xf32, #tpu.memory_space<vmem>>, vector<16xf32>,
    %swap3A_101 = vector.shape_cast %swap3A_100 : vector<16xf32> to vector<16xf32>
    %swap3A_102 = vector.shape_cast %broadcast_in_dim3A_3 : vector<16xf32> to vector<16xf32>
    tpu.vector_store %arg13[%swap3A_99], %swap3A_102 {strides = array<i32>} : memref<4096xf32, #tpu.memory_space<vmem>>, vector<16xf32>,
    %swap3A_103 = arith.constant 400 : index
    %swap3A_104 = tpu.vector_load %arg13[%swap3A_103] {strides = array<i32>} : memref<4096xf32, #tpu.memory_space<vmem>>, vector<16xf32>,
    %swap3A_105 = vector.shape_cast %swap3A_104 : vector<16xf32> to vector<16xf32>
    %swap3A_106 = vector.shape_cast %broadcast_in_dim3A_3 : vector<16xf32> to vector<16xf32>
    tpu.vector_store %arg13[%swap3A_103], %swap3A_106 {strides = array<i32>} : memref<4096xf32, #tpu.memory_space<vmem>>, vector<16xf32>,
    %swap3A_107 = arith.constant 416 : index
    %swap3A_108 = tpu.vector_load %arg13[%swap3A_107] {strides = array<i32>} : memref<4096xf32, #tpu.memory_space<vmem>>, vector<16xf32>,
    %swap3A_109 = vector.shape_cast %swap3A_108 : vector<16xf32> to vector<16xf32>
    %swap3A_110 = vector.shape_cast %broadcast_in_dim3A_3 : vector<16xf32> to vector<16xf32>
    tpu.vector_store %arg13[%swap3A_107], %swap3A_110 {strides = array<i32>} : memref<4096xf32, #tpu.memory_space<vmem>>, vector<16xf32>,
    %swap3A_111 = arith.constant 432 : index
    %swap3A_112 = tpu.vector_load %arg13[%swap3A_111] {strides = array<i32>} : memref<4096xf32, #tpu.memory_space<vmem>>, vector<16xf32>,
    %swap3A_113 = vector.shape_cast %swap3A_112 : vector<16xf32> to vector<16xf32>
    %swap3A_114 = vector.shape_cast %broadcast_in_dim3A_3 : vector<16xf32> to vector<16xf32>
    tpu.vector_store %arg13[%swap3A_111], %swap3A_114 {strides = array<i32>} : memref<4096xf32, #tpu.memory_space<vmem>>, vector<16xf32>,
    %swap3A_115 = arith.constant 448 : index
    %swap3A_116 = tpu.vector_load %arg13[%swap3A_115] {strides = array<i32>} : memref<4096xf32, #tpu.memory_space<vmem>>, vector<16xf32>,
    %swap3A_117 = vector.shape_cast %swap3A_116 : vector<16xf32> to vector<16xf32>
    %swap3A_118 = vector.shape_cast %broadcast_in_dim3A_3 : vector<16xf32> to vector<16xf32>
    tpu.vector_store %arg13[%swap3A_115], %swap3A_118 {strides = array<i32>} : memref<4096xf32, #tpu.memory_space<vmem>>, vector<16xf32>,
    %swap3A_119 = arith.constant 464 : index
    %swap3A_120 = tpu.vector_load %arg13[%swap3A_119] {strides = array<i32>} : memref<4096xf32, #tpu.memory_space<vmem>>, vector<16xf32>,
    %swap3A_121 = vector.shape_cast %swap3A_120 : vector<16xf32> to vector<16xf32>
    %swap3A_122 = vector.shape_cast %broadcast_in_dim3A_3 : vector<16xf32> to vector<16xf32>
    tpu.vector_store %arg13[%swap3A_119], %swap3A_122 {strides = array<i32>} : memref<4096xf32, #tpu.memory_space<vmem>>, vector<16xf32>,
    %swap3A_123 = arith.constant 480 : index
    %swap3A_124 = tpu.vector_load %arg13[%swap3A_123] {strides = array<i32>} : memref<4096xf32, #tpu.memory_space<vmem>>, vector<16xf32>,
    %swap3A_125 = vector.shape_cast %swap3A_124 : vector<16xf32> to vector<16xf32>
    %swap3A_126 = vector.shape_cast %broadcast_in_dim3A_3 : vector<16xf32> to vector<16xf32>
    tpu.vector_store %arg13[%swap3A_123], %swap3A_126 {strides = array<i32>} : memref<4096xf32, #tpu.memory_space<vmem>>, vector<16xf32>,
    %swap3A_127 = arith.constant 496 : index
    %swap3A_128 = tpu.vector_load %arg13[%swap3A_127] {strides = array<i32>} : memref<4096xf32, #tpu.memory_space<vmem>>, vector<16xf32>,
    %swap3A_129 = vector.shape_cast %swap3A_128 : vector<16xf32> to vector<16xf32>
    %swap3A_130 = vector.shape_cast %broadcast_in_dim3A_3 : vector<16xf32> to vector<16xf32>
    tpu.vector_store %arg13[%swap3A_127], %swap3A_130 {strides = array<i32>} : memref<4096xf32, #tpu.memory_space<vmem>>, vector<16xf32>,
    %swap3A_131 = arith.constant 512 : index
    %swap3A_132 = tpu.vector_load %arg13[%swap3A_131] {strides = array<i32>} : memref<4096xf32, #tpu.memory_space<vmem>>, vector<16xf32>,
    %swap3A_133 = vector.shape_cast %swap3A_132 : vector<16xf32> to vector<16xf32>
    %swap3A_134 = vector.shape_cast %broadcast_in_dim3A_3 : vector<16xf32> to vector<16xf32>
    tpu.vector_store %arg13[%swap3A_131], %swap3A_134 {strides = array<i32>} : memref<4096xf32, #tpu.memory_space<vmem>>, vector<16xf32>,
    %swap3A_135 = arith.constant 528 : index
    %swap3A_136 = tpu.vector_load %arg13[%swap3A_135] {strides = array<i32>} : memref<4096xf32, #tpu.memory_space<vmem>>, vector<16xf32>,
    %swap3A_137 = vector.shape_cast %swap3A_136 : vector<16xf32> to vector<16xf32>
    %swap3A_138 = vector.shape_cast %broadcast_in_dim3A_3 : vector<16xf32> to vector<16xf32>
    tpu.vector_store %arg13[%swap3A_135], %swap3A_138 {strides = array<i32>} : memref<4096xf32, #tpu.memory_space<vmem>>, vector<16xf32>,
    %swap3A_139 = arith.constant 544 : index
    %swap3A_140 = tpu.vector_load %arg13[%swap3A_139] {strides = array<i32>} : memref<4096xf32, #tpu.memory_space<vmem>>, vector<16xf32>,
    %swap3A_141 = vector.shape_cast %swap3A_140 : vector<16xf32> to vector<16xf32>
    %swap3A_142 = vector.shape_cast %broadcast_in_dim3A_3 : vector<16xf32> to vector<16xf32>
    tpu.vector_store %arg13[%swap3A_139], %swap3A_142 {strides = array<i32>} : memref<4096xf32, #tpu.memory_space<vmem>>, vector<16xf32>,
    %swap3A_143 = arith.constant 560 : index
    %swap3A_144 = tpu.vector_load %arg13[%swap3A_143] {strides = array<i32>} : memref<4096xf32, #tpu.memory_space<vmem>>, vector<16xf32>,
    %swap3A_145 = vector.shape_cast %swap3A_144 : vector<16xf32> to vector<16xf32>
    %swap3A_146 = vector.shape_cast %broadcast_in_dim3A_3 : vector<16xf32> to vector<16xf32>
    tpu.vector_store %arg13[%swap3A_143], %swap3A_146 {strides = array<i32>} : memref<4096xf32, #tpu.memory_space<vmem>>, vector<16xf32>,
    %swap3A_147 = arith.constant 576 : index
    %swap3A_148 = tpu.vector_load %arg13[%swap3A_147] {strides = array<i32>} : memref<4096xf32, #tpu.memory_space<vmem>>, vector<16xf32>,
    %swap3A_149 = vector.shape_cast %swap3A_148 : vector<16xf32> to vector<16xf32>
    %swap3A_150 = vector.shape_cast %broadcast_in_dim3A_3 : vector<16xf32> to vector<16xf32>
    tpu.vector_store %arg13[%swap3A_147], %swap3A_150 {strides = array<i32>} : memref<4096xf32, #tpu.memory_space<vmem>>, vector<16xf32>,
    %swap3A_151 = arith.constant 592 : index
    %swap3A_152 = tpu.vector_load %arg13[%swap3A_151] {strides = array<i32>} : memref<4096xf32, #tpu.memory_space<vmem>>, vector<16xf32>,
    %swap3A_153 = vector.shape_cast %swap3A_152 : vector<16xf32> to vector<16xf32>
    %swap3A_154 = vector.shape_cast %broadcast_in_dim3A_3 : vector<16xf32> to vector<16xf32>
    tpu.vector_store %arg13[%swap3A_151], %swap3A_154 {strides = array<i32>} : memref<4096xf32, #tpu.memory_space<vmem>>, vector<16xf32>,
    %swap3A_155 = arith.constant 608 : index
    %swap3A_156 = tpu.vector_load %arg13[%swap3A_155] {strides = array<i32>} : memref<4096xf32, #tpu.memory_space<vmem>>, vector<16xf32>,
    %swap3A_157 = vector.shape_cast %swap3A_156 : vector<16xf32> to vector<16xf32>
    %swap3A_158 = vector.shape_cast %broadcast_in_dim3A_3 : vector<16xf32> to vector<16xf32>
    tpu.vector_store %arg13[%swap3A_155], %swap3A_158 {strides = array<i32>} : memref<4096xf32, #tpu.memory_space<vmem>>, vector<16xf32>,
    %swap3A_159 = arith.constant 624 : index
    %swap3A_160 = tpu.vector_load %arg13[%swap3A_159] {strides = array<i32>} : memref<4096xf32, #tpu.memory_space<vmem>>, vector<16xf32>,
    %swap3A_161 = vector.shape_cast %swap3A_160 : vector<16xf32> to vector<16xf32>
    %swap3A_162 = vector.shape_cast %broadcast_in_dim3A_3 : vector<16xf32> to vector<16xf32>
    tpu.vector_store %arg13[%swap3A_159], %swap3A_162 {strides = array<i32>} : memref<4096xf32, #tpu.memory_space<vmem>>, vector<16xf32>,
    %swap3A_163 = arith.constant 640 : index
    %swap3A_164 = tpu.vector_load %arg13[%swap3A_163] {strides = array<i32>} : memref<4096xf32, #tpu.memory_space<vmem>>, vector<16xf32>,
    %swap3A_165 = vector.shape_cast %swap3A_164 : vector<16xf32> to vector<16xf32>
    %swap3A_166 = vector.shape_cast %broadcast_in_dim3A_3 : vector<16xf32> to vector<16xf32>
    tpu.vector_store %arg13[%swap3A_163], %swap3A_166 {strides = array<i32>} : memref<4096xf32, #tpu.memory_space<vmem>>, vector<16xf32>,
    %swap3A_167 = arith.constant 656 : index
    %swap3A_168 = tpu.vector_load %arg13[%swap3A_167] {strides = array<i32>} : memref<4096xf32, #tpu.memory_space<vmem>>, vector<16xf32>,
    %swap3A_169 = vector.shape_cast %swap3A_168 : vector<16xf32> to vector<16xf32>
    %swap3A_170 = vector.shape_cast %broadcast_in_dim3A_3 : vector<16xf32> to vector<16xf32>
    tpu.vector_store %arg13[%swap3A_167], %swap3A_170 {strides = array<i32>} : memref<4096xf32, #tpu.memory_space<vmem>>, vector<16xf32>,
    %swap3A_171 = arith.constant 672 : index
    %swap3A_172 = tpu.vector_load %arg13[%swap3A_171] {strides = array<i32>} : memref<4096xf32, #tpu.memory_space<vmem>>, vector<16xf32>,
    %swap3A_173 = vector.shape_cast %swap3A_172 : vector<16xf32> to vector<16xf32>
    %swap3A_174 = vector.shape_cast %broadcast_in_dim3A_3 : vector<16xf32> to vector<16xf32>
    tpu.vector_store %arg13[%swap3A_171], %swap3A_174 {strides = array<i32>} : memref<4096xf32, #tpu.memory_space<vmem>>, vector<16xf32>,
    %swap3A_175 = arith.constant 688 : index
    %swap3A_176 = tpu.vector_load %arg13[%swap3A_175] {strides = array<i32>} : memref<4096xf32, #tpu.memory_space<vmem>>, vector<16xf32>,
    %swap3A_177 = vector.shape_cast %swap3A_176 : vector<16xf32> to vector<16xf32>
    %swap3A_178 = vector.shape_cast %broadcast_in_dim3A_3 : vector<16xf32> to vector<16xf32>
    tpu.vector_store %arg13[%swap3A_175], %swap3A_178 {strides = array<i32>} : memref<4096xf32, #tpu.memory_space<vmem>>, vector<16xf32>,
    %swap3A_179 = arith.constant 704 : index
    %swap3A_180 = tpu.vector_load %arg13[%swap3A_179] {strides = array<i32>} : memref<4096xf32, #tpu.memory_space<vmem>>, vector<16xf32>,
    %swap3A_181 = vector.shape_cast %swap3A_180 : vector<16xf32> to vector<16xf32>
    %swap3A_182 = vector.shape_cast %broadcast_in_dim3A_3 : vector<16xf32> to vector<16xf32>
    tpu.vector_store %arg13[%swap3A_179], %swap3A_182 {strides = array<i32>} : memref<4096xf32, #tpu.memory_space<vmem>>, vector<16xf32>,
    %swap3A_183 = arith.constant 720 : index
    %swap3A_184 = tpu.vector_load %arg13[%swap3A_183] {strides = array<i32>} : memref<4096xf32, #tpu.memory_space<vmem>>, vector<16xf32>,
    %swap3A_185 = vector.shape_cast %swap3A_184 : vector<16xf32> to vector<16xf32>
    %swap3A_186 = vector.shape_cast %broadcast_in_dim3A_3 : vector<16xf32> to vector<16xf32>
    tpu.vector_store %arg13[%swap3A_183], %swap3A_186 {strides = array<i32>} : memref<4096xf32, #tpu.memory_space<vmem>>, vector<16xf32>,
    %swap3A_187 = arith.constant 736 : index
    %swap3A_188 = tpu.vector_load %arg13[%swap3A_187] {strides = array<i32>} : memref<4096xf32, #tpu.memory_space<vmem>>, vector<16xf32>,
    %swap3A_189 = vector.shape_cast %swap3A_188 : vector<16xf32> to vector<16xf32>
    %swap3A_190 = vector.shape_cast %broadcast_in_dim3A_3 : vector<16xf32> to vector<16xf32>
    tpu.vector_store %arg13[%swap3A_187], %swap3A_190 {strides = array<i32>} : memref<4096xf32, #tpu.memory_space<vmem>>, vector<16xf32>,
    %swap3A_191 = arith.constant 752 : index
    %swap3A_192 = tpu.vector_load %arg13[%swap3A_191] {strides = array<i32>} : memref<4096xf32, #tpu.memory_space<vmem>>, vector<16xf32>,
    %swap3A_193 = vector.shape_cast %swap3A_192 : vector<16xf32> to vector<16xf32>
    %swap3A_194 = vector.shape_cast %broadcast_in_dim3A_3 : vector<16xf32> to vector<16xf32>
    tpu.vector_store %arg13[%swap3A_191], %swap3A_194 {strides = array<i32>} : memref<4096xf32, #tpu.memory_space<vmem>>, vector<16xf32>,
    %swap3A_195 = arith.constant 768 : index
    %swap3A_196 = tpu.vector_load %arg13[%swap3A_195] {strides = array<i32>} : memref<4096xf32, #tpu.memory_space<vmem>>, vector<16xf32>,
    %swap3A_197 = vector.shape_cast %swap3A_196 : vector<16xf32> to vector<16xf32>
    %swap3A_198 = vector.shape_cast %broadcast_in_dim3A_3 : vector<16xf32> to vector<16xf32>
    tpu.vector_store %arg13[%swap3A_195], %swap3A_198 {strides = array<i32>} : memref<4096xf32, #tpu.memory_space<vmem>>, vector<16xf32>,
    %swap3A_199 = arith.constant 784 : index
    %swap3A_200 = tpu.vector_load %arg13[%swap3A_199] {strides = array<i32>} : memref<4096xf32, #tpu.memory_space<vmem>>, vector<16xf32>,
    %swap3A_201 = vector.shape_cast %swap3A_200 : vector<16xf32> to vector<16xf32>
    %swap3A_202 = vector.shape_cast %broadcast_in_dim3A_3 : vector<16xf32> to vector<16xf32>
    tpu.vector_store %arg13[%swap3A_199], %swap3A_202 {strides = array<i32>} : memref<4096xf32, #tpu.memory_space<vmem>>, vector<16xf32>,
    %swap3A_203 = arith.constant 800 : index
    %swap3A_204 = tpu.vector_load %arg13[%swap3A_203] {strides = array<i32>} : memref<4096xf32, #tpu.memory_space<vmem>>, vector<16xf32>,
    %swap3A_205 = vector.shape_cast %swap3A_204 : vector<16xf32> to vector<16xf32>
    %swap3A_206 = vector.shape_cast %broadcast_in_dim3A_3 : vector<16xf32> to vector<16xf32>
    tpu.vector_store %arg13[%swap3A_203], %swap3A_206 {strides = array<i32>} : memref<4096xf32, #tpu.memory_space<vmem>>, vector<16xf32>,
    %swap3A_207 = arith.constant 816 : index
    %swap3A_208 = tpu.vector_load %arg13[%swap3A_207] {strides = array<i32>} : memref<4096xf32, #tpu.memory_space<vmem>>, vector<16xf32>,
    %swap3A_209 = vector.shape_cast %swap3A_208 : vector<16xf32> to vector<16xf32>
    %swap3A_210 = vector.shape_cast %broadcast_in_dim3A_3 : vector<16xf32> to vector<16xf32>
    tpu.vector_store %arg13[%swap3A_207], %swap3A_210 {strides = array<i32>} : memref<4096xf32, #tpu.memory_space<vmem>>, vector<16xf32>,
    %swap3A_211 = arith.constant 832 : index
    %swap3A_212 = tpu.vector_load %arg13[%swap3A_211] {strides = array<i32>} : memref<4096xf32, #tpu.memory_space<vmem>>, vector<16xf32>,
    %swap3A_213 = vector.shape_cast %swap3A_212 : vector<16xf32> to vector<16xf32>
    %swap3A_214 = vector.shape_cast %broadcast_in_dim3A_3 : vector<16xf32> to vector<16xf32>
    tpu.vector_store %arg13[%swap3A_211], %swap3A_214 {strides = array<i32>} : memref<4096xf32, #tpu.memory_space<vmem>>, vector<16xf32>,
    %swap3A_215 = arith.constant 848 : index
    %swap3A_216 = tpu.vector_load %arg13[%swap3A_215] {strides = array<i32>} : memref<4096xf32, #tpu.memory_space<vmem>>, vector<16xf32>,
    %swap3A_217 = vector.shape_cast %swap3A_216 : vector<16xf32> to vector<16xf32>
    %swap3A_218 = vector.shape_cast %broadcast_in_dim3A_3 : vector<16xf32> to vector<16xf32>
    tpu.vector_store %arg13[%swap3A_215], %swap3A_218 {strides = array<i32>} : memref<4096xf32, #tpu.memory_space<vmem>>, vector<16xf32>,
    %swap3A_219 = arith.constant 864 : index
    %swap3A_220 = tpu.vector_load %arg13[%swap3A_219] {strides = array<i32>} : memref<4096xf32, #tpu.memory_space<vmem>>, vector<16xf32>,
    %swap3A_221 = vector.shape_cast %swap3A_220 : vector<16xf32> to vector<16xf32>
    %swap3A_222 = vector.shape_cast %broadcast_in_dim3A_3 : vector<16xf32> to vector<16xf32>
    tpu.vector_store %arg13[%swap3A_219], %swap3A_222 {strides = array<i32>} : memref<4096xf32, #tpu.memory_space<vmem>>, vector<16xf32>,
    %swap3A_223 = arith.constant 880 : index
    %swap3A_224 = tpu.vector_load %arg13[%swap3A_223] {strides = array<i32>} : memref<4096xf32, #tpu.memory_space<vmem>>, vector<16xf32>,
    %swap3A_225 = vector.shape_cast %swap3A_224 : vector<16xf32> to vector<16xf32>
    %swap3A_226 = vector.shape_cast %broadcast_in_dim3A_3 : vector<16xf32> to vector<16xf32>
    tpu.vector_store %arg13[%swap3A_223], %swap3A_226 {strides = array<i32>} : memref<4096xf32, #tpu.memory_space<vmem>>, vector<16xf32>,
    %swap3A_227 = arith.constant 896 : index
    %swap3A_228 = tpu.vector_load %arg13[%swap3A_227] {strides = array<i32>} : memref<4096xf32, #tpu.memory_space<vmem>>, vector<16xf32>,
    %swap3A_229 = vector.shape_cast %swap3A_228 : vector<16xf32> to vector<16xf32>
    %swap3A_230 = vector.shape_cast %broadcast_in_dim3A_3 : vector<16xf32> to vector<16xf32>
    tpu.vector_store %arg13[%swap3A_227], %swap3A_230 {strides = array<i32>} : memref<4096xf32, #tpu.memory_space<vmem>>, vector<16xf32>,
    %swap3A_231 = arith.constant 912 : index
    %swap3A_232 = tpu.vector_load %arg13[%swap3A_231] {strides = array<i32>} : memref<4096xf32, #tpu.memory_space<vmem>>, vector<16xf32>,
    %swap3A_233 = vector.shape_cast %swap3A_232 : vector<16xf32> to vector<16xf32>
    %swap3A_234 = vector.shape_cast %broadcast_in_dim3A_3 : vector<16xf32> to vector<16xf32>
    tpu.vector_store %arg13[%swap3A_231], %swap3A_234 {strides = array<i32>} : memref<4096xf32, #tpu.memory_space<vmem>>, vector<16xf32>,
    %swap3A_235 = arith.constant 928 : index
    %swap3A_236 = tpu.vector_load %arg13[%swap3A_235] {strides = array<i32>} : memref<4096xf32, #tpu.memory_space<vmem>>, vector<16xf32>,
    %swap3A_237 = vector.shape_cast %swap3A_236 : vector<16xf32> to vector<16xf32>
    %swap3A_238 = vector.shape_cast %broadcast_in_dim3A_3 : vector<16xf32> to vector<16xf32>
    tpu.vector_store %arg13[%swap3A_235], %swap3A_238 {strides = array<i32>} : memref<4096xf32, #tpu.memory_space<vmem>>, vector<16xf32>,
    %swap3A_239 = arith.constant 944 : index
    %swap3A_240 = tpu.vector_load %arg13[%swap3A_239] {strides = array<i32>} : memref<4096xf32, #tpu.memory_space<vmem>>, vector<16xf32>,
    %swap3A_241 = vector.shape_cast %swap3A_240 : vector<16xf32> to vector<16xf32>
    %swap3A_242 = vector.shape_cast %broadcast_in_dim3A_3 : vector<16xf32> to vector<16xf32>
    tpu.vector_store %arg13[%swap3A_239], %swap3A_242 {strides = array<i32>} : memref<4096xf32, #tpu.memory_space<vmem>>, vector<16xf32>,
    %swap3A_243 = arith.constant 960 : index
    %swap3A_244 = tpu.vector_load %arg13[%swap3A_243] {strides = array<i32>} : memref<4096xf32, #tpu.memory_space<vmem>>, vector<16xf32>,
    %swap3A_245 = vector.shape_cast %swap3A_244 : vector<16xf32> to vector<16xf32>
    %swap3A_246 = vector.shape_cast %broadcast_in_dim3A_3 : vector<16xf32> to vector<16xf32>
    tpu.vector_store %arg13[%swap3A_243], %swap3A_246 {strides = array<i32>} : memref<4096xf32, #tpu.memory_space<vmem>>, vector<16xf32>,
    %swap3A_247 = arith.constant 976 : index
    %swap3A_248 = tpu.vector_load %arg13[%swap3A_247] {strides = array<i32>} : memref<4096xf32, #tpu.memory_space<vmem>>, vector<16xf32>,
    %swap3A_249 = vector.shape_cast %swap3A_248 : vector<16xf32> to vector<16xf32>
    %swap3A_250 = vector.shape_cast %broadcast_in_dim3A_3 : vector<16xf32> to vector<16xf32>
    tpu.vector_store %arg13[%swap3A_247], %swap3A_250 {strides = array<i32>} : memref<4096xf32, #tpu.memory_space<vmem>>, vector<16xf32>,
    %swap3A_251 = arith.constant 992 : index
    %swap3A_252 = tpu.vector_load %arg13[%swap3A_251] {strides = array<i32>} : memref<4096xf32, #tpu.memory_space<vmem>>, vector<16xf32>,
    %swap3A_253 = vector.shape_cast %swap3A_252 : vector<16xf32> to vector<16xf32>
    %swap3A_254 = vector.shape_cast %broadcast_in_dim3A_3 : vector<16xf32> to vector<16xf32>
    tpu.vector_store %arg13[%swap3A_251], %swap3A_254 {strides = array<i32>} : memref<4096xf32, #tpu.memory_space<vmem>>, vector<16xf32>,
    %swap3A_255 = arith.constant 1008 : index
    %swap3A_256 = tpu.vector_load %arg13[%swap3A_255] {strides = array<i32>} : memref<4096xf32, #tpu.memory_space<vmem>>, vector<16xf32>,
    %swap3A_257 = vector.shape_cast %swap3A_256 : vector<16xf32> to vector<16xf32>
    %swap3A_258 = vector.shape_cast %broadcast_in_dim3A_3 : vector<16xf32> to vector<16xf32>
    tpu.vector_store %arg13[%swap3A_255], %swap3A_258 {strides = array<i32>} : memref<4096xf32, #tpu.memory_space<vmem>>, vector<16xf32>,
    %swap3A_259 = arith.constant 1024 : index
    %swap3A_260 = tpu.vector_load %arg13[%swap3A_259] {strides = array<i32>} : memref<4096xf32, #tpu.memory_space<vmem>>, vector<16xf32>,
    %swap3A_261 = vector.shape_cast %swap3A_260 : vector<16xf32> to vector<16xf32>
    %swap3A_262 = vector.shape_cast %broadcast_in_dim3A_3 : vector<16xf32> to vector<16xf32>
    tpu.vector_store %arg13[%swap3A_259], %swap3A_262 {strides = array<i32>} : memref<4096xf32, #tpu.memory_space<vmem>>, vector<16xf32>,
    %swap3A_263 = arith.constant 1040 : index
    %swap3A_264 = tpu.vector_load %arg13[%swap3A_263] {strides = array<i32>} : memref<4096xf32, #tpu.memory_space<vmem>>, vector<16xf32>,
    %swap3A_265 = vector.shape_cast %swap3A_264 : vector<16xf32> to vector<16xf32>
    %swap3A_266 = vector.shape_cast %broadcast_in_dim3A_3 : vector<16xf32> to vector<16xf32>
    tpu.vector_store %arg13[%swap3A_263], %swap3A_266 {strides = array<i32>} : memref<4096xf32, #tpu.memory_space<vmem>>, vector<16xf32>,
    %swap3A_267 = arith.constant 1056 : index
    %swap3A_268 = tpu.vector_load %arg13[%swap3A_267] {strides = array<i32>} : memref<4096xf32, #tpu.memory_space<vmem>>, vector<16xf32>,
    %swap3A_269 = vector.shape_cast %swap3A_268 : vector<16xf32> to vector<16xf32>
    %swap3A_270 = vector.shape_cast %broadcast_in_dim3A_3 : vector<16xf32> to vector<16xf32>
    tpu.vector_store %arg13[%swap3A_267], %swap3A_270 {strides = array<i32>} : memref<4096xf32, #tpu.memory_space<vmem>>, vector<16xf32>,
    %swap3A_271 = arith.constant 1072 : index
    %swap3A_272 = tpu.vector_load %arg13[%swap3A_271] {strides = array<i32>} : memref<4096xf32, #tpu.memory_space<vmem>>, vector<16xf32>,
    %swap3A_273 = vector.shape_cast %swap3A_272 : vector<16xf32> to vector<16xf32>
    %swap3A_274 = vector.shape_cast %broadcast_in_dim3A_3 : vector<16xf32> to vector<16xf32>
    tpu.vector_store %arg13[%swap3A_271], %swap3A_274 {strides = array<i32>} : memref<4096xf32, #tpu.memory_space<vmem>>, vector<16xf32>,
    %swap3A_275 = arith.constant 1088 : index
    %swap3A_276 = tpu.vector_load %arg13[%swap3A_275] {strides = array<i32>} : memref<4096xf32, #tpu.memory_space<vmem>>, vector<16xf32>,
    %swap3A_277 = vector.shape_cast %swap3A_276 : vector<16xf32> to vector<16xf32>
    %swap3A_278 = vector.shape_cast %broadcast_in_dim3A_3 : vector<16xf32> to vector<16xf32>
    tpu.vector_store %arg13[%swap3A_275], %swap3A_278 {strides = array<i32>} : memref<4096xf32, #tpu.memory_space<vmem>>, vector<16xf32>,
    %swap3A_279 = arith.constant 1104 : index
    %swap3A_280 = tpu.vector_load %arg13[%swap3A_279] {strides = array<i32>} : memref<4096xf32, #tpu.memory_space<vmem>>, vector<16xf32>,
    %swap3A_281 = vector.shape_cast %swap3A_280 : vector<16xf32> to vector<16xf32>
    %swap3A_282 = vector.shape_cast %broadcast_in_dim3A_3 : vector<16xf32> to vector<16xf32>
    tpu.vector_store %arg13[%swap3A_279], %swap3A_282 {strides = array<i32>} : memref<4096xf32, #tpu.memory_space<vmem>>, vector<16xf32>,
    %swap3A_283 = arith.constant 1120 : index
    %swap3A_284 = tpu.vector_load %arg13[%swap3A_283] {strides = array<i32>} : memref<4096xf32, #tpu.memory_space<vmem>>, vector<16xf32>,
    %swap3A_285 = vector.shape_cast %swap3A_284 : vector<16xf32> to vector<16xf32>
    %swap3A_286 = vector.shape_cast %broadcast_in_dim3A_3 : vector<16xf32> to vector<16xf32>
    tpu.vector_store %arg13[%swap3A_283], %swap3A_286 {strides = array<i32>} : memref<4096xf32, #tpu.memory_space<vmem>>, vector<16xf32>,
    %swap3A_287 = arith.constant 1136 : index
    %swap3A_288 = tpu.vector_load %arg13[%swap3A_287] {strides = array<i32>} : memref<4096xf32, #tpu.memory_space<vmem>>, vector<16xf32>,
    %swap3A_289 = vector.shape_cast %swap3A_288 : vector<16xf32> to vector<16xf32>
    %swap3A_290 = vector.shape_cast %broadcast_in_dim3A_3 : vector<16xf32> to vector<16xf32>
    tpu.vector_store %arg13[%swap3A_287], %swap3A_290 {strides = array<i32>} : memref<4096xf32, #tpu.memory_space<vmem>>, vector<16xf32>,
    %swap3A_291 = arith.constant 1152 : index
    %swap3A_292 = tpu.vector_load %arg13[%swap3A_291] {strides = array<i32>} : memref<4096xf32, #tpu.memory_space<vmem>>, vector<16xf32>,
    %swap3A_293 = vector.shape_cast %swap3A_292 : vector<16xf32> to vector<16xf32>
    %swap3A_294 = vector.shape_cast %broadcast_in_dim3A_3 : vector<16xf32> to vector<16xf32>
    tpu.vector_store %arg13[%swap3A_291], %swap3A_294 {strides = array<i32>} : memref<4096xf32, #tpu.memory_space<vmem>>, vector<16xf32>,
    %swap3A_295 = arith.constant 1168 : index
    %swap3A_296 = tpu.vector_load %arg13[%swap3A_295] {strides = array<i32>} : memref<4096xf32, #tpu.memory_space<vmem>>, vector<16xf32>,
    %swap3A_297 = vector.shape_cast %swap3A_296 : vector<16xf32> to vector<16xf32>
    %swap3A_298 = vector.shape_cast %broadcast_in_dim3A_3 : vector<16xf32> to vector<16xf32>
    tpu.vector_store %arg13[%swap3A_295], %swap3A_298 {strides = array<i32>} : memref<4096xf32, #tpu.memory_space<vmem>>, vector<16xf32>,
    %swap3A_299 = arith.constant 1184 : index
    %swap3A_300 = tpu.vector_load %arg13[%swap3A_299] {strides = array<i32>} : memref<4096xf32, #tpu.memory_space<vmem>>, vector<16xf32>,
    %swap3A_301 = vector.shape_cast %swap3A_300 : vector<16xf32> to vector<16xf32>
    %swap3A_302 = vector.shape_cast %broadcast_in_dim3A_3 : vector<16xf32> to vector<16xf32>
    tpu.vector_store %arg13[%swap3A_299], %swap3A_302 {strides = array<i32>} : memref<4096xf32, #tpu.memory_space<vmem>>, vector<16xf32>,
    %swap3A_303 = arith.constant 1200 : index
    %swap3A_304 = tpu.vector_load %arg13[%swap3A_303] {strides = array<i32>} : memref<4096xf32, #tpu.memory_space<vmem>>, vector<16xf32>,
    %swap3A_305 = vector.shape_cast %swap3A_304 : vector<16xf32> to vector<16xf32>
    %swap3A_306 = vector.shape_cast %broadcast_in_dim3A_3 : vector<16xf32> to vector<16xf32>
    tpu.vector_store %arg13[%swap3A_303], %swap3A_306 {strides = array<i32>} : memref<4096xf32, #tpu.memory_space<vmem>>, vector<16xf32>,
    %swap3A_307 = arith.constant 1216 : index
    %swap3A_308 = tpu.vector_load %arg13[%swap3A_307] {strides = array<i32>} : memref<4096xf32, #tpu.memory_space<vmem>>, vector<16xf32>,
    %swap3A_309 = vector.shape_cast %swap3A_308 : vector<16xf32> to vector<16xf32>
    %swap3A_310 = vector.shape_cast %broadcast_in_dim3A_3 : vector<16xf32> to vector<16xf32>
    tpu.vector_store %arg13[%swap3A_307], %swap3A_310 {strides = array<i32>} : memref<4096xf32, #tpu.memory_space<vmem>>, vector<16xf32>,
    %swap3A_311 = arith.constant 1232 : index
    %swap3A_312 = tpu.vector_load %arg13[%swap3A_311] {strides = array<i32>} : memref<4096xf32, #tpu.memory_space<vmem>>, vector<16xf32>,
    %swap3A_313 = vector.shape_cast %swap3A_312 : vector<16xf32> to vector<16xf32>
    %swap3A_314 = vector.shape_cast %broadcast_in_dim3A_3 : vector<16xf32> to vector<16xf32>
    tpu.vector_store %arg13[%swap3A_311], %swap3A_314 {strides = array<i32>} : memref<4096xf32, #tpu.memory_space<vmem>>, vector<16xf32>,
    %swap3A_315 = arith.constant 1248 : index
    %swap3A_316 = tpu.vector_load %arg13[%swap3A_315] {strides = array<i32>} : memref<4096xf32, #tpu.memory_space<vmem>>, vector<16xf32>,
    %swap3A_317 = vector.shape_cast %swap3A_316 : vector<16xf32> to vector<16xf32>
    %swap3A_318 = vector.shape_cast %broadcast_in_dim3A_3 : vector<16xf32> to vector<16xf32>
    tpu.vector_store %arg13[%swap3A_315], %swap3A_318 {strides = array<i32>} : memref<4096xf32, #tpu.memory_space<vmem>>, vector<16xf32>,
    %swap3A_319 = arith.constant 1264 : index
    %swap3A_320 = tpu.vector_load %arg13[%swap3A_319] {strides = array<i32>} : memref<4096xf32, #tpu.memory_space<vmem>>, vector<16xf32>,
    %swap3A_321 = vector.shape_cast %swap3A_320 : vector<16xf32> to vector<16xf32>
    %swap3A_322 = vector.shape_cast %broadcast_in_dim3A_3 : vector<16xf32> to vector<16xf32>
    tpu.vector_store %arg13[%swap3A_319], %swap3A_322 {strides = array<i32>} : memref<4096xf32, #tpu.memory_space<vmem>>, vector<16xf32>,
    %swap3A_323 = arith.constant 1280 : index
    %swap3A_324 = tpu.vector_load %arg13[%swap3A_323] {strides = array<i32>} : memref<4096xf32, #tpu.memory_space<vmem>>, vector<16xf32>,
    %swap3A_325 = vector.shape_cast %swap3A_324 : vector<16xf32> to vector<16xf32>
    %swap3A_326 = vector.shape_cast %broadcast_in_dim3A_3 : vector<16xf32> to vector<16xf32>
    tpu.vector_store %arg13[%swap3A_323], %swap3A_326 {strides = array<i32>} : memref<4096xf32, #tpu.memory_space<vmem>>, vector<16xf32>,
    %swap3A_327 = arith.constant 1296 : index
    %swap3A_328 = tpu.vector_load %arg13[%swap3A_327] {strides = array<i32>} : memref<4096xf32, #tpu.memory_space<vmem>>, vector<16xf32>,
    %swap3A_329 = vector.shape_cast %swap3A_328 : vector<16xf32> to vector<16xf32>
    %swap3A_330 = vector.shape_cast %broadcast_in_dim3A_3 : vector<16xf32> to vector<16xf32>
    tpu.vector_store %arg13[%swap3A_327], %swap3A_330 {strides = array<i32>} : memref<4096xf32, #tpu.memory_space<vmem>>, vector<16xf32>,
    %swap3A_331 = arith.constant 1312 : index
    %swap3A_332 = tpu.vector_load %arg13[%swap3A_331] {strides = array<i32>} : memref<4096xf32, #tpu.memory_space<vmem>>, vector<16xf32>,
    %swap3A_333 = vector.shape_cast %swap3A_332 : vector<16xf32> to vector<16xf32>
    %swap3A_334 = vector.shape_cast %broadcast_in_dim3A_3 : vector<16xf32> to vector<16xf32>
    tpu.vector_store %arg13[%swap3A_331], %swap3A_334 {strides = array<i32>} : memref<4096xf32, #tpu.memory_space<vmem>>, vector<16xf32>,
    %swap3A_335 = arith.constant 1328 : index
    %swap3A_336 = tpu.vector_load %arg13[%swap3A_335] {strides = array<i32>} : memref<4096xf32, #tpu.memory_space<vmem>>, vector<16xf32>,
    %swap3A_337 = vector.shape_cast %swap3A_336 : vector<16xf32> to vector<16xf32>
    %swap3A_338 = vector.shape_cast %broadcast_in_dim3A_3 : vector<16xf32> to vector<16xf32>
    tpu.vector_store %arg13[%swap3A_335], %swap3A_338 {strides = array<i32>} : memref<4096xf32, #tpu.memory_space<vmem>>, vector<16xf32>,
    %swap3A_339 = arith.constant 1344 : index
    %swap3A_340 = tpu.vector_load %arg13[%swap3A_339] {strides = array<i32>} : memref<4096xf32, #tpu.memory_space<vmem>>, vector<16xf32>,
    %swap3A_341 = vector.shape_cast %swap3A_340 : vector<16xf32> to vector<16xf32>
    %swap3A_342 = vector.shape_cast %broadcast_in_dim3A_3 : vector<16xf32> to vector<16xf32>
    tpu.vector_store %arg13[%swap3A_339], %swap3A_342 {strides = array<i32>} : memref<4096xf32, #tpu.memory_space<vmem>>, vector<16xf32>,
    %swap3A_343 = arith.constant 1360 : index
    %swap3A_344 = tpu.vector_load %arg13[%swap3A_343] {strides = array<i32>} : memref<4096xf32, #tpu.memory_space<vmem>>, vector<16xf32>,
    %swap3A_345 = vector.shape_cast %swap3A_344 : vector<16xf32> to vector<16xf32>
    %swap3A_346 = vector.shape_cast %broadcast_in_dim3A_3 : vector<16xf32> to vector<16xf32>
    tpu.vector_store %arg13[%swap3A_343], %swap3A_346 {strides = array<i32>} : memref<4096xf32, #tpu.memory_space<vmem>>, vector<16xf32>,
    %swap3A_347 = arith.constant 1376 : index
    %swap3A_348 = tpu.vector_load %arg13[%swap3A_347] {strides = array<i32>} : memref<4096xf32, #tpu.memory_space<vmem>>, vector<16xf32>,
    %swap3A_349 = vector.shape_cast %swap3A_348 : vector<16xf32> to vector<16xf32>
    %swap3A_350 = vector.shape_cast %broadcast_in_dim3A_3 : vector<16xf32> to vector<16xf32>
    tpu.vector_store %arg13[%swap3A_347], %swap3A_350 {strides = array<i32>} : memref<4096xf32, #tpu.memory_space<vmem>>, vector<16xf32>,
    %swap3A_351 = arith.constant 1392 : index
    %swap3A_352 = tpu.vector_load %arg13[%swap3A_351] {strides = array<i32>} : memref<4096xf32, #tpu.memory_space<vmem>>, vector<16xf32>,
    %swap3A_353 = vector.shape_cast %swap3A_352 : vector<16xf32> to vector<16xf32>
    %swap3A_354 = vector.shape_cast %broadcast_in_dim3A_3 : vector<16xf32> to vector<16xf32>
    tpu.vector_store %arg13[%swap3A_351], %swap3A_354 {strides = array<i32>} : memref<4096xf32, #tpu.memory_space<vmem>>, vector<16xf32>,
    %swap3A_355 = arith.constant 1408 : index
    %swap3A_356 = tpu.vector_load %arg13[%swap3A_355] {strides = array<i32>} : memref<4096xf32, #tpu.memory_space<vmem>>, vector<16xf32>,
    %swap3A_357 = vector.shape_cast %swap3A_356 : vector<16xf32> to vector<16xf32>
    %swap3A_358 = vector.shape_cast %broadcast_in_dim3A_3 : vector<16xf32> to vector<16xf32>
    tpu.vector_store %arg13[%swap3A_355], %swap3A_358 {strides = array<i32>} : memref<4096xf32, #tpu.memory_space<vmem>>, vector<16xf32>,
    %swap3A_359 = arith.constant 1424 : index
    %swap3A_360 = tpu.vector_load %arg13[%swap3A_359] {strides = array<i32>} : memref<4096xf32, #tpu.memory_space<vmem>>, vector<16xf32>,
    %swap3A_361 = vector.shape_cast %swap3A_360 : vector<16xf32> to vector<16xf32>
    %swap3A_362 = vector.shape_cast %broadcast_in_dim3A_3 : vector<16xf32> to vector<16xf32>
    tpu.vector_store %arg13[%swap3A_359], %swap3A_362 {strides = array<i32>} : memref<4096xf32, #tpu.memory_space<vmem>>, vector<16xf32>,
    %swap3A_363 = arith.constant 1440 : index
    %swap3A_364 = tpu.vector_load %arg13[%swap3A_363] {strides = array<i32>} : memref<4096xf32, #tpu.memory_space<vmem>>, vector<16xf32>,
    %swap3A_365 = vector.shape_cast %swap3A_364 : vector<16xf32> to vector<16xf32>
    %swap3A_366 = vector.shape_cast %broadcast_in_dim3A_3 : vector<16xf32> to vector<16xf32>
    tpu.vector_store %arg13[%swap3A_363], %swap3A_366 {strides = array<i32>} : memref<4096xf32, #tpu.memory_space<vmem>>, vector<16xf32>,
    %swap3A_367 = arith.constant 1456 : index
    %swap3A_368 = tpu.vector_load %arg13[%swap3A_367] {strides = array<i32>} : memref<4096xf32, #tpu.memory_space<vmem>>, vector<16xf32>,
    %swap3A_369 = vector.shape_cast %swap3A_368 : vector<16xf32> to vector<16xf32>
    %swap3A_370 = vector.shape_cast %broadcast_in_dim3A_3 : vector<16xf32> to vector<16xf32>
    tpu.vector_store %arg13[%swap3A_367], %swap3A_370 {strides = array<i32>} : memref<4096xf32, #tpu.memory_space<vmem>>, vector<16xf32>,
    %swap3A_371 = arith.constant 1472 : index
    %swap3A_372 = tpu.vector_load %arg13[%swap3A_371] {strides = array<i32>} : memref<4096xf32, #tpu.memory_space<vmem>>, vector<16xf32>,
    %swap3A_373 = vector.shape_cast %swap3A_372 : vector<16xf32> to vector<16xf32>
    %swap3A_374 = vector.shape_cast %broadcast_in_dim3A_3 : vector<16xf32> to vector<16xf32>
    tpu.vector_store %arg13[%swap3A_371], %swap3A_374 {strides = array<i32>} : memref<4096xf32, #tpu.memory_space<vmem>>, vector<16xf32>,
    %swap3A_375 = arith.constant 1488 : index
    %swap3A_376 = tpu.vector_load %arg13[%swap3A_375] {strides = array<i32>} : memref<4096xf32, #tpu.memory_space<vmem>>, vector<16xf32>,
    %swap3A_377 = vector.shape_cast %swap3A_376 : vector<16xf32> to vector<16xf32>
    %swap3A_378 = vector.shape_cast %broadcast_in_dim3A_3 : vector<16xf32> to vector<16xf32>
    tpu.vector_store %arg13[%swap3A_375], %swap3A_378 {strides = array<i32>} : memref<4096xf32, #tpu.memory_space<vmem>>, vector<16xf32>,
    %swap3A_379 = arith.constant 1504 : index
    %swap3A_380 = tpu.vector_load %arg13[%swap3A_379] {strides = array<i32>} : memref<4096xf32, #tpu.memory_space<vmem>>, vector<16xf32>,
    %swap3A_381 = vector.shape_cast %swap3A_380 : vector<16xf32> to vector<16xf32>
    %swap3A_382 = vector.shape_cast %broadcast_in_dim3A_3 : vector<16xf32> to vector<16xf32>
    tpu.vector_store %arg13[%swap3A_379], %swap3A_382 {strides = array<i32>} : memref<4096xf32, #tpu.memory_space<vmem>>, vector<16xf32>,
    %swap3A_383 = arith.constant 1520 : index
    %swap3A_384 = tpu.vector_load %arg13[%swap3A_383] {strides = array<i32>} : memref<4096xf32, #tpu.memory_space<vmem>>, vector<16xf32>,
    %swap3A_385 = vector.shape_cast %swap3A_384 : vector<16xf32> to vector<16xf32>
    %swap3A_386 = vector.shape_cast %broadcast_in_dim3A_3 : vector<16xf32> to vector<16xf32>
    tpu.vector_store %arg13[%swap3A_383], %swap3A_386 {strides = array<i32>} : memref<4096xf32, #tpu.memory_space<vmem>>, vector<16xf32>,
    %swap3A_387 = arith.constant 1536 : index
    %swap3A_388 = tpu.vector_load %arg13[%swap3A_387] {strides = array<i32>} : memref<4096xf32, #tpu.memory_space<vmem>>, vector<16xf32>,
    %swap3A_389 = vector.shape_cast %swap3A_388 : vector<16xf32> to vector<16xf32>
    %swap3A_390 = vector.shape_cast %broadcast_in_dim3A_3 : vector<16xf32> to vector<16xf32>
    tpu.vector_store %arg13[%swap3A_387], %swap3A_390 {strides = array<i32>} : memref<4096xf32, #tpu.memory_space<vmem>>, vector<16xf32>,
    %swap3A_391 = arith.constant 1552 : index
    %swap3A_392 = tpu.vector_load %arg13[%swap3A_391] {strides = array<i32>} : memref<4096xf32, #tpu.memory_space<vmem>>, vector<16xf32>,
    %swap3A_393 = vector.shape_cast %swap3A_392 : vector<16xf32> to vector<16xf32>
    %swap3A_394 = vector.shape_cast %broadcast_in_dim3A_3 : vector<16xf32> to vector<16xf32>
    tpu.vector_store %arg13[%swap3A_391], %swap3A_394 {strides = array<i32>} : memref<4096xf32, #tpu.memory_space<vmem>>, vector<16xf32>,
    %swap3A_395 = arith.constant 1568 : index
    %swap3A_396 = tpu.vector_load %arg13[%swap3A_395] {strides = array<i32>} : memref<4096xf32, #tpu.memory_space<vmem>>, vector<16xf32>,
    %swap3A_397 = vector.shape_cast %swap3A_396 : vector<16xf32> to vector<16xf32>
    %swap3A_398 = vector.shape_cast %broadcast_in_dim3A_3 : vector<16xf32> to vector<16xf32>
    tpu.vector_store %arg13[%swap3A_395], %swap3A_398 {strides = array<i32>} : memref<4096xf32, #tpu.memory_space<vmem>>, vector<16xf32>,
    %swap3A_399 = arith.constant 1584 : index
    %swap3A_400 = tpu.vector_load %arg13[%swap3A_399] {strides = array<i32>} : memref<4096xf32, #tpu.memory_space<vmem>>, vector<16xf32>,
    %swap3A_401 = vector.shape_cast %swap3A_400 : vector<16xf32> to vector<16xf32>
    %swap3A_402 = vector.shape_cast %broadcast_in_dim3A_3 : vector<16xf32> to vector<16xf32>
    tpu.vector_store %arg13[%swap3A_399], %swap3A_402 {strides = array<i32>} : memref<4096xf32, #tpu.memory_space<vmem>>, vector<16xf32>,
    %swap3A_403 = arith.constant 1600 : index
    %swap3A_404 = tpu.vector_load %arg13[%swap3A_403] {strides = array<i32>} : memref<4096xf32, #tpu.memory_space<vmem>>, vector<16xf32>,
    %swap3A_405 = vector.shape_cast %swap3A_404 : vector<16xf32> to vector<16xf32>
    %swap3A_406 = vector.shape_cast %broadcast_in_dim3A_3 : vector<16xf32> to vector<16xf32>
    tpu.vector_store %arg13[%swap3A_403], %swap3A_406 {strides = array<i32>} : memref<4096xf32, #tpu.memory_space<vmem>>, vector<16xf32>,
    %swap3A_407 = arith.constant 1616 : index
    %swap3A_408 = tpu.vector_load %arg13[%swap3A_407] {strides = array<i32>} : memref<4096xf32, #tpu.memory_space<vmem>>, vector<16xf32>,
    %swap3A_409 = vector.shape_cast %swap3A_408 : vector<16xf32> to vector<16xf32>
    %swap3A_410 = vector.shape_cast %broadcast_in_dim3A_3 : vector<16xf32> to vector<16xf32>
    tpu.vector_store %arg13[%swap3A_407], %swap3A_410 {strides = array<i32>} : memref<4096xf32, #tpu.memory_space<vmem>>, vector<16xf32>,
    %swap3A_411 = arith.constant 1632 : index
    %swap3A_412 = tpu.vector_load %arg13[%swap3A_411] {strides = array<i32>} : memref<4096xf32, #tpu.memory_space<vmem>>, vector<16xf32>,
    %swap3A_413 = vector.shape_cast %swap3A_412 : vector<16xf32> to vector<16xf32>
    %swap3A_414 = vector.shape_cast %broadcast_in_dim3A_3 : vector<16xf32> to vector<16xf32>
    tpu.vector_store %arg13[%swap3A_411], %swap3A_414 {strides = array<i32>} : memref<4096xf32, #tpu.memory_space<vmem>>, vector<16xf32>,
    %swap3A_415 = arith.constant 1648 : index
    %swap3A_416 = tpu.vector_load %arg13[%swap3A_415] {strides = array<i32>} : memref<4096xf32, #tpu.memory_space<vmem>>, vector<16xf32>,
    %swap3A_417 = vector.shape_cast %swap3A_416 : vector<16xf32> to vector<16xf32>
    %swap3A_418 = vector.shape_cast %broadcast_in_dim3A_3 : vector<16xf32> to vector<16xf32>
    tpu.vector_store %arg13[%swap3A_415], %swap3A_418 {strides = array<i32>} : memref<4096xf32, #tpu.memory_space<vmem>>, vector<16xf32>,
    %swap3A_419 = arith.constant 1664 : index
    %swap3A_420 = tpu.vector_load %arg13[%swap3A_419] {strides = array<i32>} : memref<4096xf32, #tpu.memory_space<vmem>>, vector<16xf32>,
    %swap3A_421 = vector.shape_cast %swap3A_420 : vector<16xf32> to vector<16xf32>
    %swap3A_422 = vector.shape_cast %broadcast_in_dim3A_3 : vector<16xf32> to vector<16xf32>
    tpu.vector_store %arg13[%swap3A_419], %swap3A_422 {strides = array<i32>} : memref<4096xf32, #tpu.memory_space<vmem>>, vector<16xf32>,
    %swap3A_423 = arith.constant 1680 : index
    %swap3A_424 = tpu.vector_load %arg13[%swap3A_423] {strides = array<i32>} : memref<4096xf32, #tpu.memory_space<vmem>>, vector<16xf32>,
    %swap3A_425 = vector.shape_cast %swap3A_424 : vector<16xf32> to vector<16xf32>
    %swap3A_426 = vector.shape_cast %broadcast_in_dim3A_3 : vector<16xf32> to vector<16xf32>
    tpu.vector_store %arg13[%swap3A_423], %swap3A_426 {strides = array<i32>} : memref<4096xf32, #tpu.memory_space<vmem>>, vector<16xf32>,
    %swap3A_427 = arith.constant 1696 : index
    %swap3A_428 = tpu.vector_load %arg13[%swap3A_427] {strides = array<i32>} : memref<4096xf32, #tpu.memory_space<vmem>>, vector<16xf32>,
    %swap3A_429 = vector.shape_cast %swap3A_428 : vector<16xf32> to vector<16xf32>
    %swap3A_430 = vector.shape_cast %broadcast_in_dim3A_3 : vector<16xf32> to vector<16xf32>
    tpu.vector_store %arg13[%swap3A_427], %swap3A_430 {strides = array<i32>} : memref<4096xf32, #tpu.memory_space<vmem>>, vector<16xf32>,
    %swap3A_431 = arith.constant 1712 : index
    %swap3A_432 = tpu.vector_load %arg13[%swap3A_431] {strides = array<i32>} : memref<4096xf32, #tpu.memory_space<vmem>>, vector<16xf32>,
    %swap3A_433 = vector.shape_cast %swap3A_432 : vector<16xf32> to vector<16xf32>
    %swap3A_434 = vector.shape_cast %broadcast_in_dim3A_3 : vector<16xf32> to vector<16xf32>
    tpu.vector_store %arg13[%swap3A_431], %swap3A_434 {strides = array<i32>} : memref<4096xf32, #tpu.memory_space<vmem>>, vector<16xf32>,
    %swap3A_435 = arith.constant 1728 : index
    %swap3A_436 = tpu.vector_load %arg13[%swap3A_435] {strides = array<i32>} : memref<4096xf32, #tpu.memory_space<vmem>>, vector<16xf32>,
    %swap3A_437 = vector.shape_cast %swap3A_436 : vector<16xf32> to vector<16xf32>
    %swap3A_438 = vector.shape_cast %broadcast_in_dim3A_3 : vector<16xf32> to vector<16xf32>
    tpu.vector_store %arg13[%swap3A_435], %swap3A_438 {strides = array<i32>} : memref<4096xf32, #tpu.memory_space<vmem>>, vector<16xf32>,
    %swap3A_439 = arith.constant 1744 : index
    %swap3A_440 = tpu.vector_load %arg13[%swap3A_439] {strides = array<i32>} : memref<4096xf32, #tpu.memory_space<vmem>>, vector<16xf32>,
    %swap3A_441 = vector.shape_cast %swap3A_440 : vector<16xf32> to vector<16xf32>
    %swap3A_442 = vector.shape_cast %broadcast_in_dim3A_3 : vector<16xf32> to vector<16xf32>
    tpu.vector_store %arg13[%swap3A_439], %swap3A_442 {strides = array<i32>} : memref<4096xf32, #tpu.memory_space<vmem>>, vector<16xf32>,
    %swap3A_443 = arith.constant 1760 : index
    %swap3A_444 = tpu.vector_load %arg13[%swap3A_443] {strides = array<i32>} : memref<4096xf32, #tpu.memory_space<vmem>>, vector<16xf32>,
    %swap3A_445 = vector.shape_cast %swap3A_444 : vector<16xf32> to vector<16xf32>
    %swap3A_446 = vector.shape_cast %broadcast_in_dim3A_3 : vector<16xf32> to vector<16xf32>
    tpu.vector_store %arg13[%swap3A_443], %swap3A_446 {strides = array<i32>} : memref<4096xf32, #tpu.memory_space<vmem>>, vector<16xf32>,
    %swap3A_447 = arith.constant 1776 : index
    %swap3A_448 = tpu.vector_load %arg13[%swap3A_447] {strides = array<i32>} : memref<4096xf32, #tpu.memory_space<vmem>>, vector<16xf32>,
    %swap3A_449 = vector.shape_cast %swap3A_448 : vector<16xf32> to vector<16xf32>
    %swap3A_450 = vector.shape_cast %broadcast_in_dim3A_3 : vector<16xf32> to vector<16xf32>
    tpu.vector_store %arg13[%swap3A_447], %swap3A_450 {strides = array<i32>} : memref<4096xf32, #tpu.memory_space<vmem>>, vector<16xf32>,
    %swap3A_451 = arith.constant 1792 : index
    %swap3A_452 = tpu.vector_load %arg13[%swap3A_451] {strides = array<i32>} : memref<4096xf32, #tpu.memory_space<vmem>>, vector<16xf32>,
    %swap3A_453 = vector.shape_cast %swap3A_452 : vector<16xf32> to vector<16xf32>
    %swap3A_454 = vector.shape_cast %broadcast_in_dim3A_3 : vector<16xf32> to vector<16xf32>
    tpu.vector_store %arg13[%swap3A_451], %swap3A_454 {strides = array<i32>} : memref<4096xf32, #tpu.memory_space<vmem>>, vector<16xf32>,
    %swap3A_455 = arith.constant 1808 : index
    %swap3A_456 = tpu.vector_load %arg13[%swap3A_455] {strides = array<i32>} : memref<4096xf32, #tpu.memory_space<vmem>>, vector<16xf32>,
    %swap3A_457 = vector.shape_cast %swap3A_456 : vector<16xf32> to vector<16xf32>
    %swap3A_458 = vector.shape_cast %broadcast_in_dim3A_3 : vector<16xf32> to vector<16xf32>
    tpu.vector_store %arg13[%swap3A_455], %swap3A_458 {strides = array<i32>} : memref<4096xf32, #tpu.memory_space<vmem>>, vector<16xf32>,
    %swap3A_459 = arith.constant 1824 : index
    %swap3A_460 = tpu.vector_load %arg13[%swap3A_459] {strides = array<i32>} : memref<4096xf32, #tpu.memory_space<vmem>>, vector<16xf32>,
    %swap3A_461 = vector.shape_cast %swap3A_460 : vector<16xf32> to vector<16xf32>
    %swap3A_462 = vector.shape_cast %broadcast_in_dim3A_3 : vector<16xf32> to vector<16xf32>
    tpu.vector_store %arg13[%swap3A_459], %swap3A_462 {strides = array<i32>} : memref<4096xf32, #tpu.memory_space<vmem>>, vector<16xf32>,
    %swap3A_463 = arith.constant 1840 : index
    %swap3A_464 = tpu.vector_load %arg13[%swap3A_463] {strides = array<i32>} : memref<4096xf32, #tpu.memory_space<vmem>>, vector<16xf32>,
    %swap3A_465 = vector.shape_cast %swap3A_464 : vector<16xf32> to vector<16xf32>
    %swap3A_466 = vector.shape_cast %broadcast_in_dim3A_3 : vector<16xf32> to vector<16xf32>
    tpu.vector_store %arg13[%swap3A_463], %swap3A_466 {strides = array<i32>} : memref<4096xf32, #tpu.memory_space<vmem>>, vector<16xf32>,
    %swap3A_467 = arith.constant 1856 : index
    %swap3A_468 = tpu.vector_load %arg13[%swap3A_467] {strides = array<i32>} : memref<4096xf32, #tpu.memory_space<vmem>>, vector<16xf32>,
    %swap3A_469 = vector.shape_cast %swap3A_468 : vector<16xf32> to vector<16xf32>
    %swap3A_470 = vector.shape_cast %broadcast_in_dim3A_3 : vector<16xf32> to vector<16xf32>
    tpu.vector_store %arg13[%swap3A_467], %swap3A_470 {strides = array<i32>} : memref<4096xf32, #tpu.memory_space<vmem>>, vector<16xf32>,
    %swap3A_471 = arith.constant 1872 : index
    %swap3A_472 = tpu.vector_load %arg13[%swap3A_471] {strides = array<i32>} : memref<4096xf32, #tpu.memory_space<vmem>>, vector<16xf32>,
    %swap3A_473 = vector.shape_cast %swap3A_472 : vector<16xf32> to vector<16xf32>
    %swap3A_474 = vector.shape_cast %broadcast_in_dim3A_3 : vector<16xf32> to vector<16xf32>
    tpu.vector_store %arg13[%swap3A_471], %swap3A_474 {strides = array<i32>} : memref<4096xf32, #tpu.memory_space<vmem>>, vector<16xf32>,
    %swap3A_475 = arith.constant 1888 : index
    %swap3A_476 = tpu.vector_load %arg13[%swap3A_475] {strides = array<i32>} : memref<4096xf32, #tpu.memory_space<vmem>>, vector<16xf32>,
    %swap3A_477 = vector.shape_cast %swap3A_476 : vector<16xf32> to vector<16xf32>
    %swap3A_478 = vector.shape_cast %broadcast_in_dim3A_3 : vector<16xf32> to vector<16xf32>
    tpu.vector_store %arg13[%swap3A_475], %swap3A_478 {strides = array<i32>} : memref<4096xf32, #tpu.memory_space<vmem>>, vector<16xf32>,
    %swap3A_479 = arith.constant 1904 : index
    %swap3A_480 = tpu.vector_load %arg13[%swap3A_479] {strides = array<i32>} : memref<4096xf32, #tpu.memory_space<vmem>>, vector<16xf32>,
    %swap3A_481 = vector.shape_cast %swap3A_480 : vector<16xf32> to vector<16xf32>
    %swap3A_482 = vector.shape_cast %broadcast_in_dim3A_3 : vector<16xf32> to vector<16xf32>
    tpu.vector_store %arg13[%swap3A_479], %swap3A_482 {strides = array<i32>} : memref<4096xf32, #tpu.memory_space<vmem>>, vector<16xf32>,
    %swap3A_483 = arith.constant 1920 : index
    %swap3A_484 = tpu.vector_load %arg13[%swap3A_483] {strides = array<i32>} : memref<4096xf32, #tpu.memory_space<vmem>>, vector<16xf32>,
    %swap3A_485 = vector.shape_cast %swap3A_484 : vector<16xf32> to vector<16xf32>
    %swap3A_486 = vector.shape_cast %broadcast_in_dim3A_3 : vector<16xf32> to vector<16xf32>
    tpu.vector_store %arg13[%swap3A_483], %swap3A_486 {strides = array<i32>} : memref<4096xf32, #tpu.memory_space<vmem>>, vector<16xf32>,
    %swap3A_487 = arith.constant 1936 : index
    %swap3A_488 = tpu.vector_load %arg13[%swap3A_487] {strides = array<i32>} : memref<4096xf32, #tpu.memory_space<vmem>>, vector<16xf32>,
    %swap3A_489 = vector.shape_cast %swap3A_488 : vector<16xf32> to vector<16xf32>
    %swap3A_490 = vector.shape_cast %broadcast_in_dim3A_3 : vector<16xf32> to vector<16xf32>
    tpu.vector_store %arg13[%swap3A_487], %swap3A_490 {strides = array<i32>} : memref<4096xf32, #tpu.memory_space<vmem>>, vector<16xf32>,
    %swap3A_491 = arith.constant 1952 : index
    %swap3A_492 = tpu.vector_load %arg13[%swap3A_491] {strides = array<i32>} : memref<4096xf32, #tpu.memory_space<vmem>>, vector<16xf32>,
    %swap3A_493 = vector.shape_cast %swap3A_492 : vector<16xf32> to vector<16xf32>
    %swap3A_494 = vector.shape_cast %broadcast_in_dim3A_3 : vector<16xf32> to vector<16xf32>
    tpu.vector_store %arg13[%swap3A_491], %swap3A_494 {strides = array<i32>} : memref<4096xf32, #tpu.memory_space<vmem>>, vector<16xf32>,
    %swap3A_495 = arith.constant 1968 : index
    %swap3A_496 = tpu.vector_load %arg13[%swap3A_495] {strides = array<i32>} : memref<4096xf32, #tpu.memory_space<vmem>>, vector<16xf32>,
    %swap3A_497 = vector.shape_cast %swap3A_496 : vector<16xf32> to vector<16xf32>
    %swap3A_498 = vector.shape_cast %broadcast_in_dim3A_3 : vector<16xf32> to vector<16xf32>
    tpu.vector_store %arg13[%swap3A_495], %swap3A_498 {strides = array<i32>} : memref<4096xf32, #tpu.memory_space<vmem>>, vector<16xf32>,
    %swap3A_499 = arith.constant 1984 : index
    %swap3A_500 = tpu.vector_load %arg13[%swap3A_499] {strides = array<i32>} : memref<4096xf32, #tpu.memory_space<vmem>>, vector<16xf32>,
    %swap3A_501 = vector.shape_cast %swap3A_500 : vector<16xf32> to vector<16xf32>
    %swap3A_502 = vector.shape_cast %broadcast_in_dim3A_3 : vector<16xf32> to vector<16xf32>
    tpu.vector_store %arg13[%swap3A_499], %swap3A_502 {strides = array<i32>} : memref<4096xf32, #tpu.memory_space<vmem>>, vector<16xf32>,
    %swap3A_503 = arith.constant 2000 : index
    %swap3A_504 = tpu.vector_load %arg13[%swap3A_503] {strides = array<i32>} : memref<4096xf32, #tpu.memory_space<vmem>>, vector<16xf32>,
    %swap3A_505 = vector.shape_cast %swap3A_504 : vector<16xf32> to vector<16xf32>
    %swap3A_506 = vector.shape_cast %broadcast_in_dim3A_3 : vector<16xf32> to vector<16xf32>
    tpu.vector_store %arg13[%swap3A_503], %swap3A_506 {strides = array<i32>} : memref<4096xf32, #tpu.memory_space<vmem>>, vector<16xf32>,
    %swap3A_507 = arith.constant 2016 : index
    %swap3A_508 = tpu.vector_load %arg13[%swap3A_507] {strides = array<i32>} : memref<4096xf32, #tpu.memory_space<vmem>>, vector<16xf32>,
    %swap3A_509 = vector.shape_cast %swap3A_508 : vector<16xf32> to vector<16xf32>
    %swap3A_510 = vector.shape_cast %broadcast_in_dim3A_3 : vector<16xf32> to vector<16xf32>
    tpu.vector_store %arg13[%swap3A_507], %swap3A_510 {strides = array<i32>} : memref<4096xf32, #tpu.memory_space<vmem>>, vector<16xf32>,
    %swap3A_511 = arith.constant 2032 : index
    %swap3A_512 = tpu.vector_load %arg13[%swap3A_511] {strides = array<i32>} : memref<4096xf32, #tpu.memory_space<vmem>>, vector<16xf32>,
    %swap3A_513 = vector.shape_cast %swap3A_512 : vector<16xf32> to vector<16xf32>
    %swap3A_514 = vector.shape_cast %broadcast_in_dim3A_3 : vector<16xf32> to vector<16xf32>
    tpu.vector_store %arg13[%swap3A_511], %swap3A_514 {strides = array<i32>} : memref<4096xf32, #tpu.memory_space<vmem>>, vector<16xf32>,
    %swap3A_515 = arith.constant 2048 : index
    %swap3A_516 = tpu.vector_load %arg13[%swap3A_515] {strides = array<i32>} : memref<4096xf32, #tpu.memory_space<vmem>>, vector<16xf32>,
    %swap3A_517 = vector.shape_cast %swap3A_516 : vector<16xf32> to vector<16xf32>
    %swap3A_518 = vector.shape_cast %broadcast_in_dim3A_3 : vector<16xf32> to vector<16xf32>
    tpu.vector_store %arg13[%swap3A_515], %swap3A_518 {strides = array<i32>} : memref<4096xf32, #tpu.memory_space<vmem>>, vector<16xf32>,
    %swap3A_519 = arith.constant 2064 : index
    %swap3A_520 = tpu.vector_load %arg13[%swap3A_519] {strides = array<i32>} : memref<4096xf32, #tpu.memory_space<vmem>>, vector<16xf32>,
    %swap3A_521 = vector.shape_cast %swap3A_520 : vector<16xf32> to vector<16xf32>
    %swap3A_522 = vector.shape_cast %broadcast_in_dim3A_3 : vector<16xf32> to vector<16xf32>
    tpu.vector_store %arg13[%swap3A_519], %swap3A_522 {strides = array<i32>} : memref<4096xf32, #tpu.memory_space<vmem>>, vector<16xf32>,
    %swap3A_523 = arith.constant 2080 : index
    %swap3A_524 = tpu.vector_load %arg13[%swap3A_523] {strides = array<i32>} : memref<4096xf32, #tpu.memory_space<vmem>>, vector<16xf32>,
    %swap3A_525 = vector.shape_cast %swap3A_524 : vector<16xf32> to vector<16xf32>
    %swap3A_526 = vector.shape_cast %broadcast_in_dim3A_3 : vector<16xf32> to vector<16xf32>
    tpu.vector_store %arg13[%swap3A_523], %swap3A_526 {strides = array<i32>} : memref<4096xf32, #tpu.memory_space<vmem>>, vector<16xf32>,
    %swap3A_527 = arith.constant 2096 : index
    %swap3A_528 = tpu.vector_load %arg13[%swap3A_527] {strides = array<i32>} : memref<4096xf32, #tpu.memory_space<vmem>>, vector<16xf32>,
    %swap3A_529 = vector.shape_cast %swap3A_528 : vector<16xf32> to vector<16xf32>
    %swap3A_530 = vector.shape_cast %broadcast_in_dim3A_3 : vector<16xf32> to vector<16xf32>
    tpu.vector_store %arg13[%swap3A_527], %swap3A_530 {strides = array<i32>} : memref<4096xf32, #tpu.memory_space<vmem>>, vector<16xf32>,
    %swap3A_531 = arith.constant 2112 : index
    %swap3A_532 = tpu.vector_load %arg13[%swap3A_531] {strides = array<i32>} : memref<4096xf32, #tpu.memory_space<vmem>>, vector<16xf32>,
    %swap3A_533 = vector.shape_cast %swap3A_532 : vector<16xf32> to vector<16xf32>
    %swap3A_534 = vector.shape_cast %broadcast_in_dim3A_3 : vector<16xf32> to vector<16xf32>
    tpu.vector_store %arg13[%swap3A_531], %swap3A_534 {strides = array<i32>} : memref<4096xf32, #tpu.memory_space<vmem>>, vector<16xf32>,
    %swap3A_535 = arith.constant 2128 : index
    %swap3A_536 = tpu.vector_load %arg13[%swap3A_535] {strides = array<i32>} : memref<4096xf32, #tpu.memory_space<vmem>>, vector<16xf32>,
    %swap3A_537 = vector.shape_cast %swap3A_536 : vector<16xf32> to vector<16xf32>
    %swap3A_538 = vector.shape_cast %broadcast_in_dim3A_3 : vector<16xf32> to vector<16xf32>
    tpu.vector_store %arg13[%swap3A_535], %swap3A_538 {strides = array<i32>} : memref<4096xf32, #tpu.memory_space<vmem>>, vector<16xf32>,
    %swap3A_539 = arith.constant 2144 : index
    %swap3A_540 = tpu.vector_load %arg13[%swap3A_539] {strides = array<i32>} : memref<4096xf32, #tpu.memory_space<vmem>>, vector<16xf32>,
    %swap3A_541 = vector.shape_cast %swap3A_540 : vector<16xf32> to vector<16xf32>
    %swap3A_542 = vector.shape_cast %broadcast_in_dim3A_3 : vector<16xf32> to vector<16xf32>
    tpu.vector_store %arg13[%swap3A_539], %swap3A_542 {strides = array<i32>} : memref<4096xf32, #tpu.memory_space<vmem>>, vector<16xf32>,
    %swap3A_543 = arith.constant 2160 : index
    %swap3A_544 = tpu.vector_load %arg13[%swap3A_543] {strides = array<i32>} : memref<4096xf32, #tpu.memory_space<vmem>>, vector<16xf32>,
    %swap3A_545 = vector.shape_cast %swap3A_544 : vector<16xf32> to vector<16xf32>
    %swap3A_546 = vector.shape_cast %broadcast_in_dim3A_3 : vector<16xf32> to vector<16xf32>
    tpu.vector_store %arg13[%swap3A_543], %swap3A_546 {strides = array<i32>} : memref<4096xf32, #tpu.memory_space<vmem>>, vector<16xf32>,
    %swap3A_547 = arith.constant 2176 : index
    %swap3A_548 = tpu.vector_load %arg13[%swap3A_547] {strides = array<i32>} : memref<4096xf32, #tpu.memory_space<vmem>>, vector<16xf32>,
    %swap3A_549 = vector.shape_cast %swap3A_548 : vector<16xf32> to vector<16xf32>
    %swap3A_550 = vector.shape_cast %broadcast_in_dim3A_3 : vector<16xf32> to vector<16xf32>
    tpu.vector_store %arg13[%swap3A_547], %swap3A_550 {strides = array<i32>} : memref<4096xf32, #tpu.memory_space<vmem>>, vector<16xf32>,
    %swap3A_551 = arith.constant 2192 : index
    %swap3A_552 = tpu.vector_load %arg13[%swap3A_551] {strides = array<i32>} : memref<4096xf32, #tpu.memory_space<vmem>>, vector<16xf32>,
    %swap3A_553 = vector.shape_cast %swap3A_552 : vector<16xf32> to vector<16xf32>
    %swap3A_554 = vector.shape_cast %broadcast_in_dim3A_3 : vector<16xf32> to vector<16xf32>
    tpu.vector_store %arg13[%swap3A_551], %swap3A_554 {strides = array<i32>} : memref<4096xf32, #tpu.memory_space<vmem>>, vector<16xf32>,
    %swap3A_555 = arith.constant 2208 : index
    %swap3A_556 = tpu.vector_load %arg13[%swap3A_555] {strides = array<i32>} : memref<4096xf32, #tpu.memory_space<vmem>>, vector<16xf32>,
    %swap3A_557 = vector.shape_cast %swap3A_556 : vector<16xf32> to vector<16xf32>
    %swap3A_558 = vector.shape_cast %broadcast_in_dim3A_3 : vector<16xf32> to vector<16xf32>
    tpu.vector_store %arg13[%swap3A_555], %swap3A_558 {strides = array<i32>} : memref<4096xf32, #tpu.memory_space<vmem>>, vector<16xf32>,
    %swap3A_559 = arith.constant 2224 : index
    %swap3A_560 = tpu.vector_load %arg13[%swap3A_559] {strides = array<i32>} : memref<4096xf32, #tpu.memory_space<vmem>>, vector<16xf32>,
    %swap3A_561 = vector.shape_cast %swap3A_560 : vector<16xf32> to vector<16xf32>
    %swap3A_562 = vector.shape_cast %broadcast_in_dim3A_3 : vector<16xf32> to vector<16xf32>
    tpu.vector_store %arg13[%swap3A_559], %swap3A_562 {strides = array<i32>} : memref<4096xf32, #tpu.memory_space<vmem>>, vector<16xf32>,
    %swap3A_563 = arith.constant 2240 : index
    %swap3A_564 = tpu.vector_load %arg13[%swap3A_563] {strides = array<i32>} : memref<4096xf32, #tpu.memory_space<vmem>>, vector<16xf32>,
    %swap3A_565 = vector.shape_cast %swap3A_564 : vector<16xf32> to vector<16xf32>
    %swap3A_566 = vector.shape_cast %broadcast_in_dim3A_3 : vector<16xf32> to vector<16xf32>
    tpu.vector_store %arg13[%swap3A_563], %swap3A_566 {strides = array<i32>} : memref<4096xf32, #tpu.memory_space<vmem>>, vector<16xf32>,
    %swap3A_567 = arith.constant 2256 : index
    %swap3A_568 = tpu.vector_load %arg13[%swap3A_567] {strides = array<i32>} : memref<4096xf32, #tpu.memory_space<vmem>>, vector<16xf32>,
    %swap3A_569 = vector.shape_cast %swap3A_568 : vector<16xf32> to vector<16xf32>
    %swap3A_570 = vector.shape_cast %broadcast_in_dim3A_3 : vector<16xf32> to vector<16xf32>
    tpu.vector_store %arg13[%swap3A_567], %swap3A_570 {strides = array<i32>} : memref<4096xf32, #tpu.memory_space<vmem>>, vector<16xf32>,
    %swap3A_571 = arith.constant 2272 : index
    %swap3A_572 = tpu.vector_load %arg13[%swap3A_571] {strides = array<i32>} : memref<4096xf32, #tpu.memory_space<vmem>>, vector<16xf32>,
    %swap3A_573 = vector.shape_cast %swap3A_572 : vector<16xf32> to vector<16xf32>
    %swap3A_574 = vector.shape_cast %broadcast_in_dim3A_3 : vector<16xf32> to vector<16xf32>
    tpu.vector_store %arg13[%swap3A_571], %swap3A_574 {strides = array<i32>} : memref<4096xf32, #tpu.memory_space<vmem>>, vector<16xf32>,
    %swap3A_575 = arith.constant 2288 : index
    %swap3A_576 = tpu.vector_load %arg13[%swap3A_575] {strides = array<i32>} : memref<4096xf32, #tpu.memory_space<vmem>>, vector<16xf32>,
    %swap3A_577 = vector.shape_cast %swap3A_576 : vector<16xf32> to vector<16xf32>
    %swap3A_578 = vector.shape_cast %broadcast_in_dim3A_3 : vector<16xf32> to vector<16xf32>
    tpu.vector_store %arg13[%swap3A_575], %swap3A_578 {strides = array<i32>} : memref<4096xf32, #tpu.memory_space<vmem>>, vector<16xf32>,
    %swap3A_579 = arith.constant 2304 : index
    %swap3A_580 = tpu.vector_load %arg13[%swap3A_579] {strides = array<i32>} : memref<4096xf32, #tpu.memory_space<vmem>>, vector<16xf32>,
    %swap3A_581 = vector.shape_cast %swap3A_580 : vector<16xf32> to vector<16xf32>
    %swap3A_582 = vector.shape_cast %broadcast_in_dim3A_3 : vector<16xf32> to vector<16xf32>
    tpu.vector_store %arg13[%swap3A_579], %swap3A_582 {strides = array<i32>} : memref<4096xf32, #tpu.memory_space<vmem>>, vector<16xf32>,
    %swap3A_583 = arith.constant 2320 : index
    %swap3A_584 = tpu.vector_load %arg13[%swap3A_583] {strides = array<i32>} : memref<4096xf32, #tpu.memory_space<vmem>>, vector<16xf32>,
    %swap3A_585 = vector.shape_cast %swap3A_584 : vector<16xf32> to vector<16xf32>
    %swap3A_586 = vector.shape_cast %broadcast_in_dim3A_3 : vector<16xf32> to vector<16xf32>
    tpu.vector_store %arg13[%swap3A_583], %swap3A_586 {strides = array<i32>} : memref<4096xf32, #tpu.memory_space<vmem>>, vector<16xf32>,
    %swap3A_587 = arith.constant 2336 : index
    %swap3A_588 = tpu.vector_load %arg13[%swap3A_587] {strides = array<i32>} : memref<4096xf32, #tpu.memory_space<vmem>>, vector<16xf32>,
    %swap3A_589 = vector.shape_cast %swap3A_588 : vector<16xf32> to vector<16xf32>
    %swap3A_590 = vector.shape_cast %broadcast_in_dim3A_3 : vector<16xf32> to vector<16xf32>
    tpu.vector_store %arg13[%swap3A_587], %swap3A_590 {strides = array<i32>} : memref<4096xf32, #tpu.memory_space<vmem>>, vector<16xf32>,
    %swap3A_591 = arith.constant 2352 : index
    %swap3A_592 = tpu.vector_load %arg13[%swap3A_591] {strides = array<i32>} : memref<4096xf32, #tpu.memory_space<vmem>>, vector<16xf32>,
    %swap3A_593 = vector.shape_cast %swap3A_592 : vector<16xf32> to vector<16xf32>
    %swap3A_594 = vector.shape_cast %broadcast_in_dim3A_3 : vector<16xf32> to vector<16xf32>
    tpu.vector_store %arg13[%swap3A_591], %swap3A_594 {strides = array<i32>} : memref<4096xf32, #tpu.memory_space<vmem>>, vector<16xf32>,
    %swap3A_595 = arith.constant 2368 : index
    %swap3A_596 = tpu.vector_load %arg13[%swap3A_595] {strides = array<i32>} : memref<4096xf32, #tpu.memory_space<vmem>>, vector<16xf32>,
    %swap3A_597 = vector.shape_cast %swap3A_596 : vector<16xf32> to vector<16xf32>
    %swap3A_598 = vector.shape_cast %broadcast_in_dim3A_3 : vector<16xf32> to vector<16xf32>
    tpu.vector_store %arg13[%swap3A_595], %swap3A_598 {strides = array<i32>} : memref<4096xf32, #tpu.memory_space<vmem>>, vector<16xf32>,
    %swap3A_599 = arith.constant 2384 : index
    %swap3A_600 = tpu.vector_load %arg13[%swap3A_599] {strides = array<i32>} : memref<4096xf32, #tpu.memory_space<vmem>>, vector<16xf32>,
    %swap3A_601 = vector.shape_cast %swap3A_600 : vector<16xf32> to vector<16xf32>
    %swap3A_602 = vector.shape_cast %broadcast_in_dim3A_3 : vector<16xf32> to vector<16xf32>
    tpu.vector_store %arg13[%swap3A_599], %swap3A_602 {strides = array<i32>} : memref<4096xf32, #tpu.memory_space<vmem>>, vector<16xf32>,
    %swap3A_603 = arith.constant 2400 : index
    %swap3A_604 = tpu.vector_load %arg13[%swap3A_603] {strides = array<i32>} : memref<4096xf32, #tpu.memory_space<vmem>>, vector<16xf32>,
    %swap3A_605 = vector.shape_cast %swap3A_604 : vector<16xf32> to vector<16xf32>
    %swap3A_606 = vector.shape_cast %broadcast_in_dim3A_3 : vector<16xf32> to vector<16xf32>
    tpu.vector_store %arg13[%swap3A_603], %swap3A_606 {strides = array<i32>} : memref<4096xf32, #tpu.memory_space<vmem>>, vector<16xf32>,
    %swap3A_607 = arith.constant 2416 : index
    %swap3A_608 = tpu.vector_load %arg13[%swap3A_607] {strides = array<i32>} : memref<4096xf32, #tpu.memory_space<vmem>>, vector<16xf32>,
    %swap3A_609 = vector.shape_cast %swap3A_608 : vector<16xf32> to vector<16xf32>
    %swap3A_610 = vector.shape_cast %broadcast_in_dim3A_3 : vector<16xf32> to vector<16xf32>
    tpu.vector_store %arg13[%swap3A_607], %swap3A_610 {strides = array<i32>} : memref<4096xf32, #tpu.memory_space<vmem>>, vector<16xf32>,
    %swap3A_611 = arith.constant 2432 : index
    %swap3A_612 = tpu.vector_load %arg13[%swap3A_611] {strides = array<i32>} : memref<4096xf32, #tpu.memory_space<vmem>>, vector<16xf32>,
    %swap3A_613 = vector.shape_cast %swap3A_612 : vector<16xf32> to vector<16xf32>
    %swap3A_614 = vector.shape_cast %broadcast_in_dim3A_3 : vector<16xf32> to vector<16xf32>
    tpu.vector_store %arg13[%swap3A_611], %swap3A_614 {strides = array<i32>} : memref<4096xf32, #tpu.memory_space<vmem>>, vector<16xf32>,
    %swap3A_615 = arith.constant 2448 : index
    %swap3A_616 = tpu.vector_load %arg13[%swap3A_615] {strides = array<i32>} : memref<4096xf32, #tpu.memory_space<vmem>>, vector<16xf32>,
    %swap3A_617 = vector.shape_cast %swap3A_616 : vector<16xf32> to vector<16xf32>
    %swap3A_618 = vector.shape_cast %broadcast_in_dim3A_3 : vector<16xf32> to vector<16xf32>
    tpu.vector_store %arg13[%swap3A_615], %swap3A_618 {strides = array<i32>} : memref<4096xf32, #tpu.memory_space<vmem>>, vector<16xf32>,
    %swap3A_619 = arith.constant 2464 : index
    %swap3A_620 = tpu.vector_load %arg13[%swap3A_619] {strides = array<i32>} : memref<4096xf32, #tpu.memory_space<vmem>>, vector<16xf32>,
    %swap3A_621 = vector.shape_cast %swap3A_620 : vector<16xf32> to vector<16xf32>
    %swap3A_622 = vector.shape_cast %broadcast_in_dim3A_3 : vector<16xf32> to vector<16xf32>
    tpu.vector_store %arg13[%swap3A_619], %swap3A_622 {strides = array<i32>} : memref<4096xf32, #tpu.memory_space<vmem>>, vector<16xf32>,
    %swap3A_623 = arith.constant 2480 : index
    %swap3A_624 = tpu.vector_load %arg13[%swap3A_623] {strides = array<i32>} : memref<4096xf32, #tpu.memory_space<vmem>>, vector<16xf32>,
    %swap3A_625 = vector.shape_cast %swap3A_624 : vector<16xf32> to vector<16xf32>
    %swap3A_626 = vector.shape_cast %broadcast_in_dim3A_3 : vector<16xf32> to vector<16xf32>
    tpu.vector_store %arg13[%swap3A_623], %swap3A_626 {strides = array<i32>} : memref<4096xf32, #tpu.memory_space<vmem>>, vector<16xf32>,
    %swap3A_627 = arith.constant 2496 : index
    %swap3A_628 = tpu.vector_load %arg13[%swap3A_627] {strides = array<i32>} : memref<4096xf32, #tpu.memory_space<vmem>>, vector<16xf32>,
    %swap3A_629 = vector.shape_cast %swap3A_628 : vector<16xf32> to vector<16xf32>
    %swap3A_630 = vector.shape_cast %broadcast_in_dim3A_3 : vector<16xf32> to vector<16xf32>
    tpu.vector_store %arg13[%swap3A_627], %swap3A_630 {strides = array<i32>} : memref<4096xf32, #tpu.memory_space<vmem>>, vector<16xf32>,
    %swap3A_631 = arith.constant 2512 : index
    %swap3A_632 = tpu.vector_load %arg13[%swap3A_631] {strides = array<i32>} : memref<4096xf32, #tpu.memory_space<vmem>>, vector<16xf32>,
    %swap3A_633 = vector.shape_cast %swap3A_632 : vector<16xf32> to vector<16xf32>
    %swap3A_634 = vector.shape_cast %broadcast_in_dim3A_3 : vector<16xf32> to vector<16xf32>
    tpu.vector_store %arg13[%swap3A_631], %swap3A_634 {strides = array<i32>} : memref<4096xf32, #tpu.memory_space<vmem>>, vector<16xf32>,
    %swap3A_635 = arith.constant 2528 : index
    %swap3A_636 = tpu.vector_load %arg13[%swap3A_635] {strides = array<i32>} : memref<4096xf32, #tpu.memory_space<vmem>>, vector<16xf32>,
    %swap3A_637 = vector.shape_cast %swap3A_636 : vector<16xf32> to vector<16xf32>
    %swap3A_638 = vector.shape_cast %broadcast_in_dim3A_3 : vector<16xf32> to vector<16xf32>
    tpu.vector_store %arg13[%swap3A_635], %swap3A_638 {strides = array<i32>} : memref<4096xf32, #tpu.memory_space<vmem>>, vector<16xf32>,
    %swap3A_639 = arith.constant 2544 : index
    %swap3A_640 = tpu.vector_load %arg13[%swap3A_639] {strides = array<i32>} : memref<4096xf32, #tpu.memory_space<vmem>>, vector<16xf32>,
    %swap3A_641 = vector.shape_cast %swap3A_640 : vector<16xf32> to vector<16xf32>
    %swap3A_642 = vector.shape_cast %broadcast_in_dim3A_3 : vector<16xf32> to vector<16xf32>
    tpu.vector_store %arg13[%swap3A_639], %swap3A_642 {strides = array<i32>} : memref<4096xf32, #tpu.memory_space<vmem>>, vector<16xf32>,
    %swap3A_643 = arith.constant 2560 : index
    %swap3A_644 = tpu.vector_load %arg13[%swap3A_643] {strides = array<i32>} : memref<4096xf32, #tpu.memory_space<vmem>>, vector<16xf32>,
    %swap3A_645 = vector.shape_cast %swap3A_644 : vector<16xf32> to vector<16xf32>
    %swap3A_646 = vector.shape_cast %broadcast_in_dim3A_3 : vector<16xf32> to vector<16xf32>
    tpu.vector_store %arg13[%swap3A_643], %swap3A_646 {strides = array<i32>} : memref<4096xf32, #tpu.memory_space<vmem>>, vector<16xf32>,
    %swap3A_647 = arith.constant 2576 : index
    %swap3A_648 = tpu.vector_load %arg13[%swap3A_647] {strides = array<i32>} : memref<4096xf32, #tpu.memory_space<vmem>>, vector<16xf32>,
    %swap3A_649 = vector.shape_cast %swap3A_648 : vector<16xf32> to vector<16xf32>
    %swap3A_650 = vector.shape_cast %broadcast_in_dim3A_3 : vector<16xf32> to vector<16xf32>
    tpu.vector_store %arg13[%swap3A_647], %swap3A_650 {strides = array<i32>} : memref<4096xf32, #tpu.memory_space<vmem>>, vector<16xf32>,
    %swap3A_651 = arith.constant 2592 : index
    %swap3A_652 = tpu.vector_load %arg13[%swap3A_651] {strides = array<i32>} : memref<4096xf32, #tpu.memory_space<vmem>>, vector<16xf32>,
    %swap3A_653 = vector.shape_cast %swap3A_652 : vector<16xf32> to vector<16xf32>
    %swap3A_654 = vector.shape_cast %broadcast_in_dim3A_3 : vector<16xf32> to vector<16xf32>
    tpu.vector_store %arg13[%swap3A_651], %swap3A_654 {strides = array<i32>} : memref<4096xf32, #tpu.memory_space<vmem>>, vector<16xf32>,
    %swap3A_655 = arith.constant 2608 : index
    %swap3A_656 = tpu.vector_load %arg13[%swap3A_655] {strides = array<i32>} : memref<4096xf32, #tpu.memory_space<vmem>>, vector<16xf32>,
    %swap3A_657 = vector.shape_cast %swap3A_656 : vector<16xf32> to vector<16xf32>
    %swap3A_658 = vector.shape_cast %broadcast_in_dim3A_3 : vector<16xf32> to vector<16xf32>
    tpu.vector_store %arg13[%swap3A_655], %swap3A_658 {strides = array<i32>} : memref<4096xf32, #tpu.memory_space<vmem>>, vector<16xf32>,
    %swap3A_659 = arith.constant 2624 : index
    %swap3A_660 = tpu.vector_load %arg13[%swap3A_659] {strides = array<i32>} : memref<4096xf32, #tpu.memory_space<vmem>>, vector<16xf32>,
    %swap3A_661 = vector.shape_cast %swap3A_660 : vector<16xf32> to vector<16xf32>
    %swap3A_662 = vector.shape_cast %broadcast_in_dim3A_3 : vector<16xf32> to vector<16xf32>
    tpu.vector_store %arg13[%swap3A_659], %swap3A_662 {strides = array<i32>} : memref<4096xf32, #tpu.memory_space<vmem>>, vector<16xf32>,
    %swap3A_663 = arith.constant 2640 : index
    %swap3A_664 = tpu.vector_load %arg13[%swap3A_663] {strides = array<i32>} : memref<4096xf32, #tpu.memory_space<vmem>>, vector<16xf32>,
    %swap3A_665 = vector.shape_cast %swap3A_664 : vector<16xf32> to vector<16xf32>
    %swap3A_666 = vector.shape_cast %broadcast_in_dim3A_3 : vector<16xf32> to vector<16xf32>
    tpu.vector_store %arg13[%swap3A_663], %swap3A_666 {strides = array<i32>} : memref<4096xf32, #tpu.memory_space<vmem>>, vector<16xf32>,
    %swap3A_667 = arith.constant 2656 : index
    %swap3A_668 = tpu.vector_load %arg13[%swap3A_667] {strides = array<i32>} : memref<4096xf32, #tpu.memory_space<vmem>>, vector<16xf32>,
    %swap3A_669 = vector.shape_cast %swap3A_668 : vector<16xf32> to vector<16xf32>
    %swap3A_670 = vector.shape_cast %broadcast_in_dim3A_3 : vector<16xf32> to vector<16xf32>
    tpu.vector_store %arg13[%swap3A_667], %swap3A_670 {strides = array<i32>} : memref<4096xf32, #tpu.memory_space<vmem>>, vector<16xf32>,
    %swap3A_671 = arith.constant 2672 : index
    %swap3A_672 = tpu.vector_load %arg13[%swap3A_671] {strides = array<i32>} : memref<4096xf32, #tpu.memory_space<vmem>>, vector<16xf32>,
    %swap3A_673 = vector.shape_cast %swap3A_672 : vector<16xf32> to vector<16xf32>
    %swap3A_674 = vector.shape_cast %broadcast_in_dim3A_3 : vector<16xf32> to vector<16xf32>
    tpu.vector_store %arg13[%swap3A_671], %swap3A_674 {strides = array<i32>} : memref<4096xf32, #tpu.memory_space<vmem>>, vector<16xf32>,
    %swap3A_675 = arith.constant 2688 : index
    %swap3A_676 = tpu.vector_load %arg13[%swap3A_675] {strides = array<i32>} : memref<4096xf32, #tpu.memory_space<vmem>>, vector<16xf32>,
    %swap3A_677 = vector.shape_cast %swap3A_676 : vector<16xf32> to vector<16xf32>
    %swap3A_678 = vector.shape_cast %broadcast_in_dim3A_3 : vector<16xf32> to vector<16xf32>
    tpu.vector_store %arg13[%swap3A_675], %swap3A_678 {strides = array<i32>} : memref<4096xf32, #tpu.memory_space<vmem>>, vector<16xf32>,
    %swap3A_679 = arith.constant 2704 : index
    %swap3A_680 = tpu.vector_load %arg13[%swap3A_679] {strides = array<i32>} : memref<4096xf32, #tpu.memory_space<vmem>>, vector<16xf32>,
    %swap3A_681 = vector.shape_cast %swap3A_680 : vector<16xf32> to vector<16xf32>
    %swap3A_682 = vector.shape_cast %broadcast_in_dim3A_3 : vector<16xf32> to vector<16xf32>
    tpu.vector_store %arg13[%swap3A_679], %swap3A_682 {strides = array<i32>} : memref<4096xf32, #tpu.memory_space<vmem>>, vector<16xf32>,
    %swap3A_683 = arith.constant 2720 : index
    %swap3A_684 = tpu.vector_load %arg13[%swap3A_683] {strides = array<i32>} : memref<4096xf32, #tpu.memory_space<vmem>>, vector<16xf32>,
    %swap3A_685 = vector.shape_cast %swap3A_684 : vector<16xf32> to vector<16xf32>
    %swap3A_686 = vector.shape_cast %broadcast_in_dim3A_3 : vector<16xf32> to vector<16xf32>
    tpu.vector_store %arg13[%swap3A_683], %swap3A_686 {strides = array<i32>} : memref<4096xf32, #tpu.memory_space<vmem>>, vector<16xf32>,
    %swap3A_687 = arith.constant 2736 : index
    %swap3A_688 = tpu.vector_load %arg13[%swap3A_687] {strides = array<i32>} : memref<4096xf32, #tpu.memory_space<vmem>>, vector<16xf32>,
    %swap3A_689 = vector.shape_cast %swap3A_688 : vector<16xf32> to vector<16xf32>
    %swap3A_690 = vector.shape_cast %broadcast_in_dim3A_3 : vector<16xf32> to vector<16xf32>
    tpu.vector_store %arg13[%swap3A_687], %swap3A_690 {strides = array<i32>} : memref<4096xf32, #tpu.memory_space<vmem>>, vector<16xf32>,
    %swap3A_691 = arith.constant 2752 : index
    %swap3A_692 = tpu.vector_load %arg13[%swap3A_691] {strides = array<i32>} : memref<4096xf32, #tpu.memory_space<vmem>>, vector<16xf32>,
    %swap3A_693 = vector.shape_cast %swap3A_692 : vector<16xf32> to vector<16xf32>
    %swap3A_694 = vector.shape_cast %broadcast_in_dim3A_3 : vector<16xf32> to vector<16xf32>
    tpu.vector_store %arg13[%swap3A_691], %swap3A_694 {strides = array<i32>} : memref<4096xf32, #tpu.memory_space<vmem>>, vector<16xf32>,
    %swap3A_695 = arith.constant 2768 : index
    %swap3A_696 = tpu.vector_load %arg13[%swap3A_695] {strides = array<i32>} : memref<4096xf32, #tpu.memory_space<vmem>>, vector<16xf32>,
    %swap3A_697 = vector.shape_cast %swap3A_696 : vector<16xf32> to vector<16xf32>
    %swap3A_698 = vector.shape_cast %broadcast_in_dim3A_3 : vector<16xf32> to vector<16xf32>
    tpu.vector_store %arg13[%swap3A_695], %swap3A_698 {strides = array<i32>} : memref<4096xf32, #tpu.memory_space<vmem>>, vector<16xf32>,
    %swap3A_699 = arith.constant 2784 : index
    %swap3A_700 = tpu.vector_load %arg13[%swap3A_699] {strides = array<i32>} : memref<4096xf32, #tpu.memory_space<vmem>>, vector<16xf32>,
    %swap3A_701 = vector.shape_cast %swap3A_700 : vector<16xf32> to vector<16xf32>
    %swap3A_702 = vector.shape_cast %broadcast_in_dim3A_3 : vector<16xf32> to vector<16xf32>
    tpu.vector_store %arg13[%swap3A_699], %swap3A_702 {strides = array<i32>} : memref<4096xf32, #tpu.memory_space<vmem>>, vector<16xf32>,
    %swap3A_703 = arith.constant 2800 : index
    %swap3A_704 = tpu.vector_load %arg13[%swap3A_703] {strides = array<i32>} : memref<4096xf32, #tpu.memory_space<vmem>>, vector<16xf32>,
    %swap3A_705 = vector.shape_cast %swap3A_704 : vector<16xf32> to vector<16xf32>
    %swap3A_706 = vector.shape_cast %broadcast_in_dim3A_3 : vector<16xf32> to vector<16xf32>
    tpu.vector_store %arg13[%swap3A_703], %swap3A_706 {strides = array<i32>} : memref<4096xf32, #tpu.memory_space<vmem>>, vector<16xf32>,
    %swap3A_707 = arith.constant 2816 : index
    %swap3A_708 = tpu.vector_load %arg13[%swap3A_707] {strides = array<i32>} : memref<4096xf32, #tpu.memory_space<vmem>>, vector<16xf32>,
    %swap3A_709 = vector.shape_cast %swap3A_708 : vector<16xf32> to vector<16xf32>
    %swap3A_710 = vector.shape_cast %broadcast_in_dim3A_3 : vector<16xf32> to vector<16xf32>
    tpu.vector_store %arg13[%swap3A_707], %swap3A_710 {strides = array<i32>} : memref<4096xf32, #tpu.memory_space<vmem>>, vector<16xf32>,
    %swap3A_711 = arith.constant 2832 : index
    %swap3A_712 = tpu.vector_load %arg13[%swap3A_711] {strides = array<i32>} : memref<4096xf32, #tpu.memory_space<vmem>>, vector<16xf32>,
    %swap3A_713 = vector.shape_cast %swap3A_712 : vector<16xf32> to vector<16xf32>
    %swap3A_714 = vector.shape_cast %broadcast_in_dim3A_3 : vector<16xf32> to vector<16xf32>
    tpu.vector_store %arg13[%swap3A_711], %swap3A_714 {strides = array<i32>} : memref<4096xf32, #tpu.memory_space<vmem>>, vector<16xf32>,
    %swap3A_715 = arith.constant 2848 : index
    %swap3A_716 = tpu.vector_load %arg13[%swap3A_715] {strides = array<i32>} : memref<4096xf32, #tpu.memory_space<vmem>>, vector<16xf32>,
    %swap3A_717 = vector.shape_cast %swap3A_716 : vector<16xf32> to vector<16xf32>
    %swap3A_718 = vector.shape_cast %broadcast_in_dim3A_3 : vector<16xf32> to vector<16xf32>
    tpu.vector_store %arg13[%swap3A_715], %swap3A_718 {strides = array<i32>} : memref<4096xf32, #tpu.memory_space<vmem>>, vector<16xf32>,
    %swap3A_719 = arith.constant 2864 : index
    %swap3A_720 = tpu.vector_load %arg13[%swap3A_719] {strides = array<i32>} : memref<4096xf32, #tpu.memory_space<vmem>>, vector<16xf32>,
    %swap3A_721 = vector.shape_cast %swap3A_720 : vector<16xf32> to vector<16xf32>
    %swap3A_722 = vector.shape_cast %broadcast_in_dim3A_3 : vector<16xf32> to vector<16xf32>
    tpu.vector_store %arg13[%swap3A_719], %swap3A_722 {strides = array<i32>} : memref<4096xf32, #tpu.memory_space<vmem>>, vector<16xf32>,
    %swap3A_723 = arith.constant 2880 : index
    %swap3A_724 = tpu.vector_load %arg13[%swap3A_723] {strides = array<i32>} : memref<4096xf32, #tpu.memory_space<vmem>>, vector<16xf32>,
    %swap3A_725 = vector.shape_cast %swap3A_724 : vector<16xf32> to vector<16xf32>
    %swap3A_726 = vector.shape_cast %broadcast_in_dim3A_3 : vector<16xf32> to vector<16xf32>
    tpu.vector_store %arg13[%swap3A_723], %swap3A_726 {strides = array<i32>} : memref<4096xf32, #tpu.memory_space<vmem>>, vector<16xf32>,
    %swap3A_727 = arith.constant 2896 : index
    %swap3A_728 = tpu.vector_load %arg13[%swap3A_727] {strides = array<i32>} : memref<4096xf32, #tpu.memory_space<vmem>>, vector<16xf32>,
    %swap3A_729 = vector.shape_cast %swap3A_728 : vector<16xf32> to vector<16xf32>
    %swap3A_730 = vector.shape_cast %broadcast_in_dim3A_3 : vector<16xf32> to vector<16xf32>
    tpu.vector_store %arg13[%swap3A_727], %swap3A_730 {strides = array<i32>} : memref<4096xf32, #tpu.memory_space<vmem>>, vector<16xf32>,
    %swap3A_731 = arith.constant 2912 : index
    %swap3A_732 = tpu.vector_load %arg13[%swap3A_731] {strides = array<i32>} : memref<4096xf32, #tpu.memory_space<vmem>>, vector<16xf32>,
    %swap3A_733 = vector.shape_cast %swap3A_732 : vector<16xf32> to vector<16xf32>
    %swap3A_734 = vector.shape_cast %broadcast_in_dim3A_3 : vector<16xf32> to vector<16xf32>
    tpu.vector_store %arg13[%swap3A_731], %swap3A_734 {strides = array<i32>} : memref<4096xf32, #tpu.memory_space<vmem>>, vector<16xf32>,
    %swap3A_735 = arith.constant 2928 : index
    %swap3A_736 = tpu.vector_load %arg13[%swap3A_735] {strides = array<i32>} : memref<4096xf32, #tpu.memory_space<vmem>>, vector<16xf32>,
    %swap3A_737 = vector.shape_cast %swap3A_736 : vector<16xf32> to vector<16xf32>
    %swap3A_738 = vector.shape_cast %broadcast_in_dim3A_3 : vector<16xf32> to vector<16xf32>
    tpu.vector_store %arg13[%swap3A_735], %swap3A_738 {strides = array<i32>} : memref<4096xf32, #tpu.memory_space<vmem>>, vector<16xf32>,
    %swap3A_739 = arith.constant 2944 : index
    %swap3A_740 = tpu.vector_load %arg13[%swap3A_739] {strides = array<i32>} : memref<4096xf32, #tpu.memory_space<vmem>>, vector<16xf32>,
    %swap3A_741 = vector.shape_cast %swap3A_740 : vector<16xf32> to vector<16xf32>
    %swap3A_742 = vector.shape_cast %broadcast_in_dim3A_3 : vector<16xf32> to vector<16xf32>
    tpu.vector_store %arg13[%swap3A_739], %swap3A_742 {strides = array<i32>} : memref<4096xf32, #tpu.memory_space<vmem>>, vector<16xf32>,
    %swap3A_743 = arith.constant 2960 : index
    %swap3A_744 = tpu.vector_load %arg13[%swap3A_743] {strides = array<i32>} : memref<4096xf32, #tpu.memory_space<vmem>>, vector<16xf32>,
    %swap3A_745 = vector.shape_cast %swap3A_744 : vector<16xf32> to vector<16xf32>
    %swap3A_746 = vector.shape_cast %broadcast_in_dim3A_3 : vector<16xf32> to vector<16xf32>
    tpu.vector_store %arg13[%swap3A_743], %swap3A_746 {strides = array<i32>} : memref<4096xf32, #tpu.memory_space<vmem>>, vector<16xf32>,
    %swap3A_747 = arith.constant 2976 : index
    %swap3A_748 = tpu.vector_load %arg13[%swap3A_747] {strides = array<i32>} : memref<4096xf32, #tpu.memory_space<vmem>>, vector<16xf32>,
    %swap3A_749 = vector.shape_cast %swap3A_748 : vector<16xf32> to vector<16xf32>
    %swap3A_750 = vector.shape_cast %broadcast_in_dim3A_3 : vector<16xf32> to vector<16xf32>
    tpu.vector_store %arg13[%swap3A_747], %swap3A_750 {strides = array<i32>} : memref<4096xf32, #tpu.memory_space<vmem>>, vector<16xf32>,
    %swap3A_751 = arith.constant 2992 : index
    %swap3A_752 = tpu.vector_load %arg13[%swap3A_751] {strides = array<i32>} : memref<4096xf32, #tpu.memory_space<vmem>>, vector<16xf32>,
    %swap3A_753 = vector.shape_cast %swap3A_752 : vector<16xf32> to vector<16xf32>
    %swap3A_754 = vector.shape_cast %broadcast_in_dim3A_3 : vector<16xf32> to vector<16xf32>
    tpu.vector_store %arg13[%swap3A_751], %swap3A_754 {strides = array<i32>} : memref<4096xf32, #tpu.memory_space<vmem>>, vector<16xf32>,
    %swap3A_755 = arith.constant 3008 : index
    %swap3A_756 = tpu.vector_load %arg13[%swap3A_755] {strides = array<i32>} : memref<4096xf32, #tpu.memory_space<vmem>>, vector<16xf32>,
    %swap3A_757 = vector.shape_cast %swap3A_756 : vector<16xf32> to vector<16xf32>
    %swap3A_758 = vector.shape_cast %broadcast_in_dim3A_3 : vector<16xf32> to vector<16xf32>
    tpu.vector_store %arg13[%swap3A_755], %swap3A_758 {strides = array<i32>} : memref<4096xf32, #tpu.memory_space<vmem>>, vector<16xf32>,
    %swap3A_759 = arith.constant 3024 : index
    %swap3A_760 = tpu.vector_load %arg13[%swap3A_759] {strides = array<i32>} : memref<4096xf32, #tpu.memory_space<vmem>>, vector<16xf32>,
    %swap3A_761 = vector.shape_cast %swap3A_760 : vector<16xf32> to vector<16xf32>
    %swap3A_762 = vector.shape_cast %broadcast_in_dim3A_3 : vector<16xf32> to vector<16xf32>
    tpu.vector_store %arg13[%swap3A_759], %swap3A_762 {strides = array<i32>} : memref<4096xf32, #tpu.memory_space<vmem>>, vector<16xf32>,
    %swap3A_763 = arith.constant 3040 : index
    %swap3A_764 = tpu.vector_load %arg13[%swap3A_763] {strides = array<i32>} : memref<4096xf32, #tpu.memory_space<vmem>>, vector<16xf32>,
    %swap3A_765 = vector.shape_cast %swap3A_764 : vector<16xf32> to vector<16xf32>
    %swap3A_766 = vector.shape_cast %broadcast_in_dim3A_3 : vector<16xf32> to vector<16xf32>
    tpu.vector_store %arg13[%swap3A_763], %swap3A_766 {strides = array<i32>} : memref<4096xf32, #tpu.memory_space<vmem>>, vector<16xf32>,
    %swap3A_767 = arith.constant 3056 : index
    %swap3A_768 = tpu.vector_load %arg13[%swap3A_767] {strides = array<i32>} : memref<4096xf32, #tpu.memory_space<vmem>>, vector<16xf32>,
    %swap3A_769 = vector.shape_cast %swap3A_768 : vector<16xf32> to vector<16xf32>
    %swap3A_770 = vector.shape_cast %broadcast_in_dim3A_3 : vector<16xf32> to vector<16xf32>
    tpu.vector_store %arg13[%swap3A_767], %swap3A_770 {strides = array<i32>} : memref<4096xf32, #tpu.memory_space<vmem>>, vector<16xf32>,
    %swap3A_771 = arith.constant 3072 : index
    %swap3A_772 = tpu.vector_load %arg13[%swap3A_771] {strides = array<i32>} : memref<4096xf32, #tpu.memory_space<vmem>>, vector<16xf32>,
    %swap3A_773 = vector.shape_cast %swap3A_772 : vector<16xf32> to vector<16xf32>
    %swap3A_774 = vector.shape_cast %broadcast_in_dim3A_3 : vector<16xf32> to vector<16xf32>
    tpu.vector_store %arg13[%swap3A_771], %swap3A_774 {strides = array<i32>} : memref<4096xf32, #tpu.memory_space<vmem>>, vector<16xf32>,
    %swap3A_775 = arith.constant 3088 : index
    %swap3A_776 = tpu.vector_load %arg13[%swap3A_775] {strides = array<i32>} : memref<4096xf32, #tpu.memory_space<vmem>>, vector<16xf32>,
    %swap3A_777 = vector.shape_cast %swap3A_776 : vector<16xf32> to vector<16xf32>
    %swap3A_778 = vector.shape_cast %broadcast_in_dim3A_3 : vector<16xf32> to vector<16xf32>
    tpu.vector_store %arg13[%swap3A_775], %swap3A_778 {strides = array<i32>} : memref<4096xf32, #tpu.memory_space<vmem>>, vector<16xf32>,
    %swap3A_779 = arith.constant 3104 : index
    %swap3A_780 = tpu.vector_load %arg13[%swap3A_779] {strides = array<i32>} : memref<4096xf32, #tpu.memory_space<vmem>>, vector<16xf32>,
    %swap3A_781 = vector.shape_cast %swap3A_780 : vector<16xf32> to vector<16xf32>
    %swap3A_782 = vector.shape_cast %broadcast_in_dim3A_3 : vector<16xf32> to vector<16xf32>
    tpu.vector_store %arg13[%swap3A_779], %swap3A_782 {strides = array<i32>} : memref<4096xf32, #tpu.memory_space<vmem>>, vector<16xf32>,
    %swap3A_783 = arith.constant 3120 : index
    %swap3A_784 = tpu.vector_load %arg13[%swap3A_783] {strides = array<i32>} : memref<4096xf32, #tpu.memory_space<vmem>>, vector<16xf32>,
    %swap3A_785 = vector.shape_cast %swap3A_784 : vector<16xf32> to vector<16xf32>
    %swap3A_786 = vector.shape_cast %broadcast_in_dim3A_3 : vector<16xf32> to vector<16xf32>
    tpu.vector_store %arg13[%swap3A_783], %swap3A_786 {strides = array<i32>} : memref<4096xf32, #tpu.memory_space<vmem>>, vector<16xf32>,
    %swap3A_787 = arith.constant 3136 : index
    %swap3A_788 = tpu.vector_load %arg13[%swap3A_787] {strides = array<i32>} : memref<4096xf32, #tpu.memory_space<vmem>>, vector<16xf32>,
    %swap3A_789 = vector.shape_cast %swap3A_788 : vector<16xf32> to vector<16xf32>
    %swap3A_790 = vector.shape_cast %broadcast_in_dim3A_3 : vector<16xf32> to vector<16xf32>
    tpu.vector_store %arg13[%swap3A_787], %swap3A_790 {strides = array<i32>} : memref<4096xf32, #tpu.memory_space<vmem>>, vector<16xf32>,
    %swap3A_791 = arith.constant 3152 : index
    %swap3A_792 = tpu.vector_load %arg13[%swap3A_791] {strides = array<i32>} : memref<4096xf32, #tpu.memory_space<vmem>>, vector<16xf32>,
    %swap3A_793 = vector.shape_cast %swap3A_792 : vector<16xf32> to vector<16xf32>
    %swap3A_794 = vector.shape_cast %broadcast_in_dim3A_3 : vector<16xf32> to vector<16xf32>
    tpu.vector_store %arg13[%swap3A_791], %swap3A_794 {strides = array<i32>} : memref<4096xf32, #tpu.memory_space<vmem>>, vector<16xf32>,
    %swap3A_795 = arith.constant 3168 : index
    %swap3A_796 = tpu.vector_load %arg13[%swap3A_795] {strides = array<i32>} : memref<4096xf32, #tpu.memory_space<vmem>>, vector<16xf32>,
    %swap3A_797 = vector.shape_cast %swap3A_796 : vector<16xf32> to vector<16xf32>
    %swap3A_798 = vector.shape_cast %broadcast_in_dim3A_3 : vector<16xf32> to vector<16xf32>
    tpu.vector_store %arg13[%swap3A_795], %swap3A_798 {strides = array<i32>} : memref<4096xf32, #tpu.memory_space<vmem>>, vector<16xf32>,
    %swap3A_799 = arith.constant 3184 : index
    %swap3A_800 = tpu.vector_load %arg13[%swap3A_799] {strides = array<i32>} : memref<4096xf32, #tpu.memory_space<vmem>>, vector<16xf32>,
    %swap3A_801 = vector.shape_cast %swap3A_800 : vector<16xf32> to vector<16xf32>
    %swap3A_802 = vector.shape_cast %broadcast_in_dim3A_3 : vector<16xf32> to vector<16xf32>
    tpu.vector_store %arg13[%swap3A_799], %swap3A_802 {strides = array<i32>} : memref<4096xf32, #tpu.memory_space<vmem>>, vector<16xf32>,
    %swap3A_803 = arith.constant 3200 : index
    %swap3A_804 = tpu.vector_load %arg13[%swap3A_803] {strides = array<i32>} : memref<4096xf32, #tpu.memory_space<vmem>>, vector<16xf32>,
    %swap3A_805 = vector.shape_cast %swap3A_804 : vector<16xf32> to vector<16xf32>
    %swap3A_806 = vector.shape_cast %broadcast_in_dim3A_3 : vector<16xf32> to vector<16xf32>
    tpu.vector_store %arg13[%swap3A_803], %swap3A_806 {strides = array<i32>} : memref<4096xf32, #tpu.memory_space<vmem>>, vector<16xf32>,
    %swap3A_807 = arith.constant 3216 : index
    %swap3A_808 = tpu.vector_load %arg13[%swap3A_807] {strides = array<i32>} : memref<4096xf32, #tpu.memory_space<vmem>>, vector<16xf32>,
    %swap3A_809 = vector.shape_cast %swap3A_808 : vector<16xf32> to vector<16xf32>
    %swap3A_810 = vector.shape_cast %broadcast_in_dim3A_3 : vector<16xf32> to vector<16xf32>
    tpu.vector_store %arg13[%swap3A_807], %swap3A_810 {strides = array<i32>} : memref<4096xf32, #tpu.memory_space<vmem>>, vector<16xf32>,
    %swap3A_811 = arith.constant 3232 : index
    %swap3A_812 = tpu.vector_load %arg13[%swap3A_811] {strides = array<i32>} : memref<4096xf32, #tpu.memory_space<vmem>>, vector<16xf32>,
    %swap3A_813 = vector.shape_cast %swap3A_812 : vector<16xf32> to vector<16xf32>
    %swap3A_814 = vector.shape_cast %broadcast_in_dim3A_3 : vector<16xf32> to vector<16xf32>
    tpu.vector_store %arg13[%swap3A_811], %swap3A_814 {strides = array<i32>} : memref<4096xf32, #tpu.memory_space<vmem>>, vector<16xf32>,
    %swap3A_815 = arith.constant 3248 : index
    %swap3A_816 = tpu.vector_load %arg13[%swap3A_815] {strides = array<i32>} : memref<4096xf32, #tpu.memory_space<vmem>>, vector<16xf32>,
    %swap3A_817 = vector.shape_cast %swap3A_816 : vector<16xf32> to vector<16xf32>
    %swap3A_818 = vector.shape_cast %broadcast_in_dim3A_3 : vector<16xf32> to vector<16xf32>
    tpu.vector_store %arg13[%swap3A_815], %swap3A_818 {strides = array<i32>} : memref<4096xf32, #tpu.memory_space<vmem>>, vector<16xf32>,
    %swap3A_819 = arith.constant 3264 : index
    %swap3A_820 = tpu.vector_load %arg13[%swap3A_819] {strides = array<i32>} : memref<4096xf32, #tpu.memory_space<vmem>>, vector<16xf32>,
    %swap3A_821 = vector.shape_cast %swap3A_820 : vector<16xf32> to vector<16xf32>
    %swap3A_822 = vector.shape_cast %broadcast_in_dim3A_3 : vector<16xf32> to vector<16xf32>
    tpu.vector_store %arg13[%swap3A_819], %swap3A_822 {strides = array<i32>} : memref<4096xf32, #tpu.memory_space<vmem>>, vector<16xf32>,
    %swap3A_823 = arith.constant 3280 : index
    %swap3A_824 = tpu.vector_load %arg13[%swap3A_823] {strides = array<i32>} : memref<4096xf32, #tpu.memory_space<vmem>>, vector<16xf32>,
    %swap3A_825 = vector.shape_cast %swap3A_824 : vector<16xf32> to vector<16xf32>
    %swap3A_826 = vector.shape_cast %broadcast_in_dim3A_3 : vector<16xf32> to vector<16xf32>
    tpu.vector_store %arg13[%swap3A_823], %swap3A_826 {strides = array<i32>} : memref<4096xf32, #tpu.memory_space<vmem>>, vector<16xf32>,
    %swap3A_827 = arith.constant 3296 : index
    %swap3A_828 = tpu.vector_load %arg13[%swap3A_827] {strides = array<i32>} : memref<4096xf32, #tpu.memory_space<vmem>>, vector<16xf32>,
    %swap3A_829 = vector.shape_cast %swap3A_828 : vector<16xf32> to vector<16xf32>
    %swap3A_830 = vector.shape_cast %broadcast_in_dim3A_3 : vector<16xf32> to vector<16xf32>
    tpu.vector_store %arg13[%swap3A_827], %swap3A_830 {strides = array<i32>} : memref<4096xf32, #tpu.memory_space<vmem>>, vector<16xf32>,
    %swap3A_831 = arith.constant 3312 : index
    %swap3A_832 = tpu.vector_load %arg13[%swap3A_831] {strides = array<i32>} : memref<4096xf32, #tpu.memory_space<vmem>>, vector<16xf32>,
    %swap3A_833 = vector.shape_cast %swap3A_832 : vector<16xf32> to vector<16xf32>
    %swap3A_834 = vector.shape_cast %broadcast_in_dim3A_3 : vector<16xf32> to vector<16xf32>
    tpu.vector_store %arg13[%swap3A_831], %swap3A_834 {strides = array<i32>} : memref<4096xf32, #tpu.memory_space<vmem>>, vector<16xf32>,
    %swap3A_835 = arith.constant 3328 : index
    %swap3A_836 = tpu.vector_load %arg13[%swap3A_835] {strides = array<i32>} : memref<4096xf32, #tpu.memory_space<vmem>>, vector<16xf32>,
    %swap3A_837 = vector.shape_cast %swap3A_836 : vector<16xf32> to vector<16xf32>
    %swap3A_838 = vector.shape_cast %broadcast_in_dim3A_3 : vector<16xf32> to vector<16xf32>
    tpu.vector_store %arg13[%swap3A_835], %swap3A_838 {strides = array<i32>} : memref<4096xf32, #tpu.memory_space<vmem>>, vector<16xf32>,
    %swap3A_839 = arith.constant 3344 : index
    %swap3A_840 = tpu.vector_load %arg13[%swap3A_839] {strides = array<i32>} : memref<4096xf32, #tpu.memory_space<vmem>>, vector<16xf32>,
    %swap3A_841 = vector.shape_cast %swap3A_840 : vector<16xf32> to vector<16xf32>
    %swap3A_842 = vector.shape_cast %broadcast_in_dim3A_3 : vector<16xf32> to vector<16xf32>
    tpu.vector_store %arg13[%swap3A_839], %swap3A_842 {strides = array<i32>} : memref<4096xf32, #tpu.memory_space<vmem>>, vector<16xf32>,
    %swap3A_843 = arith.constant 3360 : index
    %swap3A_844 = tpu.vector_load %arg13[%swap3A_843] {strides = array<i32>} : memref<4096xf32, #tpu.memory_space<vmem>>, vector<16xf32>,
    %swap3A_845 = vector.shape_cast %swap3A_844 : vector<16xf32> to vector<16xf32>
    %swap3A_846 = vector.shape_cast %broadcast_in_dim3A_3 : vector<16xf32> to vector<16xf32>
    tpu.vector_store %arg13[%swap3A_843], %swap3A_846 {strides = array<i32>} : memref<4096xf32, #tpu.memory_space<vmem>>, vector<16xf32>,
    %swap3A_847 = arith.constant 3376 : index
    %swap3A_848 = tpu.vector_load %arg13[%swap3A_847] {strides = array<i32>} : memref<4096xf32, #tpu.memory_space<vmem>>, vector<16xf32>,
    %swap3A_849 = vector.shape_cast %swap3A_848 : vector<16xf32> to vector<16xf32>
    %swap3A_850 = vector.shape_cast %broadcast_in_dim3A_3 : vector<16xf32> to vector<16xf32>
    tpu.vector_store %arg13[%swap3A_847], %swap3A_850 {strides = array<i32>} : memref<4096xf32, #tpu.memory_space<vmem>>, vector<16xf32>,
    %swap3A_851 = arith.constant 3392 : index
    %swap3A_852 = tpu.vector_load %arg13[%swap3A_851] {strides = array<i32>} : memref<4096xf32, #tpu.memory_space<vmem>>, vector<16xf32>,
    %swap3A_853 = vector.shape_cast %swap3A_852 : vector<16xf32> to vector<16xf32>
    %swap3A_854 = vector.shape_cast %broadcast_in_dim3A_3 : vector<16xf32> to vector<16xf32>
    tpu.vector_store %arg13[%swap3A_851], %swap3A_854 {strides = array<i32>} : memref<4096xf32, #tpu.memory_space<vmem>>, vector<16xf32>,
    %swap3A_855 = arith.constant 3408 : index
    %swap3A_856 = tpu.vector_load %arg13[%swap3A_855] {strides = array<i32>} : memref<4096xf32, #tpu.memory_space<vmem>>, vector<16xf32>,
    %swap3A_857 = vector.shape_cast %swap3A_856 : vector<16xf32> to vector<16xf32>
    %swap3A_858 = vector.shape_cast %broadcast_in_dim3A_3 : vector<16xf32> to vector<16xf32>
    tpu.vector_store %arg13[%swap3A_855], %swap3A_858 {strides = array<i32>} : memref<4096xf32, #tpu.memory_space<vmem>>, vector<16xf32>,
    %swap3A_859 = arith.constant 3424 : index
    %swap3A_860 = tpu.vector_load %arg13[%swap3A_859] {strides = array<i32>} : memref<4096xf32, #tpu.memory_space<vmem>>, vector<16xf32>,
    %swap3A_861 = vector.shape_cast %swap3A_860 : vector<16xf32> to vector<16xf32>
    %swap3A_862 = vector.shape_cast %broadcast_in_dim3A_3 : vector<16xf32> to vector<16xf32>
    tpu.vector_store %arg13[%swap3A_859], %swap3A_862 {strides = array<i32>} : memref<4096xf32, #tpu.memory_space<vmem>>, vector<16xf32>,
    %swap3A_863 = arith.constant 3440 : index
    %swap3A_864 = tpu.vector_load %arg13[%swap3A_863] {strides = array<i32>} : memref<4096xf32, #tpu.memory_space<vmem>>, vector<16xf32>,
    %swap3A_865 = vector.shape_cast %swap3A_864 : vector<16xf32> to vector<16xf32>
    %swap3A_866 = vector.shape_cast %broadcast_in_dim3A_3 : vector<16xf32> to vector<16xf32>
    tpu.vector_store %arg13[%swap3A_863], %swap3A_866 {strides = array<i32>} : memref<4096xf32, #tpu.memory_space<vmem>>, vector<16xf32>,
    %swap3A_867 = arith.constant 3456 : index
    %swap3A_868 = tpu.vector_load %arg13[%swap3A_867] {strides = array<i32>} : memref<4096xf32, #tpu.memory_space<vmem>>, vector<16xf32>,
    %swap3A_869 = vector.shape_cast %swap3A_868 : vector<16xf32> to vector<16xf32>
    %swap3A_870 = vector.shape_cast %broadcast_in_dim3A_3 : vector<16xf32> to vector<16xf32>
    tpu.vector_store %arg13[%swap3A_867], %swap3A_870 {strides = array<i32>} : memref<4096xf32, #tpu.memory_space<vmem>>, vector<16xf32>,
    %swap3A_871 = arith.constant 3472 : index
    %swap3A_872 = tpu.vector_load %arg13[%swap3A_871] {strides = array<i32>} : memref<4096xf32, #tpu.memory_space<vmem>>, vector<16xf32>,
    %swap3A_873 = vector.shape_cast %swap3A_872 : vector<16xf32> to vector<16xf32>
    %swap3A_874 = vector.shape_cast %broadcast_in_dim3A_3 : vector<16xf32> to vector<16xf32>
    tpu.vector_store %arg13[%swap3A_871], %swap3A_874 {strides = array<i32>} : memref<4096xf32, #tpu.memory_space<vmem>>, vector<16xf32>,
    %swap3A_875 = arith.constant 3488 : index
    %swap3A_876 = tpu.vector_load %arg13[%swap3A_875] {strides = array<i32>} : memref<4096xf32, #tpu.memory_space<vmem>>, vector<16xf32>,
    %swap3A_877 = vector.shape_cast %swap3A_876 : vector<16xf32> to vector<16xf32>
    %swap3A_878 = vector.shape_cast %broadcast_in_dim3A_3 : vector<16xf32> to vector<16xf32>
    tpu.vector_store %arg13[%swap3A_875], %swap3A_878 {strides = array<i32>} : memref<4096xf32, #tpu.memory_space<vmem>>, vector<16xf32>,
    %swap3A_879 = arith.constant 3504 : index
    %swap3A_880 = tpu.vector_load %arg13[%swap3A_879] {strides = array<i32>} : memref<4096xf32, #tpu.memory_space<vmem>>, vector<16xf32>,
    %swap3A_881 = vector.shape_cast %swap3A_880 : vector<16xf32> to vector<16xf32>
    %swap3A_882 = vector.shape_cast %broadcast_in_dim3A_3 : vector<16xf32> to vector<16xf32>
    tpu.vector_store %arg13[%swap3A_879], %swap3A_882 {strides = array<i32>} : memref<4096xf32, #tpu.memory_space<vmem>>, vector<16xf32>,
    %swap3A_883 = arith.constant 3520 : index
    %swap3A_884 = tpu.vector_load %arg13[%swap3A_883] {strides = array<i32>} : memref<4096xf32, #tpu.memory_space<vmem>>, vector<16xf32>,
    %swap3A_885 = vector.shape_cast %swap3A_884 : vector<16xf32> to vector<16xf32>
    %swap3A_886 = vector.shape_cast %broadcast_in_dim3A_3 : vector<16xf32> to vector<16xf32>
    tpu.vector_store %arg13[%swap3A_883], %swap3A_886 {strides = array<i32>} : memref<4096xf32, #tpu.memory_space<vmem>>, vector<16xf32>,
    %swap3A_887 = arith.constant 3536 : index
    %swap3A_888 = tpu.vector_load %arg13[%swap3A_887] {strides = array<i32>} : memref<4096xf32, #tpu.memory_space<vmem>>, vector<16xf32>,
    %swap3A_889 = vector.shape_cast %swap3A_888 : vector<16xf32> to vector<16xf32>
    %swap3A_890 = vector.shape_cast %broadcast_in_dim3A_3 : vector<16xf32> to vector<16xf32>
    tpu.vector_store %arg13[%swap3A_887], %swap3A_890 {strides = array<i32>} : memref<4096xf32, #tpu.memory_space<vmem>>, vector<16xf32>,
    %swap3A_891 = arith.constant 3552 : index
    %swap3A_892 = tpu.vector_load %arg13[%swap3A_891] {strides = array<i32>} : memref<4096xf32, #tpu.memory_space<vmem>>, vector<16xf32>,
    %swap3A_893 = vector.shape_cast %swap3A_892 : vector<16xf32> to vector<16xf32>
    %swap3A_894 = vector.shape_cast %broadcast_in_dim3A_3 : vector<16xf32> to vector<16xf32>
    tpu.vector_store %arg13[%swap3A_891], %swap3A_894 {strides = array<i32>} : memref<4096xf32, #tpu.memory_space<vmem>>, vector<16xf32>,
    %swap3A_895 = arith.constant 3568 : index
    %swap3A_896 = tpu.vector_load %arg13[%swap3A_895] {strides = array<i32>} : memref<4096xf32, #tpu.memory_space<vmem>>, vector<16xf32>,
    %swap3A_897 = vector.shape_cast %swap3A_896 : vector<16xf32> to vector<16xf32>
    %swap3A_898 = vector.shape_cast %broadcast_in_dim3A_3 : vector<16xf32> to vector<16xf32>
    tpu.vector_store %arg13[%swap3A_895], %swap3A_898 {strides = array<i32>} : memref<4096xf32, #tpu.memory_space<vmem>>, vector<16xf32>,
    %swap3A_899 = arith.constant 3584 : index
    %swap3A_900 = tpu.vector_load %arg13[%swap3A_899] {strides = array<i32>} : memref<4096xf32, #tpu.memory_space<vmem>>, vector<16xf32>,
    %swap3A_901 = vector.shape_cast %swap3A_900 : vector<16xf32> to vector<16xf32>
    %swap3A_902 = vector.shape_cast %broadcast_in_dim3A_3 : vector<16xf32> to vector<16xf32>
    tpu.vector_store %arg13[%swap3A_899], %swap3A_902 {strides = array<i32>} : memref<4096xf32, #tpu.memory_space<vmem>>, vector<16xf32>,
    %swap3A_903 = arith.constant 3600 : index
    %swap3A_904 = tpu.vector_load %arg13[%swap3A_903] {strides = array<i32>} : memref<4096xf32, #tpu.memory_space<vmem>>, vector<16xf32>,
    %swap3A_905 = vector.shape_cast %swap3A_904 : vector<16xf32> to vector<16xf32>
    %swap3A_906 = vector.shape_cast %broadcast_in_dim3A_3 : vector<16xf32> to vector<16xf32>
    tpu.vector_store %arg13[%swap3A_903], %swap3A_906 {strides = array<i32>} : memref<4096xf32, #tpu.memory_space<vmem>>, vector<16xf32>,
    %swap3A_907 = arith.constant 3616 : index
    %swap3A_908 = tpu.vector_load %arg13[%swap3A_907] {strides = array<i32>} : memref<4096xf32, #tpu.memory_space<vmem>>, vector<16xf32>,
    %swap3A_909 = vector.shape_cast %swap3A_908 : vector<16xf32> to vector<16xf32>
    %swap3A_910 = vector.shape_cast %broadcast_in_dim3A_3 : vector<16xf32> to vector<16xf32>
    tpu.vector_store %arg13[%swap3A_907], %swap3A_910 {strides = array<i32>} : memref<4096xf32, #tpu.memory_space<vmem>>, vector<16xf32>,
    %swap3A_911 = arith.constant 3632 : index
    %swap3A_912 = tpu.vector_load %arg13[%swap3A_911] {strides = array<i32>} : memref<4096xf32, #tpu.memory_space<vmem>>, vector<16xf32>,
    %swap3A_913 = vector.shape_cast %swap3A_912 : vector<16xf32> to vector<16xf32>
    %swap3A_914 = vector.shape_cast %broadcast_in_dim3A_3 : vector<16xf32> to vector<16xf32>
    tpu.vector_store %arg13[%swap3A_911], %swap3A_914 {strides = array<i32>} : memref<4096xf32, #tpu.memory_space<vmem>>, vector<16xf32>,
    %swap3A_915 = arith.constant 3648 : index
    %swap3A_916 = tpu.vector_load %arg13[%swap3A_915] {strides = array<i32>} : memref<4096xf32, #tpu.memory_space<vmem>>, vector<16xf32>,
    %swap3A_917 = vector.shape_cast %swap3A_916 : vector<16xf32> to vector<16xf32>
    %swap3A_918 = vector.shape_cast %broadcast_in_dim3A_3 : vector<16xf32> to vector<16xf32>
    tpu.vector_store %arg13[%swap3A_915], %swap3A_918 {strides = array<i32>} : memref<4096xf32, #tpu.memory_space<vmem>>, vector<16xf32>,
    %swap3A_919 = arith.constant 3664 : index
    %swap3A_920 = tpu.vector_load %arg13[%swap3A_919] {strides = array<i32>} : memref<4096xf32, #tpu.memory_space<vmem>>, vector<16xf32>,
    %swap3A_921 = vector.shape_cast %swap3A_920 : vector<16xf32> to vector<16xf32>
    %swap3A_922 = vector.shape_cast %broadcast_in_dim3A_3 : vector<16xf32> to vector<16xf32>
    tpu.vector_store %arg13[%swap3A_919], %swap3A_922 {strides = array<i32>} : memref<4096xf32, #tpu.memory_space<vmem>>, vector<16xf32>,
    %swap3A_923 = arith.constant 3680 : index
    %swap3A_924 = tpu.vector_load %arg13[%swap3A_923] {strides = array<i32>} : memref<4096xf32, #tpu.memory_space<vmem>>, vector<16xf32>,
    %swap3A_925 = vector.shape_cast %swap3A_924 : vector<16xf32> to vector<16xf32>
    %swap3A_926 = vector.shape_cast %broadcast_in_dim3A_3 : vector<16xf32> to vector<16xf32>
    tpu.vector_store %arg13[%swap3A_923], %swap3A_926 {strides = array<i32>} : memref<4096xf32, #tpu.memory_space<vmem>>, vector<16xf32>,
    %swap3A_927 = arith.constant 3696 : index
    %swap3A_928 = tpu.vector_load %arg13[%swap3A_927] {strides = array<i32>} : memref<4096xf32, #tpu.memory_space<vmem>>, vector<16xf32>,
    %swap3A_929 = vector.shape_cast %swap3A_928 : vector<16xf32> to vector<16xf32>
    %swap3A_930 = vector.shape_cast %broadcast_in_dim3A_3 : vector<16xf32> to vector<16xf32>
    tpu.vector_store %arg13[%swap3A_927], %swap3A_930 {strides = array<i32>} : memref<4096xf32, #tpu.memory_space<vmem>>, vector<16xf32>,
    %swap3A_931 = arith.constant 3712 : index
    %swap3A_932 = tpu.vector_load %arg13[%swap3A_931] {strides = array<i32>} : memref<4096xf32, #tpu.memory_space<vmem>>, vector<16xf32>,
    %swap3A_933 = vector.shape_cast %swap3A_932 : vector<16xf32> to vector<16xf32>
    %swap3A_934 = vector.shape_cast %broadcast_in_dim3A_3 : vector<16xf32> to vector<16xf32>
    tpu.vector_store %arg13[%swap3A_931], %swap3A_934 {strides = array<i32>} : memref<4096xf32, #tpu.memory_space<vmem>>, vector<16xf32>,
    %swap3A_935 = arith.constant 3728 : index
    %swap3A_936 = tpu.vector_load %arg13[%swap3A_935] {strides = array<i32>} : memref<4096xf32, #tpu.memory_space<vmem>>, vector<16xf32>,
    %swap3A_937 = vector.shape_cast %swap3A_936 : vector<16xf32> to vector<16xf32>
    %swap3A_938 = vector.shape_cast %broadcast_in_dim3A_3 : vector<16xf32> to vector<16xf32>
    tpu.vector_store %arg13[%swap3A_935], %swap3A_938 {strides = array<i32>} : memref<4096xf32, #tpu.memory_space<vmem>>, vector<16xf32>,
    %swap3A_939 = arith.constant 3744 : index
    %swap3A_940 = tpu.vector_load %arg13[%swap3A_939] {strides = array<i32>} : memref<4096xf32, #tpu.memory_space<vmem>>, vector<16xf32>,
    %swap3A_941 = vector.shape_cast %swap3A_940 : vector<16xf32> to vector<16xf32>
    %swap3A_942 = vector.shape_cast %broadcast_in_dim3A_3 : vector<16xf32> to vector<16xf32>
    tpu.vector_store %arg13[%swap3A_939], %swap3A_942 {strides = array<i32>} : memref<4096xf32, #tpu.memory_space<vmem>>, vector<16xf32>,
    %swap3A_943 = arith.constant 3760 : index
    %swap3A_944 = tpu.vector_load %arg13[%swap3A_943] {strides = array<i32>} : memref<4096xf32, #tpu.memory_space<vmem>>, vector<16xf32>,
    %swap3A_945 = vector.shape_cast %swap3A_944 : vector<16xf32> to vector<16xf32>
    %swap3A_946 = vector.shape_cast %broadcast_in_dim3A_3 : vector<16xf32> to vector<16xf32>
    tpu.vector_store %arg13[%swap3A_943], %swap3A_946 {strides = array<i32>} : memref<4096xf32, #tpu.memory_space<vmem>>, vector<16xf32>,
    %swap3A_947 = arith.constant 3776 : index
    %swap3A_948 = tpu.vector_load %arg13[%swap3A_947] {strides = array<i32>} : memref<4096xf32, #tpu.memory_space<vmem>>, vector<16xf32>,
    %swap3A_949 = vector.shape_cast %swap3A_948 : vector<16xf32> to vector<16xf32>
    %swap3A_950 = vector.shape_cast %broadcast_in_dim3A_3 : vector<16xf32> to vector<16xf32>
    tpu.vector_store %arg13[%swap3A_947], %swap3A_950 {strides = array<i32>} : memref<4096xf32, #tpu.memory_space<vmem>>, vector<16xf32>,
    %swap3A_951 = arith.constant 3792 : index
    %swap3A_952 = tpu.vector_load %arg13[%swap3A_951] {strides = array<i32>} : memref<4096xf32, #tpu.memory_space<vmem>>, vector<16xf32>,
    %swap3A_953 = vector.shape_cast %swap3A_952 : vector<16xf32> to vector<16xf32>
    %swap3A_954 = vector.shape_cast %broadcast_in_dim3A_3 : vector<16xf32> to vector<16xf32>
    tpu.vector_store %arg13[%swap3A_951], %swap3A_954 {strides = array<i32>} : memref<4096xf32, #tpu.memory_space<vmem>>, vector<16xf32>,
    %swap3A_955 = arith.constant 3808 : index
    %swap3A_956 = tpu.vector_load %arg13[%swap3A_955] {strides = array<i32>} : memref<4096xf32, #tpu.memory_space<vmem>>, vector<16xf32>,
    %swap3A_957 = vector.shape_cast %swap3A_956 : vector<16xf32> to vector<16xf32>
    %swap3A_958 = vector.shape_cast %broadcast_in_dim3A_3 : vector<16xf32> to vector<16xf32>
    tpu.vector_store %arg13[%swap3A_955], %swap3A_958 {strides = array<i32>} : memref<4096xf32, #tpu.memory_space<vmem>>, vector<16xf32>,
    %swap3A_959 = arith.constant 3824 : index
    %swap3A_960 = tpu.vector_load %arg13[%swap3A_959] {strides = array<i32>} : memref<4096xf32, #tpu.memory_space<vmem>>, vector<16xf32>,
    %swap3A_961 = vector.shape_cast %swap3A_960 : vector<16xf32> to vector<16xf32>
    %swap3A_962 = vector.shape_cast %broadcast_in_dim3A_3 : vector<16xf32> to vector<16xf32>
    tpu.vector_store %arg13[%swap3A_959], %swap3A_962 {strides = array<i32>} : memref<4096xf32, #tpu.memory_space<vmem>>, vector<16xf32>,
    %swap3A_963 = arith.constant 3840 : index
    %swap3A_964 = tpu.vector_load %arg13[%swap3A_963] {strides = array<i32>} : memref<4096xf32, #tpu.memory_space<vmem>>, vector<16xf32>,
    %swap3A_965 = vector.shape_cast %swap3A_964 : vector<16xf32> to vector<16xf32>
    %swap3A_966 = vector.shape_cast %broadcast_in_dim3A_3 : vector<16xf32> to vector<16xf32>
    tpu.vector_store %arg13[%swap3A_963], %swap3A_966 {strides = array<i32>} : memref<4096xf32, #tpu.memory_space<vmem>>, vector<16xf32>,
    %swap3A_967 = arith.constant 3856 : index
    %swap3A_968 = tpu.vector_load %arg13[%swap3A_967] {strides = array<i32>} : memref<4096xf32, #tpu.memory_space<vmem>>, vector<16xf32>,
    %swap3A_969 = vector.shape_cast %swap3A_968 : vector<16xf32> to vector<16xf32>
    %swap3A_970 = vector.shape_cast %broadcast_in_dim3A_3 : vector<16xf32> to vector<16xf32>
    tpu.vector_store %arg13[%swap3A_967], %swap3A_970 {strides = array<i32>} : memref<4096xf32, #tpu.memory_space<vmem>>, vector<16xf32>,
    %swap3A_971 = arith.constant 3872 : index
    %swap3A_972 = tpu.vector_load %arg13[%swap3A_971] {strides = array<i32>} : memref<4096xf32, #tpu.memory_space<vmem>>, vector<16xf32>,
    %swap3A_973 = vector.shape_cast %swap3A_972 : vector<16xf32> to vector<16xf32>
    %swap3A_974 = vector.shape_cast %broadcast_in_dim3A_3 : vector<16xf32> to vector<16xf32>
    tpu.vector_store %arg13[%swap3A_971], %swap3A_974 {strides = array<i32>} : memref<4096xf32, #tpu.memory_space<vmem>>, vector<16xf32>,
    %swap3A_975 = arith.constant 3888 : index
    %swap3A_976 = tpu.vector_load %arg13[%swap3A_975] {strides = array<i32>} : memref<4096xf32, #tpu.memory_space<vmem>>, vector<16xf32>,
    %swap3A_977 = vector.shape_cast %swap3A_976 : vector<16xf32> to vector<16xf32>
    %swap3A_978 = vector.shape_cast %broadcast_in_dim3A_3 : vector<16xf32> to vector<16xf32>
    tpu.vector_store %arg13[%swap3A_975], %swap3A_978 {strides = array<i32>} : memref<4096xf32, #tpu.memory_space<vmem>>, vector<16xf32>,
    %swap3A_979 = arith.constant 3904 : index
    %swap3A_980 = tpu.vector_load %arg13[%swap3A_979] {strides = array<i32>} : memref<4096xf32, #tpu.memory_space<vmem>>, vector<16xf32>,
    %swap3A_981 = vector.shape_cast %swap3A_980 : vector<16xf32> to vector<16xf32>
    %swap3A_982 = vector.shape_cast %broadcast_in_dim3A_3 : vector<16xf32> to vector<16xf32>
    tpu.vector_store %arg13[%swap3A_979], %swap3A_982 {strides = array<i32>} : memref<4096xf32, #tpu.memory_space<vmem>>, vector<16xf32>,
    %swap3A_983 = arith.constant 3920 : index
    %swap3A_984 = tpu.vector_load %arg13[%swap3A_983] {strides = array<i32>} : memref<4096xf32, #tpu.memory_space<vmem>>, vector<16xf32>,
    %swap3A_985 = vector.shape_cast %swap3A_984 : vector<16xf32> to vector<16xf32>
    %swap3A_986 = vector.shape_cast %broadcast_in_dim3A_3 : vector<16xf32> to vector<16xf32>
    tpu.vector_store %arg13[%swap3A_983], %swap3A_986 {strides = array<i32>} : memref<4096xf32, #tpu.memory_space<vmem>>, vector<16xf32>,
    %swap3A_987 = arith.constant 3936 : index
    %swap3A_988 = tpu.vector_load %arg13[%swap3A_987] {strides = array<i32>} : memref<4096xf32, #tpu.memory_space<vmem>>, vector<16xf32>,
    %swap3A_989 = vector.shape_cast %swap3A_988 : vector<16xf32> to vector<16xf32>
    %swap3A_990 = vector.shape_cast %broadcast_in_dim3A_3 : vector<16xf32> to vector<16xf32>
    tpu.vector_store %arg13[%swap3A_987], %swap3A_990 {strides = array<i32>} : memref<4096xf32, #tpu.memory_space<vmem>>, vector<16xf32>,
    %swap3A_991 = arith.constant 3952 : index
    %swap3A_992 = tpu.vector_load %arg13[%swap3A_991] {strides = array<i32>} : memref<4096xf32, #tpu.memory_space<vmem>>, vector<16xf32>,
    %swap3A_993 = vector.shape_cast %swap3A_992 : vector<16xf32> to vector<16xf32>
    %swap3A_994 = vector.shape_cast %broadcast_in_dim3A_3 : vector<16xf32> to vector<16xf32>
    tpu.vector_store %arg13[%swap3A_991], %swap3A_994 {strides = array<i32>} : memref<4096xf32, #tpu.memory_space<vmem>>, vector<16xf32>,
    %swap3A_995 = arith.constant 3968 : index
    %swap3A_996 = tpu.vector_load %arg13[%swap3A_995] {strides = array<i32>} : memref<4096xf32, #tpu.memory_space<vmem>>, vector<16xf32>,
    %swap3A_997 = vector.shape_cast %swap3A_996 : vector<16xf32> to vector<16xf32>
    %swap3A_998 = vector.shape_cast %broadcast_in_dim3A_3 : vector<16xf32> to vector<16xf32>
    tpu.vector_store %arg13[%swap3A_995], %swap3A_998 {strides = array<i32>} : memref<4096xf32, #tpu.memory_space<vmem>>, vector<16xf32>,
    %swap3A_999 = arith.constant 3984 : index
    %swap3A_1000 = tpu.vector_load %arg13[%swap3A_999] {strides = array<i32>} : memref<4096xf32, #tpu.memory_space<vmem>>, vector<16xf32>,
    %swap3A_1001 = vector.shape_cast %swap3A_1000 : vector<16xf32> to vector<16xf32>
    %swap3A_1002 = vector.shape_cast %broadcast_in_dim3A_3 : vector<16xf32> to vector<16xf32>
    tpu.vector_store %arg13[%swap3A_999], %swap3A_1002 {strides = array<i32>} : memref<4096xf32, #tpu.memory_space<vmem>>, vector<16xf32>,
    %swap3A_1003 = arith.constant 4000 : index
    %swap3A_1004 = tpu.vector_load %arg13[%swap3A_1003] {strides = array<i32>} : memref<4096xf32, #tpu.memory_space<vmem>>, vector<16xf32>,
    %swap3A_1005 = vector.shape_cast %swap3A_1004 : vector<16xf32> to vector<16xf32>
    %swap3A_1006 = vector.shape_cast %broadcast_in_dim3A_3 : vector<16xf32> to vector<16xf32>
    tpu.vector_store %arg13[%swap3A_1003], %swap3A_1006 {strides = array<i32>} : memref<4096xf32, #tpu.memory_space<vmem>>, vector<16xf32>,
    %swap3A_1007 = arith.constant 4016 : index
    %swap3A_1008 = tpu.vector_load %arg13[%swap3A_1007] {strides = array<i32>} : memref<4096xf32, #tpu.memory_space<vmem>>, vector<16xf32>,
    %swap3A_1009 = vector.shape_cast %swap3A_1008 : vector<16xf32> to vector<16xf32>
    %swap3A_1010 = vector.shape_cast %broadcast_in_dim3A_3 : vector<16xf32> to vector<16xf32>
    tpu.vector_store %arg13[%swap3A_1007], %swap3A_1010 {strides = array<i32>} : memref<4096xf32, #tpu.memory_space<vmem>>, vector<16xf32>,
    %swap3A_1011 = arith.constant 4032 : index
    %swap3A_1012 = tpu.vector_load %arg13[%swap3A_1011] {strides = array<i32>} : memref<4096xf32, #tpu.memory_space<vmem>>, vector<16xf32>,
    %swap3A_1013 = vector.shape_cast %swap3A_1012 : vector<16xf32> to vector<16xf32>
    %swap3A_1014 = vector.shape_cast %broadcast_in_dim3A_3 : vector<16xf32> to vector<16xf32>
    tpu.vector_store %arg13[%swap3A_1011], %swap3A_1014 {strides = array<i32>} : memref<4096xf32, #tpu.memory_space<vmem>>, vector<16xf32>,
    %swap3A_1015 = arith.constant 4048 : index
    %swap3A_1016 = tpu.vector_load %arg13[%swap3A_1015] {strides = array<i32>} : memref<4096xf32, #tpu.memory_space<vmem>>, vector<16xf32>,
    %swap3A_1017 = vector.shape_cast %swap3A_1016 : vector<16xf32> to vector<16xf32>
    %swap3A_1018 = vector.shape_cast %broadcast_in_dim3A_3 : vector<16xf32> to vector<16xf32>
    tpu.vector_store %arg13[%swap3A_1015], %swap3A_1018 {strides = array<i32>} : memref<4096xf32, #tpu.memory_space<vmem>>, vector<16xf32>,
    %swap3A_1019 = arith.constant 4064 : index
    %swap3A_1020 = tpu.vector_load %arg13[%swap3A_1019] {strides = array<i32>} : memref<4096xf32, #tpu.memory_space<vmem>>, vector<16xf32>,
    %swap3A_1021 = vector.shape_cast %swap3A_1020 : vector<16xf32> to vector<16xf32>
    %swap3A_1022 = vector.shape_cast %broadcast_in_dim3A_3 : vector<16xf32> to vector<16xf32>
    tpu.vector_store %arg13[%swap3A_1019], %swap3A_1022 {strides = array<i32>} : memref<4096xf32, #tpu.memory_space<vmem>>, vector<16xf32>,
    %swap3A_1023 = arith.constant 4080 : index
    %swap3A_1024 = tpu.vector_load %arg13[%swap3A_1023] {strides = array<i32>} : memref<4096xf32, #tpu.memory_space<vmem>>, vector<16xf32>,
    %swap3A_1025 = vector.shape_cast %swap3A_1024 : vector<16xf32> to vector<16xf32>
    %swap3A_1026 = vector.shape_cast %broadcast_in_dim3A_3 : vector<16xf32> to vector<16xf32>
    tpu.vector_store %arg13[%swap3A_1023], %swap3A_1026 {strides = array<i32>} : memref<4096xf32, #tpu.memory_space<vmem>>, vector<16xf32>,
    %iota3A = tpu.iota {dimensions = array<i32: 0>} : vector<16xi32>
    %add3A_1027 = arith.constant 0 : i32
    %add3A_1028 = arith.addi %mul3A_2, %add3A_1027 : i32
    %add3A_1029 = vector.broadcast %add3A_1028 : i32 to vector<16xi32>
    %add3A_1030 = arith.addi %add3A_1029, %iota3A : vector<16xi32>
    %mul3A_1031 = arith.constant 32 : i32
    %mul3A_1032 = vector.broadcast %mul3A_1031 : i32 to vector<16xi32>
    %mul3A_1033 = arith.muli %add3A_1030, %mul3A_1032 : vector<16xi32>
    %get3A = arith.constant 0 : index
    %get3A_1034 = tpu.vector_load %arg7[%get3A] {strides = array<i32>} : memref<128xi32, #tpu.memory_space<vmem>>, vector<16xi32>,
    %get3A_1035 = vector.shape_cast %get3A_1034 : vector<16xi32> to vector<16xi32>
    %add3A_1036 = arith.addi %mul3A_1033, %get3A_1035 : vector<16xi32>
    %swap3A_1037 = arith.constant 0 : index
    %swap3A_1038 = tpu.vector_load %arg11[%swap3A_1037] {strides = array<i32>} : memref<256xi32, #tpu.memory_space<vmem>>, vector<16xi32>,
    %swap3A_1039 = vector.shape_cast %swap3A_1038 : vector<16xi32> to vector<16xi32>
    %swap3A_1040 = vector.shape_cast %add3A_1036 : vector<16xi32> to vector<16xi32>
    tpu.vector_store %arg11[%swap3A_1037], %swap3A_1040 {strides = array<i32>} : memref<256xi32, #tpu.memory_space<vmem>>, vector<16xi32>,
    %get3A_1041 = arith.constant 0 : index
    %get3A_1042 = tpu.vector_load %arg8[%get3A_1041] {strides = array<i32>} : memref<128xi32, #tpu.memory_space<vmem>>, vector<16xi32>,
    %get3A_1043 = vector.shape_cast %get3A_1042 : vector<16xi32> to vector<16xi32>
    %add3A_1044 = arith.addi %mul3A_1033, %get3A_1043 : vector<16xi32>
    %swap3A_1045 = arith.constant 128 : index
    %swap3A_1046 = tpu.vector_load %arg11[%swap3A_1045] {strides = array<i32>} : memref<256xi32, #tpu.memory_space<vmem>>, vector<16xi32>,
    %swap3A_1047 = vector.shape_cast %swap3A_1046 : vector<16xi32> to vector<16xi32>
    %swap3A_1048 = vector.shape_cast %add3A_1044 : vector<16xi32> to vector<16xi32>
    tpu.vector_store %arg11[%swap3A_1045], %swap3A_1048 {strides = array<i32>} : memref<256xi32, #tpu.memory_space<vmem>>, vector<16xi32>,
    %get3A_1049 = arith.constant 0 : index
    %get3A_1050 = tpu.vector_load %arg9[%get3A_1049] {strides = array<i32>} : memref<128xf32, #tpu.memory_space<vmem>>, vector<16xf32>,
    %get3A_1051 = vector.shape_cast %get3A_1050 : vector<16xf32> to vector<16xf32>
    %swap3A_1052 = arith.constant 0 : index
    %swap3A_1053 = tpu.vector_load %arg12[%swap3A_1052] {strides = array<i32>} : memref<256xf32, #tpu.memory_space<vmem>>, vector<16xf32>,
    %swap3A_1054 = vector.shape_cast %swap3A_1053 : vector<16xf32> to vector<16xf32>
    %swap3A_1055 = vector.shape_cast %get3A_1051 : vector<16xf32> to vector<16xf32>
    tpu.vector_store %arg12[%swap3A_1052], %swap3A_1055 {strides = array<i32>} : memref<256xf32, #tpu.memory_space<vmem>>, vector<16xf32>,
    %get3A_1056 = arith.constant 0 : index
    %get3A_1057 = tpu.vector_load %arg10[%get3A_1056] {strides = array<i32>} : memref<128xf32, #tpu.memory_space<vmem>>, vector<16xf32>,
    %get3A_1058 = vector.shape_cast %get3A_1057 : vector<16xf32> to vector<16xf32>
    %swap3A_1059 = arith.constant 128 : index
    %swap3A_1060 = tpu.vector_load %arg12[%swap3A_1059] {strides = array<i32>} : memref<256xf32, #tpu.memory_space<vmem>>, vector<16xf32>,
    %swap3A_1061 = vector.shape_cast %swap3A_1060 : vector<16xf32> to vector<16xf32>
    %swap3A_1062 = vector.shape_cast %get3A_1058 : vector<16xf32> to vector<16xf32>
    tpu.vector_store %arg12[%swap3A_1059], %swap3A_1062 {strides = array<i32>} : memref<256xf32, #tpu.memory_space<vmem>>, vector<16xf32>,
    %add3A_1063 = arith.constant 16 : i32
    %add3A_1064 = arith.addi %mul3A_2, %add3A_1063 : i32
    %add3A_1065 = vector.broadcast %add3A_1064 : i32 to vector<16xi32>
    %add3A_1066 = arith.addi %add3A_1065, %iota3A : vector<16xi32>
    %mul3A_1067 = arith.constant 32 : i32
    %mul3A_1068 = vector.broadcast %mul3A_1067 : i32 to vector<16xi32>
    %mul3A_1069 = arith.muli %add3A_1066, %mul3A_1068 : vector<16xi32>
    %get3A_1070 = arith.constant 16 : index
    %get3A_1071 = tpu.vector_load %arg7[%get3A_1070] {strides = array<i32>} : memref<128xi32, #tpu.memory_space<vmem>>, vector<16xi32>,
    %get3A_1072 = vector.shape_cast %get3A_1071 : vector<16xi32> to vector<16xi32>
    %add3A_1073 = arith.addi %mul3A_1069, %get3A_1072 : vector<16xi32>
    %swap3A_1074 = arith.constant 16 : index
    %swap3A_1075 = tpu.vector_load %arg11[%swap3A_1074] {strides = array<i32>} : memref<256xi32, #tpu.memory_space<vmem>>, vector<16xi32>,
    %swap3A_1076 = vector.shape_cast %swap3A_1075 : vector<16xi32> to vector<16xi32>
    %swap3A_1077 = vector.shape_cast %add3A_1073 : vector<16xi32> to vector<16xi32>
    tpu.vector_store %arg11[%swap3A_1074], %swap3A_1077 {strides = array<i32>} : memref<256xi32, #tpu.memory_space<vmem>>, vector<16xi32>,
    %get3A_1078 = arith.constant 16 : index
    %get3A_1079 = tpu.vector_load %arg8[%get3A_1078] {strides = array<i32>} : memref<128xi32, #tpu.memory_space<vmem>>, vector<16xi32>,
    %get3A_1080 = vector.shape_cast %get3A_1079 : vector<16xi32> to vector<16xi32>
    %add3A_1081 = arith.addi %mul3A_1069, %get3A_1080 : vector<16xi32>
    %swap3A_1082 = arith.constant 144 : index
    %swap3A_1083 = tpu.vector_load %arg11[%swap3A_1082] {strides = array<i32>} : memref<256xi32, #tpu.memory_space<vmem>>, vector<16xi32>,
    %swap3A_1084 = vector.shape_cast %swap3A_1083 : vector<16xi32> to vector<16xi32>
    %swap3A_1085 = vector.shape_cast %add3A_1081 : vector<16xi32> to vector<16xi32>
    tpu.vector_store %arg11[%swap3A_1082], %swap3A_1085 {strides = array<i32>} : memref<256xi32, #tpu.memory_space<vmem>>, vector<16xi32>,
    %get3A_1086 = arith.constant 16 : index
    %get3A_1087 = tpu.vector_load %arg9[%get3A_1086] {strides = array<i32>} : memref<128xf32, #tpu.memory_space<vmem>>, vector<16xf32>,
    %get3A_1088 = vector.shape_cast %get3A_1087 : vector<16xf32> to vector<16xf32>
    %swap3A_1089 = arith.constant 16 : index
    %swap3A_1090 = tpu.vector_load %arg12[%swap3A_1089] {strides = array<i32>} : memref<256xf32, #tpu.memory_space<vmem>>, vector<16xf32>,
    %swap3A_1091 = vector.shape_cast %swap3A_1090 : vector<16xf32> to vector<16xf32>
    %swap3A_1092 = vector.shape_cast %get3A_1088 : vector<16xf32> to vector<16xf32>
    tpu.vector_store %arg12[%swap3A_1089], %swap3A_1092 {strides = array<i32>} : memref<256xf32, #tpu.memory_space<vmem>>, vector<16xf32>,
    %get3A_1093 = arith.constant 16 : index
    %get3A_1094 = tpu.vector_load %arg10[%get3A_1093] {strides = array<i32>} : memref<128xf32, #tpu.memory_space<vmem>>, vector<16xf32>,
    %get3A_1095 = vector.shape_cast %get3A_1094 : vector<16xf32> to vector<16xf32>
    %swap3A_1096 = arith.constant 144 : index
    %swap3A_1097 = tpu.vector_load %arg12[%swap3A_1096] {strides = array<i32>} : memref<256xf32, #tpu.memory_space<vmem>>, vector<16xf32>,
    %swap3A_1098 = vector.shape_cast %swap3A_1097 : vector<16xf32> to vector<16xf32>
    %swap3A_1099 = vector.shape_cast %get3A_1095 : vector<16xf32> to vector<16xf32>
    tpu.vector_store %arg12[%swap3A_1096], %swap3A_1099 {strides = array<i32>} : memref<256xf32, #tpu.memory_space<vmem>>, vector<16xf32>,
    %add3A_1100 = arith.constant 32 : i32
    %add3A_1101 = arith.addi %mul3A_2, %add3A_1100 : i32
    %add3A_1102 = vector.broadcast %add3A_1101 : i32 to vector<16xi32>
    %add3A_1103 = arith.addi %add3A_1102, %iota3A : vector<16xi32>
    %mul3A_1104 = arith.constant 32 : i32
    %mul3A_1105 = vector.broadcast %mul3A_1104 : i32 to vector<16xi32>
    %mul3A_1106 = arith.muli %add3A_1103, %mul3A_1105 : vector<16xi32>
    %get3A_1107 = arith.constant 32 : index
    %get3A_1108 = tpu.vector_load %arg7[%get3A_1107] {strides = array<i32>} : memref<128xi32, #tpu.memory_space<vmem>>, vector<16xi32>,
    %get3A_1109 = vector.shape_cast %get3A_1108 : vector<16xi32> to vector<16xi32>
    %add3A_1110 = arith.addi %mul3A_1106, %get3A_1109 : vector<16xi32>
    %swap3A_1111 = arith.constant 32 : index
    %swap3A_1112 = tpu.vector_load %arg11[%swap3A_1111] {strides = array<i32>} : memref<256xi32, #tpu.memory_space<vmem>>, vector<16xi32>,
    %swap3A_1113 = vector.shape_cast %swap3A_1112 : vector<16xi32> to vector<16xi32>
    %swap3A_1114 = vector.shape_cast %add3A_1110 : vector<16xi32> to vector<16xi32>
    tpu.vector_store %arg11[%swap3A_1111], %swap3A_1114 {strides = array<i32>} : memref<256xi32, #tpu.memory_space<vmem>>, vector<16xi32>,
    %get3A_1115 = arith.constant 32 : index
    %get3A_1116 = tpu.vector_load %arg8[%get3A_1115] {strides = array<i32>} : memref<128xi32, #tpu.memory_space<vmem>>, vector<16xi32>,
    %get3A_1117 = vector.shape_cast %get3A_1116 : vector<16xi32> to vector<16xi32>
    %add3A_1118 = arith.addi %mul3A_1106, %get3A_1117 : vector<16xi32>
    %swap3A_1119 = arith.constant 160 : index
    %swap3A_1120 = tpu.vector_load %arg11[%swap3A_1119] {strides = array<i32>} : memref<256xi32, #tpu.memory_space<vmem>>, vector<16xi32>,
    %swap3A_1121 = vector.shape_cast %swap3A_1120 : vector<16xi32> to vector<16xi32>
    %swap3A_1122 = vector.shape_cast %add3A_1118 : vector<16xi32> to vector<16xi32>
    tpu.vector_store %arg11[%swap3A_1119], %swap3A_1122 {strides = array<i32>} : memref<256xi32, #tpu.memory_space<vmem>>, vector<16xi32>,
    %get3A_1123 = arith.constant 32 : index
    %get3A_1124 = tpu.vector_load %arg9[%get3A_1123] {strides = array<i32>} : memref<128xf32, #tpu.memory_space<vmem>>, vector<16xf32>,
    %get3A_1125 = vector.shape_cast %get3A_1124 : vector<16xf32> to vector<16xf32>
    %swap3A_1126 = arith.constant 32 : index
    %swap3A_1127 = tpu.vector_load %arg12[%swap3A_1126] {strides = array<i32>} : memref<256xf32, #tpu.memory_space<vmem>>, vector<16xf32>,
    %swap3A_1128 = vector.shape_cast %swap3A_1127 : vector<16xf32> to vector<16xf32>
    %swap3A_1129 = vector.shape_cast %get3A_1125 : vector<16xf32> to vector<16xf32>
    tpu.vector_store %arg12[%swap3A_1126], %swap3A_1129 {strides = array<i32>} : memref<256xf32, #tpu.memory_space<vmem>>, vector<16xf32>,
    %get3A_1130 = arith.constant 32 : index
    %get3A_1131 = tpu.vector_load %arg10[%get3A_1130] {strides = array<i32>} : memref<128xf32, #tpu.memory_space<vmem>>, vector<16xf32>,
    %get3A_1132 = vector.shape_cast %get3A_1131 : vector<16xf32> to vector<16xf32>
    %swap3A_1133 = arith.constant 160 : index
    %swap3A_1134 = tpu.vector_load %arg12[%swap3A_1133] {strides = array<i32>} : memref<256xf32, #tpu.memory_space<vmem>>, vector<16xf32>,
    %swap3A_1135 = vector.shape_cast %swap3A_1134 : vector<16xf32> to vector<16xf32>
    %swap3A_1136 = vector.shape_cast %get3A_1132 : vector<16xf32> to vector<16xf32>
    tpu.vector_store %arg12[%swap3A_1133], %swap3A_1136 {strides = array<i32>} : memref<256xf32, #tpu.memory_space<vmem>>, vector<16xf32>,
    %add3A_1137 = arith.constant 48 : i32
    %add3A_1138 = arith.addi %mul3A_2, %add3A_1137 : i32
    %add3A_1139 = vector.broadcast %add3A_1138 : i32 to vector<16xi32>
    %add3A_1140 = arith.addi %add3A_1139, %iota3A : vector<16xi32>
    %mul3A_1141 = arith.constant 32 : i32
    %mul3A_1142 = vector.broadcast %mul3A_1141 : i32 to vector<16xi32>
    %mul3A_1143 = arith.muli %add3A_1140, %mul3A_1142 : vector<16xi32>
    %get3A_1144 = arith.constant 48 : index
    %get3A_1145 = tpu.vector_load %arg7[%get3A_1144] {strides = array<i32>} : memref<128xi32, #tpu.memory_space<vmem>>, vector<16xi32>,
    %get3A_1146 = vector.shape_cast %get3A_1145 : vector<16xi32> to vector<16xi32>
    %add3A_1147 = arith.addi %mul3A_1143, %get3A_1146 : vector<16xi32>
    %swap3A_1148 = arith.constant 48 : index
    %swap3A_1149 = tpu.vector_load %arg11[%swap3A_1148] {strides = array<i32>} : memref<256xi32, #tpu.memory_space<vmem>>, vector<16xi32>,
    %swap3A_1150 = vector.shape_cast %swap3A_1149 : vector<16xi32> to vector<16xi32>
    %swap3A_1151 = vector.shape_cast %add3A_1147 : vector<16xi32> to vector<16xi32>
    tpu.vector_store %arg11[%swap3A_1148], %swap3A_1151 {strides = array<i32>} : memref<256xi32, #tpu.memory_space<vmem>>, vector<16xi32>,
    %get3A_1152 = arith.constant 48 : index
    %get3A_1153 = tpu.vector_load %arg8[%get3A_1152] {strides = array<i32>} : memref<128xi32, #tpu.memory_space<vmem>>, vector<16xi32>,
    %get3A_1154 = vector.shape_cast %get3A_1153 : vector<16xi32> to vector<16xi32>
    %add3A_1155 = arith.addi %mul3A_1143, %get3A_1154 : vector<16xi32>
    %swap3A_1156 = arith.constant 176 : index
    %swap3A_1157 = tpu.vector_load %arg11[%swap3A_1156] {strides = array<i32>} : memref<256xi32, #tpu.memory_space<vmem>>, vector<16xi32>,
    %swap3A_1158 = vector.shape_cast %swap3A_1157 : vector<16xi32> to vector<16xi32>
    %swap3A_1159 = vector.shape_cast %add3A_1155 : vector<16xi32> to vector<16xi32>
    tpu.vector_store %arg11[%swap3A_1156], %swap3A_1159 {strides = array<i32>} : memref<256xi32, #tpu.memory_space<vmem>>, vector<16xi32>,
    %get3A_1160 = arith.constant 48 : index
    %get3A_1161 = tpu.vector_load %arg9[%get3A_1160] {strides = array<i32>} : memref<128xf32, #tpu.memory_space<vmem>>, vector<16xf32>,
    %get3A_1162 = vector.shape_cast %get3A_1161 : vector<16xf32> to vector<16xf32>
    %swap3A_1163 = arith.constant 48 : index
    %swap3A_1164 = tpu.vector_load %arg12[%swap3A_1163] {strides = array<i32>} : memref<256xf32, #tpu.memory_space<vmem>>, vector<16xf32>,
    %swap3A_1165 = vector.shape_cast %swap3A_1164 : vector<16xf32> to vector<16xf32>
    %swap3A_1166 = vector.shape_cast %get3A_1162 : vector<16xf32> to vector<16xf32>
    tpu.vector_store %arg12[%swap3A_1163], %swap3A_1166 {strides = array<i32>} : memref<256xf32, #tpu.memory_space<vmem>>, vector<16xf32>,
    %get3A_1167 = arith.constant 48 : index
    %get3A_1168 = tpu.vector_load %arg10[%get3A_1167] {strides = array<i32>} : memref<128xf32, #tpu.memory_space<vmem>>, vector<16xf32>,
    %get3A_1169 = vector.shape_cast %get3A_1168 : vector<16xf32> to vector<16xf32>
    %swap3A_1170 = arith.constant 176 : index
    %swap3A_1171 = tpu.vector_load %arg12[%swap3A_1170] {strides = array<i32>} : memref<256xf32, #tpu.memory_space<vmem>>, vector<16xf32>,
    %swap3A_1172 = vector.shape_cast %swap3A_1171 : vector<16xf32> to vector<16xf32>
    %swap3A_1173 = vector.shape_cast %get3A_1169 : vector<16xf32> to vector<16xf32>
    tpu.vector_store %arg12[%swap3A_1170], %swap3A_1173 {strides = array<i32>} : memref<256xf32, #tpu.memory_space<vmem>>, vector<16xf32>,
    %add3A_1174 = arith.constant 64 : i32
    %add3A_1175 = arith.addi %mul3A_2, %add3A_1174 : i32
    %add3A_1176 = vector.broadcast %add3A_1175 : i32 to vector<16xi32>
    %add3A_1177 = arith.addi %add3A_1176, %iota3A : vector<16xi32>
    %mul3A_1178 = arith.constant 32 : i32
    %mul3A_1179 = vector.broadcast %mul3A_1178 : i32 to vector<16xi32>
    %mul3A_1180 = arith.muli %add3A_1177, %mul3A_1179 : vector<16xi32>
    %get3A_1181 = arith.constant 64 : index
    %get3A_1182 = tpu.vector_load %arg7[%get3A_1181] {strides = array<i32>} : memref<128xi32, #tpu.memory_space<vmem>>, vector<16xi32>,
    %get3A_1183 = vector.shape_cast %get3A_1182 : vector<16xi32> to vector<16xi32>
    %add3A_1184 = arith.addi %mul3A_1180, %get3A_1183 : vector<16xi32>
    %swap3A_1185 = arith.constant 64 : index
    %swap3A_1186 = tpu.vector_load %arg11[%swap3A_1185] {strides = array<i32>} : memref<256xi32, #tpu.memory_space<vmem>>, vector<16xi32>,
    %swap3A_1187 = vector.shape_cast %swap3A_1186 : vector<16xi32> to vector<16xi32>
    %swap3A_1188 = vector.shape_cast %add3A_1184 : vector<16xi32> to vector<16xi32>
    tpu.vector_store %arg11[%swap3A_1185], %swap3A_1188 {strides = array<i32>} : memref<256xi32, #tpu.memory_space<vmem>>, vector<16xi32>,
    %get3A_1189 = arith.constant 64 : index
    %get3A_1190 = tpu.vector_load %arg8[%get3A_1189] {strides = array<i32>} : memref<128xi32, #tpu.memory_space<vmem>>, vector<16xi32>,
    %get3A_1191 = vector.shape_cast %get3A_1190 : vector<16xi32> to vector<16xi32>
    %add3A_1192 = arith.addi %mul3A_1180, %get3A_1191 : vector<16xi32>
    %swap3A_1193 = arith.constant 192 : index
    %swap3A_1194 = tpu.vector_load %arg11[%swap3A_1193] {strides = array<i32>} : memref<256xi32, #tpu.memory_space<vmem>>, vector<16xi32>,
    %swap3A_1195 = vector.shape_cast %swap3A_1194 : vector<16xi32> to vector<16xi32>
    %swap3A_1196 = vector.shape_cast %add3A_1192 : vector<16xi32> to vector<16xi32>
    tpu.vector_store %arg11[%swap3A_1193], %swap3A_1196 {strides = array<i32>} : memref<256xi32, #tpu.memory_space<vmem>>, vector<16xi32>,
    %get3A_1197 = arith.constant 64 : index
    %get3A_1198 = tpu.vector_load %arg9[%get3A_1197] {strides = array<i32>} : memref<128xf32, #tpu.memory_space<vmem>>, vector<16xf32>,
    %get3A_1199 = vector.shape_cast %get3A_1198 : vector<16xf32> to vector<16xf32>
    %swap3A_1200 = arith.constant 64 : index
    %swap3A_1201 = tpu.vector_load %arg12[%swap3A_1200] {strides = array<i32>} : memref<256xf32, #tpu.memory_space<vmem>>, vector<16xf32>,
    %swap3A_1202 = vector.shape_cast %swap3A_1201 : vector<16xf32> to vector<16xf32>
    %swap3A_1203 = vector.shape_cast %get3A_1199 : vector<16xf32> to vector<16xf32>
    tpu.vector_store %arg12[%swap3A_1200], %swap3A_1203 {strides = array<i32>} : memref<256xf32, #tpu.memory_space<vmem>>, vector<16xf32>,
    %get3A_1204 = arith.constant 64 : index
    %get3A_1205 = tpu.vector_load %arg10[%get3A_1204] {strides = array<i32>} : memref<128xf32, #tpu.memory_space<vmem>>, vector<16xf32>,
    %get3A_1206 = vector.shape_cast %get3A_1205 : vector<16xf32> to vector<16xf32>
    %swap3A_1207 = arith.constant 192 : index
    %swap3A_1208 = tpu.vector_load %arg12[%swap3A_1207] {strides = array<i32>} : memref<256xf32, #tpu.memory_space<vmem>>, vector<16xf32>,
    %swap3A_1209 = vector.shape_cast %swap3A_1208 : vector<16xf32> to vector<16xf32>
    %swap3A_1210 = vector.shape_cast %get3A_1206 : vector<16xf32> to vector<16xf32>
    tpu.vector_store %arg12[%swap3A_1207], %swap3A_1210 {strides = array<i32>} : memref<256xf32, #tpu.memory_space<vmem>>, vector<16xf32>,
    %add3A_1211 = arith.constant 80 : i32
    %add3A_1212 = arith.addi %mul3A_2, %add3A_1211 : i32
    %add3A_1213 = vector.broadcast %add3A_1212 : i32 to vector<16xi32>
    %add3A_1214 = arith.addi %add3A_1213, %iota3A : vector<16xi32>
    %mul3A_1215 = arith.constant 32 : i32
    %mul3A_1216 = vector.broadcast %mul3A_1215 : i32 to vector<16xi32>
    %mul3A_1217 = arith.muli %add3A_1214, %mul3A_1216 : vector<16xi32>
    %get3A_1218 = arith.constant 80 : index
    %get3A_1219 = tpu.vector_load %arg7[%get3A_1218] {strides = array<i32>} : memref<128xi32, #tpu.memory_space<vmem>>, vector<16xi32>,
    %get3A_1220 = vector.shape_cast %get3A_1219 : vector<16xi32> to vector<16xi32>
    %add3A_1221 = arith.addi %mul3A_1217, %get3A_1220 : vector<16xi32>
    %swap3A_1222 = arith.constant 80 : index
    %swap3A_1223 = tpu.vector_load %arg11[%swap3A_1222] {strides = array<i32>} : memref<256xi32, #tpu.memory_space<vmem>>, vector<16xi32>,
    %swap3A_1224 = vector.shape_cast %swap3A_1223 : vector<16xi32> to vector<16xi32>
    %swap3A_1225 = vector.shape_cast %add3A_1221 : vector<16xi32> to vector<16xi32>
    tpu.vector_store %arg11[%swap3A_1222], %swap3A_1225 {strides = array<i32>} : memref<256xi32, #tpu.memory_space<vmem>>, vector<16xi32>,
    %get3A_1226 = arith.constant 80 : index
    %get3A_1227 = tpu.vector_load %arg8[%get3A_1226] {strides = array<i32>} : memref<128xi32, #tpu.memory_space<vmem>>, vector<16xi32>,
    %get3A_1228 = vector.shape_cast %get3A_1227 : vector<16xi32> to vector<16xi32>
    %add3A_1229 = arith.addi %mul3A_1217, %get3A_1228 : vector<16xi32>
    %swap3A_1230 = arith.constant 208 : index
    %swap3A_1231 = tpu.vector_load %arg11[%swap3A_1230] {strides = array<i32>} : memref<256xi32, #tpu.memory_space<vmem>>, vector<16xi32>,
    %swap3A_1232 = vector.shape_cast %swap3A_1231 : vector<16xi32> to vector<16xi32>
    %swap3A_1233 = vector.shape_cast %add3A_1229 : vector<16xi32> to vector<16xi32>
    tpu.vector_store %arg11[%swap3A_1230], %swap3A_1233 {strides = array<i32>} : memref<256xi32, #tpu.memory_space<vmem>>, vector<16xi32>,
    %get3A_1234 = arith.constant 80 : index
    %get3A_1235 = tpu.vector_load %arg9[%get3A_1234] {strides = array<i32>} : memref<128xf32, #tpu.memory_space<vmem>>, vector<16xf32>,
    %get3A_1236 = vector.shape_cast %get3A_1235 : vector<16xf32> to vector<16xf32>
    %swap3A_1237 = arith.constant 80 : index
    %swap3A_1238 = tpu.vector_load %arg12[%swap3A_1237] {strides = array<i32>} : memref<256xf32, #tpu.memory_space<vmem>>, vector<16xf32>,
    %swap3A_1239 = vector.shape_cast %swap3A_1238 : vector<16xf32> to vector<16xf32>
    %swap3A_1240 = vector.shape_cast %get3A_1236 : vector<16xf32> to vector<16xf32>
    tpu.vector_store %arg12[%swap3A_1237], %swap3A_1240 {strides = array<i32>} : memref<256xf32, #tpu.memory_space<vmem>>, vector<16xf32>,
    %get3A_1241 = arith.constant 80 : index
    %get3A_1242 = tpu.vector_load %arg10[%get3A_1241] {strides = array<i32>} : memref<128xf32, #tpu.memory_space<vmem>>, vector<16xf32>,
    %get3A_1243 = vector.shape_cast %get3A_1242 : vector<16xf32> to vector<16xf32>
    %swap3A_1244 = arith.constant 208 : index
    %swap3A_1245 = tpu.vector_load %arg12[%swap3A_1244] {strides = array<i32>} : memref<256xf32, #tpu.memory_space<vmem>>, vector<16xf32>,
    %swap3A_1246 = vector.shape_cast %swap3A_1245 : vector<16xf32> to vector<16xf32>
    %swap3A_1247 = vector.shape_cast %get3A_1243 : vector<16xf32> to vector<16xf32>
    tpu.vector_store %arg12[%swap3A_1244], %swap3A_1247 {strides = array<i32>} : memref<256xf32, #tpu.memory_space<vmem>>, vector<16xf32>,
    %add3A_1248 = arith.constant 96 : i32
    %add3A_1249 = arith.addi %mul3A_2, %add3A_1248 : i32
    %add3A_1250 = vector.broadcast %add3A_1249 : i32 to vector<16xi32>
    %add3A_1251 = arith.addi %add3A_1250, %iota3A : vector<16xi32>
    %mul3A_1252 = arith.constant 32 : i32
    %mul3A_1253 = vector.broadcast %mul3A_1252 : i32 to vector<16xi32>
    %mul3A_1254 = arith.muli %add3A_1251, %mul3A_1253 : vector<16xi32>
    %get3A_1255 = arith.constant 96 : index
    %get3A_1256 = tpu.vector_load %arg7[%get3A_1255] {strides = array<i32>} : memref<128xi32, #tpu.memory_space<vmem>>, vector<16xi32>,
    %get3A_1257 = vector.shape_cast %get3A_1256 : vector<16xi32> to vector<16xi32>
    %add3A_1258 = arith.addi %mul3A_1254, %get3A_1257 : vector<16xi32>
    %swap3A_1259 = arith.constant 96 : index
    %swap3A_1260 = tpu.vector_load %arg11[%swap3A_1259] {strides = array<i32>} : memref<256xi32, #tpu.memory_space<vmem>>, vector<16xi32>,
    %swap3A_1261 = vector.shape_cast %swap3A_1260 : vector<16xi32> to vector<16xi32>
    %swap3A_1262 = vector.shape_cast %add3A_1258 : vector<16xi32> to vector<16xi32>
    tpu.vector_store %arg11[%swap3A_1259], %swap3A_1262 {strides = array<i32>} : memref<256xi32, #tpu.memory_space<vmem>>, vector<16xi32>,
    %get3A_1263 = arith.constant 96 : index
    %get3A_1264 = tpu.vector_load %arg8[%get3A_1263] {strides = array<i32>} : memref<128xi32, #tpu.memory_space<vmem>>, vector<16xi32>,
    %get3A_1265 = vector.shape_cast %get3A_1264 : vector<16xi32> to vector<16xi32>
    %add3A_1266 = arith.addi %mul3A_1254, %get3A_1265 : vector<16xi32>
    %swap3A_1267 = arith.constant 224 : index
    %swap3A_1268 = tpu.vector_load %arg11[%swap3A_1267] {strides = array<i32>} : memref<256xi32, #tpu.memory_space<vmem>>, vector<16xi32>,
    %swap3A_1269 = vector.shape_cast %swap3A_1268 : vector<16xi32> to vector<16xi32>
    %swap3A_1270 = vector.shape_cast %add3A_1266 : vector<16xi32> to vector<16xi32>
    tpu.vector_store %arg11[%swap3A_1267], %swap3A_1270 {strides = array<i32>} : memref<256xi32, #tpu.memory_space<vmem>>, vector<16xi32>,
    %get3A_1271 = arith.constant 96 : index
    %get3A_1272 = tpu.vector_load %arg9[%get3A_1271] {strides = array<i32>} : memref<128xf32, #tpu.memory_space<vmem>>, vector<16xf32>,
    %get3A_1273 = vector.shape_cast %get3A_1272 : vector<16xf32> to vector<16xf32>
    %swap3A_1274 = arith.constant 96 : index
    %swap3A_1275 = tpu.vector_load %arg12[%swap3A_1274] {strides = array<i32>} : memref<256xf32, #tpu.memory_space<vmem>>, vector<16xf32>,
    %swap3A_1276 = vector.shape_cast %swap3A_1275 : vector<16xf32> to vector<16xf32>
    %swap3A_1277 = vector.shape_cast %get3A_1273 : vector<16xf32> to vector<16xf32>
    tpu.vector_store %arg12[%swap3A_1274], %swap3A_1277 {strides = array<i32>} : memref<256xf32, #tpu.memory_space<vmem>>, vector<16xf32>,
    %get3A_1278 = arith.constant 96 : index
    %get3A_1279 = tpu.vector_load %arg10[%get3A_1278] {strides = array<i32>} : memref<128xf32, #tpu.memory_space<vmem>>, vector<16xf32>,
    %get3A_1280 = vector.shape_cast %get3A_1279 : vector<16xf32> to vector<16xf32>
    %swap3A_1281 = arith.constant 224 : index
    %swap3A_1282 = tpu.vector_load %arg12[%swap3A_1281] {strides = array<i32>} : memref<256xf32, #tpu.memory_space<vmem>>, vector<16xf32>,
    %swap3A_1283 = vector.shape_cast %swap3A_1282 : vector<16xf32> to vector<16xf32>
    %swap3A_1284 = vector.shape_cast %get3A_1280 : vector<16xf32> to vector<16xf32>
    tpu.vector_store %arg12[%swap3A_1281], %swap3A_1284 {strides = array<i32>} : memref<256xf32, #tpu.memory_space<vmem>>, vector<16xf32>,
    %add3A_1285 = arith.constant 112 : i32
    %add3A_1286 = arith.addi %mul3A_2, %add3A_1285 : i32
    %add3A_1287 = vector.broadcast %add3A_1286 : i32 to vector<16xi32>
    %add3A_1288 = arith.addi %add3A_1287, %iota3A : vector<16xi32>
    %mul3A_1289 = arith.constant 32 : i32
    %mul3A_1290 = vector.broadcast %mul3A_1289 : i32 to vector<16xi32>
    %mul3A_1291 = arith.muli %add3A_1288, %mul3A_1290 : vector<16xi32>
    %get3A_1292 = arith.constant 112 : index
    %get3A_1293 = tpu.vector_load %arg7[%get3A_1292] {strides = array<i32>} : memref<128xi32, #tpu.memory_space<vmem>>, vector<16xi32>,
    %get3A_1294 = vector.shape_cast %get3A_1293 : vector<16xi32> to vector<16xi32>
    %add3A_1295 = arith.addi %mul3A_1291, %get3A_1294 : vector<16xi32>
    %swap3A_1296 = arith.constant 112 : index
    %swap3A_1297 = tpu.vector_load %arg11[%swap3A_1296] {strides = array<i32>} : memref<256xi32, #tpu.memory_space<vmem>>, vector<16xi32>,
    %swap3A_1298 = vector.shape_cast %swap3A_1297 : vector<16xi32> to vector<16xi32>
    %swap3A_1299 = vector.shape_cast %add3A_1295 : vector<16xi32> to vector<16xi32>
    tpu.vector_store %arg11[%swap3A_1296], %swap3A_1299 {strides = array<i32>} : memref<256xi32, #tpu.memory_space<vmem>>, vector<16xi32>,
    %get3A_1300 = arith.constant 112 : index
    %get3A_1301 = tpu.vector_load %arg8[%get3A_1300] {strides = array<i32>} : memref<128xi32, #tpu.memory_space<vmem>>, vector<16xi32>,
    %get3A_1302 = vector.shape_cast %get3A_1301 : vector<16xi32> to vector<16xi32>
    %add3A_1303 = arith.addi %mul3A_1291, %get3A_1302 : vector<16xi32>
    %swap3A_1304 = arith.constant 240 : index
    %swap3A_1305 = tpu.vector_load %arg11[%swap3A_1304] {strides = array<i32>} : memref<256xi32, #tpu.memory_space<vmem>>, vector<16xi32>,
    %swap3A_1306 = vector.shape_cast %swap3A_1305 : vector<16xi32> to vector<16xi32>
    %swap3A_1307 = vector.shape_cast %add3A_1303 : vector<16xi32> to vector<16xi32>
    tpu.vector_store %arg11[%swap3A_1304], %swap3A_1307 {strides = array<i32>} : memref<256xi32, #tpu.memory_space<vmem>>, vector<16xi32>,
    %get3A_1308 = arith.constant 112 : index
    %get3A_1309 = tpu.vector_load %arg9[%get3A_1308] {strides = array<i32>} : memref<128xf32, #tpu.memory_space<vmem>>, vector<16xf32>,
    %get3A_1310 = vector.shape_cast %get3A_1309 : vector<16xf32> to vector<16xf32>
    %swap3A_1311 = arith.constant 112 : index
    %swap3A_1312 = tpu.vector_load %arg12[%swap3A_1311] {strides = array<i32>} : memref<256xf32, #tpu.memory_space<vmem>>, vector<16xf32>,
    %swap3A_1313 = vector.shape_cast %swap3A_1312 : vector<16xf32> to vector<16xf32>
    %swap3A_1314 = vector.shape_cast %get3A_1310 : vector<16xf32> to vector<16xf32>
    tpu.vector_store %arg12[%swap3A_1311], %swap3A_1314 {strides = array<i32>} : memref<256xf32, #tpu.memory_space<vmem>>, vector<16xf32>,
    %get3A_1315 = arith.constant 112 : index
    %get3A_1316 = tpu.vector_load %arg10[%get3A_1315] {strides = array<i32>} : memref<128xf32, #tpu.memory_space<vmem>>, vector<16xf32>,
    %get3A_1317 = vector.shape_cast %get3A_1316 : vector<16xf32> to vector<16xf32>
    %swap3A_1318 = arith.constant 240 : index
    %swap3A_1319 = tpu.vector_load %arg12[%swap3A_1318] {strides = array<i32>} : memref<256xf32, #tpu.memory_space<vmem>>, vector<16xf32>,
    %swap3A_1320 = vector.shape_cast %swap3A_1319 : vector<16xf32> to vector<16xf32>
    %swap3A_1321 = vector.shape_cast %get3A_1317 : vector<16xf32> to vector<16xf32>
    tpu.vector_store %arg12[%swap3A_1318], %swap3A_1321 {strides = array<i32>} : memref<256xf32, #tpu.memory_space<vmem>>, vector<16xf32>,
    %mul3A_1322 = arith.constant 32 : i32
    %mul3A_1323 = arith.muli %mul3A_2, %mul3A_1322 : i32
    "tpu.region"() ({
      %run_scoped3A = tpu.sem_alloc : memref<!tpu.dma_semaphore, #tpu.memory_space<semaphore_mem>>
      %dma_start3A_1326 = tpu.memref_slice %arg6[%mul3A_1323] : memref<131072xf32, #tpu.memory_space<hbm>> -> memref<4096xf32, #tpu.memory_space<hbm>>
      %dma_start3A_1327 = tpu.memref_slice %arg6[%mul3A_1323] : memref<131072xf32, #tpu.memory_space<hbm>> -> memref<4096xf32, #tpu.memory_space<hbm>>
      tpu.enqueue_dma source(%arg13 : memref<4096xf32, #tpu.memory_space<vmem>>) target(%dma_start3A_1327 : memref<4096xf32, #tpu.memory_space<hbm>>) target_semaphore(%run_scoped3A : memref<!tpu.dma_semaphore, #tpu.memory_space<semaphore_mem>>)
      %dma_wait3A_1328 = tpu.memref_slice %arg6[%mul3A_1323] : memref<131072xf32, #tpu.memory_space<hbm>> -> memref<4096xf32, #tpu.memory_space<hbm>>
      %dma_wait3A_1329 = tpu.memref_slice %arg6[%mul3A_1323] : memref<131072xf32, #tpu.memory_space<hbm>> -> memref<4096xf32, #tpu.memory_space<hbm>>
      tpu.wait_dma2 semaphore(%run_scoped3A : memref<!tpu.dma_semaphore, #tpu.memory_space<semaphore_mem>>) src(%arg13 : memref<4096xf32, #tpu.memory_space<vmem>>) dst(%dma_wait3A_1329 : memref<4096xf32, #tpu.memory_space<hbm>>)
      tpu.yield
    }) : () -> ()
    %dma_start3A = arith.constant 0 : i32
    %dma_start3A_1324 = tpu.memref_slice %arg6[%dma_start3A] : memref<131072xf32, #tpu.memory_space<hbm>> -> memref<131072xf32, #tpu.memory_space<hbm>>
    tpu.enqueue_indirect_dma source(%arg12 : memref<256xf32, #tpu.memory_space<vmem>>) target(%dma_start3A_1324 : memref<131072xf32, #tpu.memory_space<hbm>>) offsets(%arg11 : memref<256xi32, #tpu.memory_space<vmem>>) semaphore(%arg14 : memref<!tpu.dma_semaphore, #tpu.memory_space<semaphore_mem>>)
    %dma_wait3A = arith.constant 0 : i32
    %dma_wait3A_1325 = tpu.memref_slice %arg6[%dma_wait3A] : memref<131072xf32, #tpu.memory_space<hbm>> -> memref<131072xf32, #tpu.memory_space<hbm>>
    tpu.wait_indirect_dma semaphore(%arg14 : memref<!tpu.dma_semaphore, #tpu.memory_space<semaphore_mem>>) src(%arg12 : memref<256xf32, #tpu.memory_space<vmem>>) dst(%dma_wait3A_1325 : memref<131072xf32, #tpu.memory_space<hbm>>)
    return
  }
}

module attributes {stable_mosaic.version = 14 : i64} {
  func.func @_route_body(%arg0: memref<4096x1024xf32, #tpu.memory_space<vmem>>, %arg1: memref<16x1024xf32, #tpu.memory_space<vmem>>, %arg2: memref<4096x1xi32, #tpu.memory_space<vmem>>, %arg3: memref<4096x1xi32, #tpu.memory_space<vmem>>, %arg4: memref<4096x1xf32, #tpu.memory_space<vmem>>, %arg5: memref<4096x1xf32, #tpu.memory_space<vmem>>, %arg6: memref<32x1024xf32, #tpu.memory_space<vmem>>, %arg7: memref<1x1xf32, #tpu.memory_space<vmem>>) attributes {dimension_semantics = [], scalar_prefetch = 0 : i64, scratch_operands = 0 : i64, tpu.core_type = #tpu.core_type<tc>} {
    %get3A = arith.constant 0 : index
    %get3A_0 = arith.constant 0 : index
    %get3A_1 = vector.load %arg0[%get3A, %get3A_0] : memref<4096x1024xf32, #tpu.memory_space<vmem>>, vector<4096x1024xf32>
    %get3A_2 = arith.constant 0 : index
    %get3A_3 = arith.constant 0 : index
    %get3A_4 = vector.load %arg1[%get3A_2, %get3A_3] : memref<16x1024xf32, #tpu.memory_space<vmem>>, vector<16x1024xf32>
    %dot_general3A = arith.constant dense<0.000000e+00> : vector<4096x16xf32>
    %dot_general3A_5 = tpu.matmul %get3A_1, %get3A_4, %dot_general3A {dimension_numbers = #tpu.dot_dimension_numbers<[1], [1], [0], [0], [0, 0, 1, 0], [], []>, transpose_lhs_hint = false} : vector<4096x1024xf32>, vector<16x1024xf32>, vector<4096x16xf32> -> vector<4096x16xf32>
    %reduce_max3A = arith.constant dense<0xFF800000> : vector<4096xf32>
    %reduce_max3A_6 = vector.multi_reduction <maximumf>, %dot_general3A_5, %reduce_max3A [1] : vector<4096x16xf32> to vector<4096xf32>
    %broadcast_in_dim3A = vector.shape_cast %reduce_max3A_6 : vector<4096xf32> to vector<4096x1xf32>
    %sub3A = vector.broadcast %broadcast_in_dim3A : vector<4096x1xf32> to vector<4096x16xf32>
    %sub3A_7 = arith.subf %dot_general3A_5, %sub3A : vector<4096x16xf32>
    %exp3A = math.exp %sub3A_7 : vector<4096x16xf32>
    %reduce_sum3A = arith.constant dense<0.000000e+00> : vector<4096xf32>
    %reduce_sum3A_8 = vector.multi_reduction <add>, %exp3A, %reduce_sum3A [1] : vector<4096x16xf32> to vector<4096xf32>
    %broadcast_in_dim3A_9 = vector.shape_cast %reduce_sum3A_8 : vector<4096xf32> to vector<4096x1xf32>
    %div3A = vector.broadcast %broadcast_in_dim3A_9 : vector<4096x1xf32> to vector<4096x16xf32>
    %div3A_10 = arith.divf %exp3A, %div3A : vector<4096x16xf32>
    %iota3A = tpu.iota {dimensions = array<i32: 1>} : vector<4096x16xi32>
    %convert_element_type3A = arith.sitofp %iota3A : vector<4096x16xi32> to vector<4096x16xf32>
    %reduce_max3A_11 = arith.constant dense<0xFF800000> : vector<4096xf32>
    %reduce_max3A_12 = vector.multi_reduction <maximumf>, %div3A_10, %reduce_max3A_11 [1] : vector<4096x16xf32> to vector<4096xf32>
    %broadcast_in_dim3A_13 = vector.shape_cast %reduce_max3A_12 : vector<4096xf32> to vector<4096x1xf32>
    %ge3A = vector.broadcast %broadcast_in_dim3A_13 : vector<4096x1xf32> to vector<4096x16xf32>
    %ge3A_14 = arith.cmpf oge, %div3A_10, %ge3A : vector<4096x16xf32>
    %jit3A = arith.constant 1.600000e+01 : f32
    %broadcast_in_dim3A_15 = vector.broadcast %jit3A : f32 to vector<4096x16xf32>
    %select_n3A = arith.select %ge3A_14, %convert_element_type3A, %broadcast_in_dim3A_15 : vector<4096x16xi1>, vector<4096x16xf32>
    %reduce_min3A = arith.constant dense<0x7F800000> : vector<4096xf32>
    %reduce_min3A_16 = vector.multi_reduction <minimumf>, %select_n3A, %reduce_min3A [1] : vector<4096x16xf32> to vector<4096xf32>
    %broadcast_in_dim3A_17 = vector.shape_cast %reduce_min3A_16 : vector<4096xf32> to vector<4096x1xf32>
    %eq3A = vector.broadcast %broadcast_in_dim3A_17 : vector<4096x1xf32> to vector<4096x16xf32>
    %eq3A_18 = arith.cmpf oeq, %convert_element_type3A, %eq3A : vector<4096x16xf32>
    %jit3A_19 = arith.constant -1.000000e+00 : f32
    %broadcast_in_dim3A_20 = vector.broadcast %jit3A_19 : f32 to vector<4096x16xf32>
    %select_n3A_21 = arith.select %eq3A_18, %broadcast_in_dim3A_20, %div3A_10 : vector<4096x16xi1>, vector<4096x16xf32>
    %reduce_max3A_22 = arith.constant dense<0xFF800000> : vector<4096xf32>
    %reduce_max3A_23 = vector.multi_reduction <maximumf>, %select_n3A_21, %reduce_max3A_22 [1] : vector<4096x16xf32> to vector<4096xf32>
    %broadcast_in_dim3A_24 = vector.shape_cast %reduce_max3A_23 : vector<4096xf32> to vector<4096x1xf32>
    %ge3A_25 = vector.broadcast %broadcast_in_dim3A_24 : vector<4096x1xf32> to vector<4096x16xf32>
    %ge3A_26 = arith.cmpf oge, %select_n3A_21, %ge3A_25 : vector<4096x16xf32>
    %jit3A_27 = arith.constant 1.600000e+01 : f32
    %broadcast_in_dim3A_28 = vector.broadcast %jit3A_27 : f32 to vector<4096x16xf32>
    %select_n3A_29 = arith.select %ge3A_26, %convert_element_type3A, %broadcast_in_dim3A_28 : vector<4096x16xi1>, vector<4096x16xf32>
    %reduce_min3A_30 = arith.constant dense<0x7F800000> : vector<4096xf32>
    %reduce_min3A_31 = vector.multi_reduction <minimumf>, %select_n3A_29, %reduce_min3A_30 [1] : vector<4096x16xf32> to vector<4096xf32>
    %broadcast_in_dim3A_32 = vector.shape_cast %reduce_min3A_31 : vector<4096xf32> to vector<4096x1xf32>
    %reduce_sum3A_33 = arith.constant dense<0.000000e+00> : vector<16xf32>
    %reduce_sum3A_34 = vector.multi_reduction <add>, %div3A_10, %reduce_sum3A_33 [0] : vector<4096x16xf32> to vector<16xf32>
    %broadcast_in_dim3A_35 = vector.shape_cast %reduce_sum3A_34 : vector<16xf32> to vector<1x16xf32>
    %eq3A_36 = vector.broadcast %broadcast_in_dim3A_17 : vector<4096x1xf32> to vector<4096x16xf32>
    %eq3A_37 = arith.cmpf oeq, %convert_element_type3A, %eq3A_36 : vector<4096x16xf32>
    %convert_element_type3A_38 = arith.extui %eq3A_37 : vector<4096x16xi1> to vector<4096x16xi32>
    %convert_element_type3A_39 = arith.sitofp %convert_element_type3A_38 : vector<4096x16xi32> to vector<4096x16xf32>
    %eq3A_40 = vector.broadcast %broadcast_in_dim3A_32 : vector<4096x1xf32> to vector<4096x16xf32>
    %eq3A_41 = arith.cmpf oeq, %convert_element_type3A, %eq3A_40 : vector<4096x16xf32>
    %convert_element_type3A_42 = arith.extui %eq3A_41 : vector<4096x16xi1> to vector<4096x16xi32>
    %convert_element_type3A_43 = arith.sitofp %convert_element_type3A_42 : vector<4096x16xi32> to vector<4096x16xf32>
    %add3A = arith.addf %convert_element_type3A_39, %convert_element_type3A_43 : vector<4096x16xf32>
    %broadcast_in_dim3A_44 = arith.constant 0.000000e+00 : f32
    %broadcast_in_dim3A_45 = vector.broadcast %broadcast_in_dim3A_44 : f32 to vector<1x16xf32>
    %slice3A = vector.extract_strided_slice %add3A {offsets = [0, 0], sizes = [4095, 16], strides = [1, 1]} : vector<4096x16xf32> to vector<4095x16xf32>
    %concatenate3A = tpu.concatenate %broadcast_in_dim3A_45, %slice3A in 0 : vector<1x16xf32>, vector<4095x16xf32> -> vector<4096x16xf32>
    %add3A_46 = arith.addf %add3A, %concatenate3A : vector<4096x16xf32>
    %broadcast_in_dim3A_47 = arith.constant 0.000000e+00 : f32
    %broadcast_in_dim3A_48 = vector.broadcast %broadcast_in_dim3A_47 : f32 to vector<2x16xf32>
    %slice3A_49 = vector.extract_strided_slice %add3A_46 {offsets = [0, 0], sizes = [4094, 16], strides = [1, 1]} : vector<4096x16xf32> to vector<4094x16xf32>
    %concatenate3A_50 = tpu.concatenate %broadcast_in_dim3A_48, %slice3A_49 in 0 : vector<2x16xf32>, vector<4094x16xf32> -> vector<4096x16xf32>
    %add3A_51 = arith.addf %add3A_46, %concatenate3A_50 : vector<4096x16xf32>
    %broadcast_in_dim3A_52 = arith.constant 0.000000e+00 : f32
    %broadcast_in_dim3A_53 = vector.broadcast %broadcast_in_dim3A_52 : f32 to vector<4x16xf32>
    %slice3A_54 = vector.extract_strided_slice %add3A_51 {offsets = [0, 0], sizes = [4092, 16], strides = [1, 1]} : vector<4096x16xf32> to vector<4092x16xf32>
    %concatenate3A_55 = tpu.concatenate %broadcast_in_dim3A_53, %slice3A_54 in 0 : vector<4x16xf32>, vector<4092x16xf32> -> vector<4096x16xf32>
    %add3A_56 = arith.addf %add3A_51, %concatenate3A_55 : vector<4096x16xf32>
    %broadcast_in_dim3A_57 = arith.constant 0.000000e+00 : f32
    %broadcast_in_dim3A_58 = vector.broadcast %broadcast_in_dim3A_57 : f32 to vector<8x16xf32>
    %slice3A_59 = vector.extract_strided_slice %add3A_56 {offsets = [0, 0], sizes = [4088, 16], strides = [1, 1]} : vector<4096x16xf32> to vector<4088x16xf32>
    %concatenate3A_60 = tpu.concatenate %broadcast_in_dim3A_58, %slice3A_59 in 0 : vector<8x16xf32>, vector<4088x16xf32> -> vector<4096x16xf32>
    %add3A_61 = arith.addf %add3A_56, %concatenate3A_60 : vector<4096x16xf32>
    %broadcast_in_dim3A_62 = arith.constant 0.000000e+00 : f32
    %broadcast_in_dim3A_63 = vector.broadcast %broadcast_in_dim3A_62 : f32 to vector<16x16xf32>
    %slice3A_64 = vector.extract_strided_slice %add3A_61 {offsets = [0, 0], sizes = [4080, 16], strides = [1, 1]} : vector<4096x16xf32> to vector<4080x16xf32>
    %concatenate3A_65 = tpu.concatenate %broadcast_in_dim3A_63, %slice3A_64 in 0 : vector<16x16xf32>, vector<4080x16xf32> -> vector<4096x16xf32>
    %add3A_66 = arith.addf %add3A_61, %concatenate3A_65 : vector<4096x16xf32>
    %broadcast_in_dim3A_67 = arith.constant 0.000000e+00 : f32
    %broadcast_in_dim3A_68 = vector.broadcast %broadcast_in_dim3A_67 : f32 to vector<32x16xf32>
    %slice3A_69 = vector.extract_strided_slice %add3A_66 {offsets = [0, 0], sizes = [4064, 16], strides = [1, 1]} : vector<4096x16xf32> to vector<4064x16xf32>
    %concatenate3A_70 = tpu.concatenate %broadcast_in_dim3A_68, %slice3A_69 in 0 : vector<32x16xf32>, vector<4064x16xf32> -> vector<4096x16xf32>
    %add3A_71 = arith.addf %add3A_66, %concatenate3A_70 : vector<4096x16xf32>
    %broadcast_in_dim3A_72 = arith.constant 0.000000e+00 : f32
    %broadcast_in_dim3A_73 = vector.broadcast %broadcast_in_dim3A_72 : f32 to vector<64x16xf32>
    %slice3A_74 = vector.extract_strided_slice %add3A_71 {offsets = [0, 0], sizes = [4032, 16], strides = [1, 1]} : vector<4096x16xf32> to vector<4032x16xf32>
    %concatenate3A_75 = tpu.concatenate %broadcast_in_dim3A_73, %slice3A_74 in 0 : vector<64x16xf32>, vector<4032x16xf32> -> vector<4096x16xf32>
    %add3A_76 = arith.addf %add3A_71, %concatenate3A_75 : vector<4096x16xf32>
    %broadcast_in_dim3A_77 = arith.constant 0.000000e+00 : f32
    %broadcast_in_dim3A_78 = vector.broadcast %broadcast_in_dim3A_77 : f32 to vector<128x16xf32>
    %slice3A_79 = vector.extract_strided_slice %add3A_76 {offsets = [0, 0], sizes = [3968, 16], strides = [1, 1]} : vector<4096x16xf32> to vector<3968x16xf32>
    %concatenate3A_80 = tpu.concatenate %broadcast_in_dim3A_78, %slice3A_79 in 0 : vector<128x16xf32>, vector<3968x16xf32> -> vector<4096x16xf32>
    %add3A_81 = arith.addf %add3A_76, %concatenate3A_80 : vector<4096x16xf32>
    %broadcast_in_dim3A_82 = arith.constant 0.000000e+00 : f32
    %broadcast_in_dim3A_83 = vector.broadcast %broadcast_in_dim3A_82 : f32 to vector<256x16xf32>
    %slice3A_84 = vector.extract_strided_slice %add3A_81 {offsets = [0, 0], sizes = [3840, 16], strides = [1, 1]} : vector<4096x16xf32> to vector<3840x16xf32>
    %concatenate3A_85 = tpu.concatenate %broadcast_in_dim3A_83, %slice3A_84 in 0 : vector<256x16xf32>, vector<3840x16xf32> -> vector<4096x16xf32>
    %add3A_86 = arith.addf %add3A_81, %concatenate3A_85 : vector<4096x16xf32>
    %broadcast_in_dim3A_87 = arith.constant 0.000000e+00 : f32
    %broadcast_in_dim3A_88 = vector.broadcast %broadcast_in_dim3A_87 : f32 to vector<512x16xf32>
    %slice3A_89 = vector.extract_strided_slice %add3A_86 {offsets = [0, 0], sizes = [3584, 16], strides = [1, 1]} : vector<4096x16xf32> to vector<3584x16xf32>
    %concatenate3A_90 = tpu.concatenate %broadcast_in_dim3A_88, %slice3A_89 in 0 : vector<512x16xf32>, vector<3584x16xf32> -> vector<4096x16xf32>
    %add3A_91 = arith.addf %add3A_86, %concatenate3A_90 : vector<4096x16xf32>
    %broadcast_in_dim3A_92 = arith.constant 0.000000e+00 : f32
    %broadcast_in_dim3A_93 = vector.broadcast %broadcast_in_dim3A_92 : f32 to vector<1024x16xf32>
    %slice3A_94 = vector.extract_strided_slice %add3A_91 {offsets = [0, 0], sizes = [3072, 16], strides = [1, 1]} : vector<4096x16xf32> to vector<3072x16xf32>
    %concatenate3A_95 = tpu.concatenate %broadcast_in_dim3A_93, %slice3A_94 in 0 : vector<1024x16xf32>, vector<3072x16xf32> -> vector<4096x16xf32>
    %add3A_96 = arith.addf %add3A_91, %concatenate3A_95 : vector<4096x16xf32>
    %broadcast_in_dim3A_97 = arith.constant 0.000000e+00 : f32
    %broadcast_in_dim3A_98 = vector.broadcast %broadcast_in_dim3A_97 : f32 to vector<2048x16xf32>
    %slice3A_99 = vector.extract_strided_slice %add3A_96 {offsets = [0, 0], sizes = [2048, 16], strides = [1, 1]} : vector<4096x16xf32> to vector<2048x16xf32>
    %concatenate3A_100 = tpu.concatenate %broadcast_in_dim3A_98, %slice3A_99 in 0 : vector<2048x16xf32>, vector<2048x16xf32> -> vector<4096x16xf32>
    %add3A_101 = arith.addf %add3A_96, %concatenate3A_100 : vector<4096x16xf32>
    %sub3A_102 = arith.subf %add3A_101, %add3A : vector<4096x16xf32>
    %slice3A_103 = vector.extract_strided_slice %add3A_101 {offsets = [4095, 0], sizes = [1, 16], strides = [1, 1]} : vector<4096x16xf32> to vector<1x16xf32>
    %lt3A = vector.broadcast %broadcast_in_dim3A_17 : vector<4096x1xf32> to vector<4096x16xf32>
    %lt3A_104 = arith.cmpf olt, %convert_element_type3A, %lt3A : vector<4096x16xf32>
    %jit3A_105 = arith.constant 0.000000e+00 : f32
    %broadcast_in_dim3A_106 = vector.shape_cast %slice3A_103 : vector<1x16xf32> to vector<1x16xf32>
    %broadcast_in_dim3A_107 = vector.broadcast %broadcast_in_dim3A_106 : vector<1x16xf32> to vector<4096x16xf32>
    %broadcast_in_dim3A_108 = vector.broadcast %jit3A_105 : f32 to vector<4096x16xf32>
    %select_n3A_109 = arith.select %lt3A_104, %broadcast_in_dim3A_107, %broadcast_in_dim3A_108 : vector<4096x16xi1>, vector<4096x16xf32>
    %reduce_max3A_110 = arith.constant dense<0xFF800000> : vector<4096xf32>
    %reduce_max3A_111 = vector.multi_reduction <maximumf>, %select_n3A_109, %reduce_max3A_110 [1] : vector<4096x16xf32> to vector<4096xf32>
    %broadcast_in_dim3A_112 = vector.shape_cast %reduce_max3A_111 : vector<4096xf32> to vector<4096x1xf32>
    %lt3A_113 = vector.broadcast %broadcast_in_dim3A_32 : vector<4096x1xf32> to vector<4096x16xf32>
    %lt3A_114 = arith.cmpf olt, %convert_element_type3A, %lt3A_113 : vector<4096x16xf32>
    %jit3A_115 = arith.constant 0.000000e+00 : f32
    %broadcast_in_dim3A_116 = vector.shape_cast %slice3A_103 : vector<1x16xf32> to vector<1x16xf32>
    %broadcast_in_dim3A_117 = vector.broadcast %broadcast_in_dim3A_116 : vector<1x16xf32> to vector<4096x16xf32>
    %broadcast_in_dim3A_118 = vector.broadcast %jit3A_115 : f32 to vector<4096x16xf32>
    %select_n3A_119 = arith.select %lt3A_114, %broadcast_in_dim3A_117, %broadcast_in_dim3A_118 : vector<4096x16xi1>, vector<4096x16xf32>
    %reduce_max3A_120 = arith.constant dense<0xFF800000> : vector<4096xf32>
    %reduce_max3A_121 = vector.multi_reduction <maximumf>, %select_n3A_119, %reduce_max3A_120 [1] : vector<4096x16xf32> to vector<4096xf32>
    %broadcast_in_dim3A_122 = vector.shape_cast %reduce_max3A_121 : vector<4096xf32> to vector<4096x1xf32>
    %mul3A = arith.mulf %convert_element_type3A_39, %sub3A_102 : vector<4096x16xf32>
    %reduce_sum3A_123 = arith.constant dense<0.000000e+00> : vector<4096xf32>
    %reduce_sum3A_124 = vector.multi_reduction <add>, %mul3A, %reduce_sum3A_123 [1] : vector<4096x16xf32> to vector<4096xf32>
    %broadcast_in_dim3A_125 = vector.shape_cast %reduce_sum3A_124 : vector<4096xf32> to vector<4096x1xf32>
    %mul3A_126 = arith.mulf %convert_element_type3A_43, %sub3A_102 : vector<4096x16xf32>
    %reduce_sum3A_127 = arith.constant dense<0.000000e+00> : vector<4096xf32>
    %reduce_sum3A_128 = vector.multi_reduction <add>, %mul3A_126, %reduce_sum3A_127 [1] : vector<4096x16xf32> to vector<4096xf32>
    %broadcast_in_dim3A_129 = vector.shape_cast %reduce_sum3A_128 : vector<4096xf32> to vector<4096x1xf32>
    %mul3A_130 = arith.constant 2.000000e+00 : f32
    %mul3A_131 = vector.broadcast %mul3A_130 : f32 to vector<4096x1xf32>
    %mul3A_132 = arith.mulf %mul3A_131, %broadcast_in_dim3A_17 : vector<4096x1xf32>
    %ge3A_133 = arith.cmpf oge, %broadcast_in_dim3A_125, %broadcast_in_dim3A_112 : vector<4096x1xf32>
    %convert_element_type3A_134 = arith.extui %ge3A_133 : vector<4096x1xi1> to vector<4096x1xi32>
    %convert_element_type3A_135 = arith.sitofp %convert_element_type3A_134 : vector<4096x1xi32> to vector<4096x1xf32>
    %add3A_136 = arith.addf %mul3A_132, %convert_element_type3A_135 : vector<4096x1xf32>
    %mul3A_137 = arith.constant 2.000000e+00 : f32
    %mul3A_138 = vector.broadcast %mul3A_137 : f32 to vector<4096x1xf32>
    %mul3A_139 = arith.mulf %mul3A_138, %broadcast_in_dim3A_32 : vector<4096x1xf32>
    %ge3A_140 = arith.cmpf oge, %broadcast_in_dim3A_129, %broadcast_in_dim3A_122 : vector<4096x1xf32>
    %convert_element_type3A_141 = arith.extui %ge3A_140 : vector<4096x1xi1> to vector<4096x1xi32>
    %convert_element_type3A_142 = arith.sitofp %convert_element_type3A_141 : vector<4096x1xi32> to vector<4096x1xf32>
    %add3A_143 = arith.addf %mul3A_139, %convert_element_type3A_142 : vector<4096x1xf32>
    %add3A_144 = arith.addf %broadcast_in_dim3A_13, %broadcast_in_dim3A_24 : vector<4096x1xf32>
    %convert_element_type3A_145 = arith.fptosi %add3A_136 : vector<4096x1xf32> to vector<4096x1xi32>
    %swap3A = arith.constant 0 : index
    %swap3A_146 = arith.constant 0 : index
    %swap3A_147 = vector.load %arg2[%swap3A, %swap3A_146] : memref<4096x1xi32, #tpu.memory_space<vmem>>, vector<4096x1xi32>
    tpu.vector_store %arg2[%swap3A, %swap3A_146], %convert_element_type3A_145 {strides = array<i32>} : memref<4096x1xi32, #tpu.memory_space<vmem>>, vector<4096x1xi32>,
    %convert_element_type3A_148 = arith.fptosi %add3A_143 : vector<4096x1xf32> to vector<4096x1xi32>
    %swap3A_149 = arith.constant 0 : index
    %swap3A_150 = arith.constant 0 : index
    %swap3A_151 = vector.load %arg3[%swap3A_149, %swap3A_150] : memref<4096x1xi32, #tpu.memory_space<vmem>>, vector<4096x1xi32>
    tpu.vector_store %arg3[%swap3A_149, %swap3A_150], %convert_element_type3A_148 {strides = array<i32>} : memref<4096x1xi32, #tpu.memory_space<vmem>>, vector<4096x1xi32>,
    %div3A_152 = arith.divf %broadcast_in_dim3A_13, %add3A_144 : vector<4096x1xf32>
    %swap3A_153 = arith.constant 0 : index
    %swap3A_154 = arith.constant 0 : index
    %swap3A_155 = vector.load %arg4[%swap3A_153, %swap3A_154] : memref<4096x1xf32, #tpu.memory_space<vmem>>, vector<4096x1xf32>
    tpu.vector_store %arg4[%swap3A_153, %swap3A_154], %div3A_152 {strides = array<i32>} : memref<4096x1xf32, #tpu.memory_space<vmem>>, vector<4096x1xf32>,
    %div3A_156 = arith.divf %broadcast_in_dim3A_24, %add3A_144 : vector<4096x1xf32>
    %swap3A_157 = arith.constant 0 : index
    %swap3A_158 = arith.constant 0 : index
    %swap3A_159 = vector.load %arg5[%swap3A_157, %swap3A_158] : memref<4096x1xf32, #tpu.memory_space<vmem>>, vector<4096x1xf32>
    tpu.vector_store %arg5[%swap3A_157, %swap3A_158], %div3A_156 {strides = array<i32>} : memref<4096x1xf32, #tpu.memory_space<vmem>>, vector<4096x1xf32>,
    %iota3A_160 = tpu.iota {dimensions = array<i32: 1>} : vector<4096x32xi32>
    %convert_element_type3A_161 = arith.sitofp %iota3A_160 : vector<4096x32xi32> to vector<4096x32xf32>
    %iota3A_162 = tpu.iota {dimensions = array<i32: 0>} : vector<4096x32xi32>
    %convert_element_type3A_163 = arith.sitofp %iota3A_162 : vector<4096x32xi32> to vector<4096x32xf32>
    %eq3A_164 = vector.broadcast %add3A_136 : vector<4096x1xf32> to vector<4096x32xf32>
    %eq3A_165 = arith.cmpf oeq, %convert_element_type3A_161, %eq3A_164 : vector<4096x32xf32>
    %mul3A_166 = arith.constant 2.000000e+00 : f32
    %mul3A_167 = vector.broadcast %mul3A_166 : f32 to vector<4096x32xf32>
    %mul3A_168 = arith.mulf %mul3A_167, %convert_element_type3A_163 : vector<4096x32xf32>
    %jit3A_169 = arith.constant -1.000000e+00 : f32
    %broadcast_in_dim3A_170 = vector.broadcast %jit3A_169 : f32 to vector<4096x32xf32>
    %select_n3A_171 = arith.select %eq3A_165, %mul3A_168, %broadcast_in_dim3A_170 : vector<4096x32xi1>, vector<4096x32xf32>
    %eq3A_172 = vector.broadcast %add3A_143 : vector<4096x1xf32> to vector<4096x32xf32>
    %eq3A_173 = arith.cmpf oeq, %convert_element_type3A_161, %eq3A_172 : vector<4096x32xf32>
    %mul3A_174 = arith.constant 2.000000e+00 : f32
    %mul3A_175 = vector.broadcast %mul3A_174 : f32 to vector<4096x32xf32>
    %mul3A_176 = arith.mulf %mul3A_175, %convert_element_type3A_163 : vector<4096x32xf32>
    %add3A_177 = arith.constant 1.000000e+00 : f32
    %add3A_178 = vector.broadcast %add3A_177 : f32 to vector<4096x32xf32>
    %add3A_179 = arith.addf %mul3A_176, %add3A_178 : vector<4096x32xf32>
    %jit3A_180 = arith.constant -1.000000e+00 : f32
    %broadcast_in_dim3A_181 = vector.broadcast %jit3A_180 : f32 to vector<4096x32xf32>
    %select_n3A_182 = arith.select %eq3A_173, %add3A_179, %broadcast_in_dim3A_181 : vector<4096x32xi1>, vector<4096x32xf32>
    %max3A = arith.maximumf %select_n3A_171, %select_n3A_182 : vector<4096x32xf32>
    %reduce_max3A_183 = arith.constant dense<0xFF800000> : vector<32xf32>
    %reduce_max3A_184 = vector.multi_reduction <maximumf>, %max3A, %reduce_max3A_183 [0] : vector<4096x32xf32> to vector<32xf32>
    %broadcast_in_dim3A_185 = vector.shape_cast %reduce_max3A_184 : vector<32xf32> to vector<1x32xf32>
    %mul3A_186 = arith.constant 5.000000e-01 : f32
    %mul3A_187 = vector.broadcast %mul3A_186 : f32 to vector<1x32xf32>
    %mul3A_188 = arith.mulf %broadcast_in_dim3A_185, %mul3A_187 : vector<1x32xf32>
    %floor3A = math.floor %mul3A_188 : vector<1x32xf32>
    %eq3A_189 = vector.broadcast %floor3A : vector<1x32xf32> to vector<4096x32xf32>
    %eq3A_190 = arith.cmpf oeq, %convert_element_type3A_163, %eq3A_189 : vector<4096x32xf32>
    %convert_element_type3A_191 = arith.extui %eq3A_190 : vector<4096x32xi1> to vector<4096x32xi32>
    %convert_element_type3A_192 = arith.sitofp %convert_element_type3A_191 : vector<4096x32xi32> to vector<4096x32xf32>
    %dot_general3A_193 = arith.constant dense<0.000000e+00> : vector<32x1024xf32>
    %dot_general3A_194 = tpu.matmul %convert_element_type3A_192, %get3A_1, %dot_general3A_193 {dimension_numbers = #tpu.dot_dimension_numbers<[0], [0], [1], [1], [0, 1, 1, 1], [], []>, transpose_lhs_hint = false} : vector<4096x32xf32>, vector<4096x1024xf32>, vector<32x1024xf32> -> vector<32x1024xf32>
    %swap3A_195 = arith.constant 0 : index
    %swap3A_196 = arith.constant 0 : index
    %swap3A_197 = vector.load %arg6[%swap3A_195, %swap3A_196] : memref<32x1024xf32, #tpu.memory_space<vmem>>, vector<32x1024xf32>
    tpu.vector_store %arg6[%swap3A_195, %swap3A_196], %dot_general3A_194 {strides = array<i32>} : memref<32x1024xf32, #tpu.memory_space<vmem>>, vector<32x1024xf32>,
    %mul3A_198 = arith.mulf %broadcast_in_dim3A_35, %slice3A_103 : vector<1x16xf32>
    %reduce_sum3A_199 = arith.constant dense<0.000000e+00> : vector<1xf32>
    %reduce_sum3A_200 = vector.multi_reduction <add>, %mul3A_198, %reduce_sum3A_199 [1] : vector<1x16xf32> to vector<1xf32>
    %broadcast_in_dim3A_201 = vector.shape_cast %reduce_sum3A_200 : vector<1xf32> to vector<1x1xf32>
    %mul3A_202 = arith.constant 9.53674316E-7 : f32
    %mul3A_203 = vector.broadcast %mul3A_202 : f32 to vector<1x1xf32>
    %mul3A_204 = arith.mulf %broadcast_in_dim3A_201, %mul3A_203 : vector<1x1xf32>
    %swap3A_205 = arith.constant 0 : index
    %swap3A_206 = arith.constant 0 : index
    %swap3A_207 = vector.load %arg7[%swap3A_205, %swap3A_206] : memref<1x1xf32, #tpu.memory_space<vmem>>, vector<1x1xf32>
    tpu.vector_store %arg7[%swap3A_205, %swap3A_206], %mul3A_204 {strides = array<i32>} : memref<1x1xf32, #tpu.memory_space<vmem>>, vector<1x1xf32>,
    return
  }
}

module attributes {stable_mosaic.version = 14 : i64} {
  func.func @_ffn_body(%arg0: i32, %arg1: i32, %arg2: memref<1x2x1024xf32, #tpu.memory_space<vmem>>, %arg3: memref<1x1024x1024xf32, #tpu.memory_space<vmem>>, %arg4: memref<1x1x1024xf32, #tpu.memory_space<vmem>>, %arg5: memref<1x1024x1024xf32, #tpu.memory_space<vmem>>, %arg6: memref<1x1x1024xf32, #tpu.memory_space<vmem>>, %arg7: memref<1x2x1024xf32, #tpu.memory_space<vmem>>) attributes {dimension_semantics = [#tpu.dimension_semantics<arbitrary>, #tpu.dimension_semantics<arbitrary>], iteration_bounds = array<i64: 16, 4>, scalar_prefetch = 0 : i64, scratch_operands = 0 : i64, tpu.core_type = #tpu.core_type<tc>, window_params = [{transform_indices = @transform_0, window_bounds = array<i64: 1, 2, 1024>}, {transform_indices = @transform_1, window_bounds = array<i64: 1, 1024, 1024>}, {transform_indices = @transform_2, window_bounds = array<i64: 1, 1, 1024>}, {transform_indices = @transform_3, window_bounds = array<i64: 1, 1024, 1024>}, {transform_indices = @transform_4, window_bounds = array<i64: 1, 1, 1024>}, {transform_indices = @transform_5, window_bounds = array<i64: 1, 2, 1024>}]} {
    %get3A = arith.constant 0 : index
    %get3A_0 = arith.constant 0 : index
    %get3A_1 = arith.constant 0 : index
    %get3A_2 = vector.load %arg2[%get3A, %get3A_0, %get3A_1] : memref<1x2x1024xf32, #tpu.memory_space<vmem>>, vector<1x2x1024xf32>
    %get3A_3 = vector.shape_cast %get3A_2 : vector<1x2x1024xf32> to vector<2x1024xf32>
    %get3A_4 = arith.constant 0 : index
    %get3A_5 = arith.constant 0 : index
    %get3A_6 = arith.constant 0 : index
    %get3A_7 = vector.load %arg3[%get3A_4, %get3A_5, %get3A_6] : memref<1x1024x1024xf32, #tpu.memory_space<vmem>>, vector<1x1024x1024xf32>
    %get3A_8 = vector.shape_cast %get3A_7 : vector<1x1024x1024xf32> to vector<1024x1024xf32>
    %dot_general3A = arith.constant dense<0.000000e+00> : vector<2x1024xf32>
    %dot_general3A_9 = tpu.matmul %get3A_3, %get3A_8, %dot_general3A {dimension_numbers = #tpu.dot_dimension_numbers<[1], [1], [0], [0], [0, 0, 1, 0], [], []>, transpose_lhs_hint = false} : vector<2x1024xf32>, vector<1024x1024xf32>, vector<2x1024xf32> -> vector<2x1024xf32>
    %get3A_10 = arith.constant 0 : index
    %get3A_11 = arith.constant 0 : index
    %get3A_12 = arith.constant 0 : index
    %get3A_13 = vector.load %arg4[%get3A_10, %get3A_11, %get3A_12] : memref<1x1x1024xf32, #tpu.memory_space<vmem>>, vector<1x1x1024xf32>
    %get3A_14 = vector.shape_cast %get3A_13 : vector<1x1x1024xf32> to vector<1x1024xf32>
    %add3A = vector.broadcast %get3A_14 : vector<1x1024xf32> to vector<2x1024xf32>
    %add3A_15 = arith.addf %dot_general3A_9, %add3A : vector<2x1024xf32>
    %mul3A = arith.constant 5.000000e-01 : f32
    %mul3A_16 = vector.broadcast %mul3A : f32 to vector<2x1024xf32>
    %mul3A_17 = arith.mulf %mul3A_16, %add3A_15 : vector<2x1024xf32>
    %mul3A_18 = arith.constant 0.707106769 : f32
    %mul3A_19 = vector.broadcast %mul3A_18 : f32 to vector<2x1024xf32>
    %mul3A_20 = arith.mulf %add3A_15, %mul3A_19 : vector<2x1024xf32>
    %erf3A = math.erf %mul3A_20 : vector<2x1024xf32>
    %add3A_21 = arith.constant 1.000000e+00 : f32
    %add3A_22 = vector.broadcast %add3A_21 : f32 to vector<2x1024xf32>
    %add3A_23 = arith.addf %add3A_22, %erf3A : vector<2x1024xf32>
    %mul3A_24 = arith.mulf %mul3A_17, %add3A_23 : vector<2x1024xf32>
    %get3A_25 = arith.constant 0 : index
    %get3A_26 = arith.constant 0 : index
    %get3A_27 = arith.constant 0 : index
    %get3A_28 = vector.load %arg5[%get3A_25, %get3A_26, %get3A_27] : memref<1x1024x1024xf32, #tpu.memory_space<vmem>>, vector<1x1024x1024xf32>
    %get3A_29 = vector.shape_cast %get3A_28 : vector<1x1024x1024xf32> to vector<1024x1024xf32>
    %dot_general3A_30 = arith.constant dense<0.000000e+00> : vector<2x1024xf32>
    %dot_general3A_31 = tpu.matmul %mul3A_24, %get3A_29, %dot_general3A_30 {dimension_numbers = #tpu.dot_dimension_numbers<[1], [1], [0], [0], [0, 0, 1, 0], [], []>, transpose_lhs_hint = false} : vector<2x1024xf32>, vector<1024x1024xf32>, vector<2x1024xf32> -> vector<2x1024xf32>
    %eq3A = arith.constant 0 : i32
    %eq3A_32 = arith.cmpi eq, %arg1, %eq3A : i32
    %convert_element_type3A = arith.extui %eq3A_32 : i1 to i32
    %cond3A = arith.constant 0 : i32
    %cond3A_33 = arith.cmpi ne, %convert_element_type3A, %cond3A : i32
    scf.if %cond3A_33 {
      %get3A_38 = arith.constant 0 : index
      %get3A_39 = arith.constant 0 : index
      %get3A_40 = arith.constant 0 : index
      %get3A_41 = vector.load %arg6[%get3A_38, %get3A_39, %get3A_40] : memref<1x1x1024xf32, #tpu.memory_space<vmem>>, vector<1x1x1024xf32>
      %get3A_42 = vector.shape_cast %get3A_41 : vector<1x1x1024xf32> to vector<1x1024xf32>
      %add3A_43 = vector.broadcast %get3A_42 : vector<1x1024xf32> to vector<2x1024xf32>
      %add3A_44 = arith.addf %dot_general3A_31, %add3A_43 : vector<2x1024xf32>
      %swap3A = arith.constant 0 : index
      %swap3A_45 = arith.constant 0 : index
      %swap3A_46 = arith.constant 0 : index
      %swap3A_47 = vector.load %arg7[%swap3A, %swap3A_45, %swap3A_46] : memref<1x2x1024xf32, #tpu.memory_space<vmem>>, vector<1x2x1024xf32>
      %swap3A_48 = vector.shape_cast %swap3A_47 : vector<1x2x1024xf32> to vector<2x1024xf32>
      %swap3A_49 = vector.shape_cast %add3A_44 : vector<2x1024xf32> to vector<1x2x1024xf32>
      tpu.vector_store %arg7[%swap3A, %swap3A_45, %swap3A_46], %swap3A_49 {strides = array<i32>} : memref<1x2x1024xf32, #tpu.memory_space<vmem>>, vector<1x2x1024xf32>,
    } else {
    }
    %ne3A = arith.constant 0 : i32
    %ne3A_34 = arith.cmpi ne, %arg1, %ne3A : i32
    %convert_element_type3A_35 = arith.extui %ne3A_34 : i1 to i32
    %cond3A_36 = arith.constant 0 : i32
    %cond3A_37 = arith.cmpi ne, %convert_element_type3A_35, %cond3A_36 : i32
    scf.if %cond3A_37 {
      %get3A_38 = arith.constant 0 : index
      %get3A_39 = arith.constant 0 : index
      %get3A_40 = arith.constant 0 : index
      %get3A_41 = vector.load %arg7[%get3A_38, %get3A_39, %get3A_40] : memref<1x2x1024xf32, #tpu.memory_space<vmem>>, vector<1x2x1024xf32>
      %get3A_42 = vector.shape_cast %get3A_41 : vector<1x2x1024xf32> to vector<2x1024xf32>
      %add3A_43 = arith.addf %get3A_42, %dot_general3A_31 : vector<2x1024xf32>
      %swap3A = arith.constant 0 : index
      %swap3A_44 = arith.constant 0 : index
      %swap3A_45 = arith.constant 0 : index
      %swap3A_46 = vector.load %arg7[%swap3A, %swap3A_44, %swap3A_45] : memref<1x2x1024xf32, #tpu.memory_space<vmem>>, vector<1x2x1024xf32>
      %swap3A_47 = vector.shape_cast %swap3A_46 : vector<1x2x1024xf32> to vector<2x1024xf32>
      %swap3A_48 = vector.shape_cast %add3A_43 : vector<2x1024xf32> to vector<1x2x1024xf32>
      tpu.vector_store %arg7[%swap3A, %swap3A_44, %swap3A_45], %swap3A_48 {strides = array<i32>} : memref<1x2x1024xf32, #tpu.memory_space<vmem>>, vector<1x2x1024xf32>,
    } else {
    }
    return
  }
  func.func @transform_0(%arg0: i32, %arg1: i32) -> (i32, i32, i32) {
    %c0_i32 = arith.constant 0 : i32
    %c0_i32_0 = arith.constant 0 : i32
    %c0_i32_1 = arith.constant 0 : i32
    return %arg0, %c0_i32, %c0_i32_0 : i32, i32, i32
  }
  func.func @transform_1(%arg0: i32, %arg1: i32) -> (i32, i32, i32) {
    %c0_i32 = arith.constant 0 : i32
    %c0_i32_0 = arith.constant 0 : i32
    return %arg0, %arg1, %c0_i32 : i32, i32, i32
  }
  func.func @transform_2(%arg0: i32, %arg1: i32) -> (i32, i32, i32) {
    %c0_i32 = arith.constant 0 : i32
    %c0_i32_0 = arith.constant 0 : i32
    return %arg0, %c0_i32, %arg1 : i32, i32, i32
  }
  func.func @transform_3(%arg0: i32, %arg1: i32) -> (i32, i32, i32) {
    %c0_i32 = arith.constant 0 : i32
    %c0_i32_0 = arith.constant 0 : i32
    return %arg0, %c0_i32, %arg1 : i32, i32, i32
  }
  func.func @transform_4(%arg0: i32, %arg1: i32) -> (i32, i32, i32) {
    %c0_i32 = arith.constant 0 : i32
    %c0_i32_0 = arith.constant 0 : i32
    %c0_i32_1 = arith.constant 0 : i32
    return %arg0, %c0_i32, %c0_i32_0 : i32, i32, i32
  }
  func.func @transform_5(%arg0: i32, %arg1: i32) -> (i32, i32, i32) {
    %c0_i32 = arith.constant 0 : i32
    %c0_i32_0 = arith.constant 0 : i32
    %c0_i32_1 = arith.constant 0 : i32
    return %arg0, %c0_i32, %c0_i32_0 : i32, i32, i32
  }
}

module attributes {stable_mosaic.version = 14 : i64} {
  func.func @_combine_body(%arg0: i32, %arg1: memref<512x32xf32, #tpu.memory_space<vmem>>, %arg2: memref<32x1024xf32, #tpu.memory_space<vmem>>, %arg3: memref<512x1024xf32, #tpu.memory_space<vmem>>) attributes {dimension_semantics = [#tpu.dimension_semantics<arbitrary>], iteration_bounds = array<i64: 8>, scalar_prefetch = 0 : i64, scratch_operands = 0 : i64, tpu.core_type = #tpu.core_type<tc>, window_params = [{transform_indices = @transform_0, window_bounds = array<i64: 512, 32>}, {pipeline_mode = #tpu.pipeline_mode<synchronous>, transform_indices = @transform_1, window_bounds = array<i64: 32, 1024>}, {transform_indices = @transform_2, window_bounds = array<i64: 512, 1024>}]} {
    %get3A = arith.constant 0 : index
    %get3A_0 = arith.constant 0 : index
    %get3A_1 = vector.load %arg1[%get3A, %get3A_0] : memref<512x32xf32, #tpu.memory_space<vmem>>, vector<512x32xf32>
    %get3A_2 = arith.constant 0 : index
    %get3A_3 = arith.constant 0 : index
    %get3A_4 = vector.load %arg2[%get3A_2, %get3A_3] : memref<32x1024xf32, #tpu.memory_space<vmem>>, vector<32x1024xf32>
    %dot_general3A = arith.constant dense<0.000000e+00> : vector<512x1024xf32>
    %dot_general3A_5 = tpu.matmul %get3A_1, %get3A_4, %dot_general3A {dimension_numbers = #tpu.dot_dimension_numbers<[1], [0], [0], [1], [0, 0, 1, 1], [], []>, transpose_lhs_hint = false} : vector<512x32xf32>, vector<32x1024xf32>, vector<512x1024xf32> -> vector<512x1024xf32>
    %swap3A = arith.constant 0 : index
    %swap3A_6 = arith.constant 0 : index
    %swap3A_7 = vector.load %arg3[%swap3A, %swap3A_6] : memref<512x1024xf32, #tpu.memory_space<vmem>>, vector<512x1024xf32>
    tpu.vector_store %arg3[%swap3A, %swap3A_6], %dot_general3A_5 {strides = array<i32>} : memref<512x1024xf32, #tpu.memory_space<vmem>>, vector<512x1024xf32>,
    return
  }
  func.func @transform_0(%arg0: i32) -> (i32, i32) {
    %c0_i32 = arith.constant 0 : i32
    %c0_i32_0 = arith.constant 0 : i32
    return %arg0, %c0_i32 : i32, i32
  }
  func.func @transform_1(%arg0: i32) -> (i32, i32) {
    %c0_i32 = arith.constant 0 : i32
    %c0_i32_0 = arith.constant 0 : i32
    %c0_i32_1 = arith.constant 0 : i32
    return %c0_i32, %c0_i32_0 : i32, i32
  }
  func.func @transform_2(%arg0: i32) -> (i32, i32) {
    %c0_i32 = arith.constant 0 : i32
    %c0_i32_0 = arith.constant 0 : i32
    return %arg0, %c0_i32 : i32, i32
  }
}

</mosaic_0001>

<sc_bundles>
// kernel: kernel.6.cloned.1.call-start
scs
__scs_entry_jumppad:
0x0: {  	(pc) =	sbr.rel $0x88, $3  }
0x1: {  	(tag) =	ssettag $0x0;
	lr =	simm.s32 $0x1  }
0x2: {  	[smem:$0x3F9B] =	sst lr;
	_ =	strace $0xD0000000  }
0x3: {  	_ = 	snop  }
0x4: {  	_ = 	snop  }
0x5: {  	_ = 	snop  }
0x6: {  	_ = 	snop  }
0x7: {  	_ = 	snop  }
__scs_overlays_trampoline_lowered:
0x8: {  	[smem:$0x3FAA] =	sst s0  }
0x9: {  	[smem:$0x3FAB] =	sst s1  }
0xa: {  	[smem:$0x3FAC] =	sst s2  }
0xb: {  	[smem:$0x3FAD] =	sst s3  }
0xc: {  	[smem:$0x3FAE] =	sst s4  }
0xd: {  	[smem:$0x3FAF] =	sst s5  }
0xe: {  	[smem:$0x3FB0] =	sst s6  }
0xf: {  	[smem:$0x3FB1] =	sst s7  }
0x10: {  	[smem:$0x3FB2] =	sst s8  }
0x11: {  	[smem:$0x3FB3] =	sst s9;
	s0 =	simm.s32 @!p0 $0x0  }
0x12: {  	s1 =	sld [smem:$0x3F99];
	s0 =	simm.s32 @p0 $0x1  }
0x13: {  	[smem:$0x3FB4] =	sst s0;
	s0 =	simm.s32 @!p1 $0x0  }
0x14: {  	s2 =	sld [smem:$0x3F98];
	s0 =	simm.s32 @p1 $0x1  }
0x15: {  	[smem:$0x3FB5] =	sst s0;
	s0 =	simm.s32 @!p2 $0x0  }
0x16: {  	s3 =	sld [smem:$0x3FDB];
	s0 =	simm.s32 @p2 $0x1  }
0x17: {  	s4 =	simm.s32 $0x1BF5;
	[smem:$0x3FB7] =	sst s0  }
0x18: {  	s0 =	sld [smem:$0x3F9A];
	_ =	swait.ge [sflag:s4], $0x0  }
0x19: {  	s7 =	sld [smem:$0x3F9B]  }
0x1a: {  	s8 =	sadd.s32 $0xFFFFE003, lr  }
0x1b: {  	s9 =	sadd.s32 $0xFFFFFEF7, lr;
	s5 =	simm.s32 $0xFFFFFFFF;
	p2 =	slt.u32 s8, $0xFFFFF086  }
0x1c: {  	p1 =	slt.u32 s9, $0xF7A;
	s5 =	simm.s32 @!p2 $0x0  }
0x1d: {  	s5 =	simm.s32 @p1 $0x1;
	p0 =	seq.s32 s7, s2  }
0x1e: {  	s7 =	smul.u32 @!p0 $0xF7A, s2;
	p2 =	seq.s32 @!p0 s5, $0x0  }
0x1f: {  	s9 =	smul.u32 $0xF7A, s1;
	s8 =	simm.s32 @!p0 $0x1BF5;
	p2 =	por !p2, p0  }
0x20: {  	[sflag:s8] =	ssyncset.s32 @!p0 $0xFFFFF086;
	s6 =	sadd.s32 @!p0 s3, s7;
	s7 =	simm.s32 @!p0 $0x108  }
0x21: {  	s3 =	sadd.s32 s3, s9;
	s6 =	sadd.s32 @!p0 $0x88, s6;
	s7 =	simm.s32 @p2 $0x1082  }
0x22: {  	[simem:s7], [sflag:s8] =	dma.local @!p0 [hbm:s6], $0xF7A  }
0x23: {  	s9 =	sor.u32 $0xD0000000, s2;
	s6 =	simm.s32 $0x108;
	_ =	swait.ge @!p0 [sflag:s8], $0x0  }
0x24: {  	s3 =	sadd.s32 $0x88, s3;
	s6 =	simm.s32 @!p1 $0x1082;
	[sflag:s4] =	ssyncset.s32 $0xFFFFF086  }
0x25: {  	[simem:s6], [sflag:s4] =	dma.local [hbm:s3], $0xF7A  }
0x26: {  	[smem:$0x3F9B] =	sst s1;
	(tag) =	ssettag s2;
	_ =	strace s9  }
0x27: {  	s1 =	sld [smem:$0x3FAB]  }
0x28: {  	s2 =	sld [smem:$0x3FAC]  }
0x29: {  	s4 =	sld [smem:$0x3FAE]  }
0x2a: {  	p0 =	seq.s32 s5, $0x0;
	s5 =	sld [smem:$0x3FAF]  }
0x2b: {  	s6 =	sld [smem:$0x3FB0]  }
0x2c: {  	s7 =	sld [smem:$0x3FB1]  }
0x2d: {  	s3 =	simm.s32 $0x108;
	s8 =	sld [smem:$0x3FB2]  }
0x2e: {  	s3 =	simm.s32 @!p0 $0x1082;
	s9 =	sld [smem:$0x3FB3]  }
0x2f: {  	lr =	sadd.s32 s0, s3;
	s0 =	sld [smem:$0x3FAA]  }
0x30: {  	s3 =	sld [smem:$0x3FAD]  }
0x31: {  	[smem:$0x3FB6] =	sst s10  }
0x32: {  	s10 =	sld [smem:$0x3FB4];
	_ =	sdelay $0x3  }
0x33: {  	p0 =	seq.s32 s10, $0x1;
	s10 =	sld [smem:$0x3FB6];
	_ =	sdelay $0x3  }
0x34: {  	[smem:$0x3FB6] =	sst s10  }
0x35: {  	s10 =	sld [smem:$0x3FB5];
	_ =	sdelay $0x3  }
0x36: {  	p1 =	seq.s32 s10, $0x1;
	s10 =	sld [smem:$0x3FB6];
	_ =	sdelay $0x3  }
0x37: {  	[smem:$0x3FB6] =	sst s10  }
0x38: {  	s10 =	sld [smem:$0x3FB7]  }
0x39: {  	_ = 	snop;
	(pc) =	sbr.ind lr, $3  }
0x3a: {  	_ = 	snop  }
0x3b: {  	_ = 	snop  }
0x3c: {  	p2 =	seq.s32 s10, $0x1;
	s10 =	sld [smem:$0x3FB6]  }
0x3d: {  	_ =	shalt  }
0x3e: {  	_ =	shalt  }
0x3f: {  	_ =	shalt  }
0x40: {  	_ =	shalt  }
0x41: {  	_ =	shalt  }
0x42: {  	_ =	shalt  }
0x43: {  	_ =	shalt  }
0x44: {  	_ =	shalt  }
0x45: {  	_ =	shalt  }
0x46: {  	_ =	shalt  }
0x47: {  	_ =	shalt  }
0x48: {  	_ =	shalt  }
0x49: {  	_ =	shalt  }
0x4a: {  	_ =	shalt  }
0x4b: {  	_ =	shalt  }
0x4c: {  	_ =	shalt  }
0x4d: {  	_ =	shalt  }
0x4e: {  	_ =	shalt  }
0x4f: {  	_ =	shalt  }
0x50: {  	_ =	shalt  }
0x51: {  	_ =	shalt  }
0x52: {  	_ =	shalt  }
0x53: {  	_ =	shalt  }
0x54: {  	_ =	shalt  }
0x55: {  	_ =	shalt  }
0x56: {  	_ =	shalt  }
0x57: {  	_ =	shalt  }
0x58: {  	_ =	shalt  }
0x59: {  	_ =	shalt  }
0x5a: {  	_ =	shalt  }
0x5b: {  	_ =	shalt  }
0x5c: {  	_ =	shalt  }
0x5d: {  	_ =	shalt  }
0x5e: {  	_ =	shalt  }
0x5f: {  	_ =	shalt  }
0x60: {  	_ =	shalt  }
0x61: {  	_ =	shalt  }
0x62: {  	_ =	shalt  }
0x63: {  	_ =	shalt  }
0x64: {  	_ =	shalt  }
0x65: {  	_ =	shalt  }
0x66: {  	_ =	shalt  }
0x67: {  	_ =	shalt  }
0x68: {  	_ =	shalt  }
0x69: {  	_ =	shalt  }
0x6a: {  	_ =	shalt  }
0x6b: {  	_ =	shalt  }
0x6c: {  	_ =	shalt  }
0x6d: {  	_ =	shalt  }
0x6e: {  	_ =	shalt  }
0x6f: {  	_ =	shalt  }
0x70: {  	_ =	shalt  }
0x71: {  	_ =	shalt  }
0x72: {  	_ =	shalt  }
0x73: {  	_ =	shalt  }
0x74: {  	_ =	shalt  }
0x75: {  	_ =	shalt  }
0x76: {  	_ =	shalt  }
0x77: {  	_ =	shalt  }
0x78: {  	_ =	shalt  }
0x79: {  	_ =	shalt  }
0x7a: {  	_ =	shalt  }
0x7b: {  	_ =	shalt  }
0x7c: {  	_ =	shalt  }
0x7d: {  	_ =	shalt  }
0x7e: {  	_ =	shalt  }
0x7f: {  	_ =	shalt  }
0x80: {  	_ =	shalt  }
0x81: {  	_ =	shalt  }
0x82: {  	_ =	shalt  }
0x83: {  	_ =	shalt  }
0x84: {  	_ =	shalt  }
0x85: {  	_ =	shalt  }
0x86: {  	_ =	shalt  }
0x87: {  	_ =	shalt  }
.Lfunc_end0:
.L_simem_size_0:
called_computation_lowered:
.L_overlay_start_0:
0x88: {  	s2 =	sld [smem:$0x3FD9]  }
0x89: {  	s3 =	sld [smem:$0x3FFE];
	_ =	sdelay $0x1  }
0x8a: {  	s1 =	srdreg.scid  }
0x8b: {  	s0 =	sand.u32 $0x1, s1  }
0x8c: {  	s14 =	sshll.u32 s0, $0xA;
	s2 =	sadd.s32 s3, s2  }
0x8d: {  	s2 =	sadd.s32 s2, s14  }
0x8e: {  	[smem:$0x3FC2] =	sst s2  }
0x8f: {  	_ = 	snop  }
0x90: {  	s2 =	sld [smem:$0x3FD0];
	_ =	sdelay $0x2  }
0x91: {  	s15 =	simm.s32 $0xA;
	s4 =	simm.s32 $0x10  }
0x92: {  	[smem:s4], [sflag:s15] =	dma.local [hbm:s2], $0x1  }
0x93: {  	_ =	swait.eq [sflag:s15], $0x1  }
0x94: {  	[sflag:s15] =	ssyncset.done $0x0  }
0x95: {  	[sflag:s15] =	ssyncadd.s32 $0xFFFFFFFF  }
0x96: {  	s16 =	sld [smem:$0x10];
	(tm) =	ssettm $0x1  }
0x97: {  	s17 =	sld [smem:$0x3FFB];
	_ =	sdelay $0x3  }
0x98: {  	_ =	strace s17  }
0x99: {  	s3 =	sld [smem:$0x3FFC];
	_ =	sdelay $0x3  }
0x9a: {  	_ =	strace s3  }
0x9b: {  	s3 =	sld [smem:$0x3FFD];
	_ =	sdelay $0x3  }
0x9c: {  	_ =	strace s3  }
0x9d: {  	_ =	strace $0x8FFFFFFF  }
0x9e: {  	s18 =	sld [smem:$0x3FDB];
	_ =	sdelay $0x1  }
0x9f: {  	s19 =	simm.s32 $_scs_section_size  }
0xa0: {  	s5 =	simm.s32 $_size__tile_overlayer_lowered;
	s6 =	simm.s32 $_tile_overlayer_lowered  }
0xa1: {  	s22 =	simm.s32 $0x1BFF;
	s21 =	sshll.u32 s6, $0x1;
	s3 =	sadd.s32 s19, s18  }
0xa2: {  	s7 =	simm.s32 $0x0;
	s20 =	sshll.u32 s5, $0x1;
	s5 =	sadd.s32 s21, s3  }
0xa3: {  	[timem:s7], [sflag:s22] =	dma.local [hbm:s5], s20  }
0xa4: {  	_ =	swait.ge [sflag:s22], s20  }
0xa5: {  	s4 =	ssub.s32 $0x0, s20;
	[sflag:s22] =	ssyncset.done $0x0  }
0xa6: {  	[sflag:s22] =	ssyncadd.s32 s4;
	_ =	sdelay $0x1  }
0xa7: {  	s23 =	simm.s32 $0x1B8B  }
0xa8: {  	_ =	swait.ge [sflag:s23], $0x1  }
0xa9: {  	[sflag:s23] =	ssyncset.done $0x0  }
0xaa: {  	s25 =	simm.s32 $0x1B8E;
	s24 =	sld [smem:$0x3FFE];
	[sflag:s23] =	ssyncadd.s32 $0xFFFFFFFF  }
0xab: {  	s26 =	simm.s32 $execute0_lowered;
	[smem:$0x3FD2] =	sst s25  }
0xac: {  	s5 =	sshll.u32 s26, $0x1;
	_ =	strace $0x80000046;
	[dreg:$0x1] =	wrdreg $0xFFFFFFFF  }
0xad: {  	s28 =	simm.s32 $_size_execute0_lowered;
	s3 =	sadd.s32 s3, s5;
	[dreg:$0x0] =	wrdreg $0x0  }
0xae: {  	s5 =	sshll.u32 s28, $0x1;
	[dreg:$0x2] =	wrdreg s3  }
0xaf: {  	[dreg:$0x3] =	wrdreg s5  }
0xb0: {  	[dreg:$0x4] =	wrdreg $0xC0  }
0xb1: {  	_ =	task [dreg:s7], $0x5FFFF  }
0xb2: {  	[dreg:$0x1] =	wrdreg $0xFFFFFFFF  }
0xb3: {  	[dreg:$0x0] =	wrdreg $0x60  }
0xb4: {  	[dreg:$0x2] =	wrdreg s24  }
0xb5: {  	[dreg:$0x3] =	wrdreg s16  }
0xb6: {  	[dreg:$0x4] =	wrdreg $0x9  }
0xb7: {  	_ =	task.clear_ibuf [dreg:s7], $0x5FFFF;
	_ =	strace $0x90000046  }
0xb8: {  	s29 =	simm.s32 $0x9;
	_ =	strace $0x80000048  }
0xb9: {  	_ =	swait.ge [sflag:s29], $0x1  }
0xba: {  	[sflag:s29] =	ssyncadd.s32 $0xFFFFFFFF  }
0xbb: {  	_ =	strace $0x90000048  }
0xbc: {  	_ =	sfence  }
0xbd: {  	s30 =	sld [smem:$0x0];
	_ =	sdelay $0x2  }
0xbe: {  	s31 =	sshll.u32 s1, $0xD;
	s1 =	sshrl.u32 s1, $0x2  }
0xbf: {  	s3 =	sand.u32 $0x4000, s31;
	s1 =	sadd.s32 s1, s30  }
0xc0: {  	s0 =	sor.u32 s3, s0;
	s1 =	sshll.u32 s1, $0x11  }
0xc1: {  	s0 =	sor.u32 s1, s0  }
0xc2: {  	s0 =	sadd.s32 $0x8F2B, s0  }
0xc3: {  	[sflag:s0] =	ssyncadd.remote.s32 $0x1  }
0xc4: {  	_ =	sfence.sel $0xFFFF  }
0xc5: {  	[dreg:$0x0] =	wrdreg $0xFFFFFFFF;
	(pc) =	sbr.abs _section_cstart, $3  }
0xc6: {  	[dreg:$0x1] =	wrdreg $0xFFFFFFFF  }
0xc7: {  	_ =	task.clear_ibuf [dreg:s7], $0x2FFFF;
	_ =	strace $0x9FFFFFFF  }
0xc8: {  	(tm) =	ssettm $0x7FFFFFFF  }
0xc9: {  	_ =	shalt  }
tec
execute0_lowered:
.L_overlay_start_1:
0x0: {  	(tag) =	ssettag $0x1  }
0x1: {  	s1 =	srdreg.scid;
	s0 =	stileid.u32  }
0x2: {  	s4 =	rddreg [dreg:$0x0];
	s5 =	sand.u32 $0x1, s1;
	s25 =	sshll.u32 s0, $0x1  }
0x3: {  	s2 =	rddreg [dreg:$0x1];
	s3 =	simm.s32 $0x0;
	s8 =	sor.u32 s5, s25  }
0x4: {  	v0 =	vlaneseq.u32;
	s12 =	simm.s32 $0x100;
	s13 =	simm.s32 $0x180;
	s9 =	sshll.u32 s8, $0x7  }
0x5: {  	s14 =	simm.s32 $0x400;
	v7 =	vmul.u32 $0x20, v0;
	s6 =	sor.u32 $0x10, s9;
	v1 =	vmov s9;
	s28 =	sor.u32 $0x30, s9  }
0x6: {  	s29 =	sor.u32 $0x40, s9;
	s30 =	sor.u32 $0x50, s9;
	s31 =	sor.u32 $0x60, s9;
	v0 =	vmov s6;
	v1 =	vshll.u32 v1, $0x5;
	v3 =	vmov s28  }
0x7: {  	s15 =	simm.s32 $0x200;
	s10 =	sor.u32 $0x20, s9;
	s9 =	sor.u32 $0x70, s9;
	v4 =	vmov s29;
	v5 =	vmov s30;
	v6 =	vmov s31  }
0x8: {  	s16 =	simm.s32 $0x300;
	s17 =	simm.s32 $0x1;
	[smem:$0x7FF] =	sst s3;
	v8 =	vmov s9;
	v2 =	vshll.u32 v0, $0x5;
	v0 =	vor.u32 v7, v1  }
0x9: {  	s1 =	rddreg [dreg:$0x2];
	_ =	strace $0x80000047;
	s5 =	ssub.s32 $0x2, s5;
	v3 =	vshll.u32 v3, $0x5;
	v4 =	vshll.u32 v4, $0x5;
	v5 =	vshll.u32 v5, $0x5  }
0xa: {  	s26 =	sshrl.u32 s5, $0x1;
	s7 =	sshll.u32 s8, $0x4;
	s8 =	sshll.u32 s8, $0x9;
	v6 =	vshll.u32 v6, $0x5;
	v8 =	vshll.u32 v8, $0x5;
	v1 =	vor.u32 v7, v2  }
0xb: {  	s4 =	sadd.s32 s4, s7;
	s11 =	ssub.s32 s5, s26;
	s8 =	sadd.s32 s2, s8;
	v2 =	vmov s10;
	v3 =	vor.u32 v7, v3;
	v4 =	vor.u32 v7, v4  }
0xc: {  	s5 =	sadd.s32 $0x200, s4;
	s6 =	sadd.s32 $0x400, s4;
	s7 =	sadd.s32 $0x600, s4;
	v5 =	vor.u32 v7, v5;
	v6 =	vor.u32 v7, v6;
	v2 =	vshll.u32 v2, $0x5  }
0xd: {  	s9 =	smax.u32 s11, $0x1;
	s11 =	simm.s32 $0x80;
	s10 =	simm.s32 $0x2;
	v2 =	vor.u32 v7, v2;
	v7 =	vor.u32 v7, v8;
	v8 =	vimm.f32 $0.0e+00  }
.LBB2_1:
0xe: {  	[tilespmem:s3], [sflag:$0x2] =	stream.linear.gather [hbm4b:s4+s3], $0x80, $0x38;
	[tilespmem:$0x1400] =	vst v63  }
0xf: {  	_ =	swait.ge [sflag:s10], $0x80  }
0x10: {  	[sflag:s10] =	ssyncset.done $0x0  }
0x11: {  	[sflag:s10] =	ssyncadd.s32 $0xFFFFFF80  }
0x12: {  	[tilespmem:s11], [sflag:$0x2] =	stream.linear.gather [hbm4b:s5+s3], $0x80, $0x38;
	[tilespmem:$0x1400] =	vst v63  }
0x13: {  	_ =	swait.ge [sflag:s10], $0x80  }
0x14: {  	[sflag:s10] =	ssyncset.done $0x0  }
0x15: {  	[sflag:s10] =	ssyncadd.s32 $0xFFFFFF80  }
0x16: {  	[tilespmem:s12], [sflag:$0x2] =	stream.linear.gather [hbm4b:s6+s3], $0x80, $0x38;
	[tilespmem:$0x1400] =	vst v63  }
0x17: {  	_ =	swait.ge [sflag:s10], $0x80  }
0x18: {  	[sflag:s10] =	ssyncset.done $0x0  }
0x19: {  	[sflag:s10] =	ssyncadd.s32 $0xFFFFFF80  }
0x1a: {  	[tilespmem:s13], [sflag:$0x2] =	stream.linear.gather [hbm4b:s7+s3], $0x80, $0x38;
	[tilespmem:$0x1400] =	vst v63  }
0x1b: {  	_ =	swait.ge [sflag:s10], $0x80  }
0x1c: {  	[sflag:s10] =	ssyncset.done $0x0  }
0x1d: {  	[sflag:s10] =	ssyncadd.s32 $0xFFFFFF80  }
0x1e: {  	[tilespmem:$0x400] =	vst v8  }
0x1f: {  	[tilespmem:$0x410] =	vst v8  }
0x20: {  	[tilespmem:$0x420] =	vst v8  }
0x21: {  	[tilespmem:$0x430] =	vst v8  }
0x22: {  	[tilespmem:$0x440] =	vst v8  }
0x23: {  	[tilespmem:$0x450] =	vst v8  }
0x24: {  	[tilespmem:$0x460] =	vst v8  }
0x25: {  	[tilespmem:$0x470] =	vst v8  }
0x26: {  	[tilespmem:$0x480] =	vst v8  }
0x27: {  	[tilespmem:$0x490] =	vst v8  }
0x28: {  	[tilespmem:$0x4A0] =	vst v8  }
0x29: {  	[tilespmem:$0x4B0] =	vst v8  }
0x2a: {  	[tilespmem:$0x4C0] =	vst v8  }
0x2b: {  	[tilespmem:$0x4D0] =	vst v8  }
0x2c: {  	[tilespmem:$0x4E0] =	vst v8  }
0x2d: {  	[tilespmem:$0x4F0] =	vst v8  }
0x2e: {  	[tilespmem:$0x500] =	vst v8  }
0x2f: {  	[tilespmem:$0x510] =	vst v8  }
0x30: {  	[tilespmem:$0x520] =	vst v8  }
0x31: {  	[tilespmem:$0x530] =	vst v8  }
0x32: {  	[tilespmem:$0x540] =	vst v8  }
0x33: {  	[tilespmem:$0x550] =	vst v8  }
0x34: {  	[tilespmem:$0x560] =	vst v8  }
0x35: {  	[tilespmem:$0x570] =	vst v8  }
0x36: {  	[tilespmem:$0x580] =	vst v8  }
0x37: {  	[tilespmem:$0x590] =	vst v8  }
0x38: {  	[tilespmem:$0x5A0] =	vst v8  }
0x39: {  	[tilespmem:$0x5B0] =	vst v8  }
0x3a: {  	[tilespmem:$0x5C0] =	vst v8  }
0x3b: {  	[tilespmem:$0x5D0] =	vst v8  }
0x3c: {  	[tilespmem:$0x5E0] =	vst v8  }
0x3d: {  	[tilespmem:$0x5F0] =	vst v8  }
0x3e: {  	[tilespmem:$0x600] =	vst v8  }
0x3f: {  	[tilespmem:$0x610] =	vst v8  }
0x40: {  	[tilespmem:$0x620] =	vst v8  }
0x41: {  	[tilespmem:$0x630] =	vst v8  }
0x42: {  	[tilespmem:$0x640] =	vst v8  }
0x43: {  	[tilespmem:$0x650] =	vst v8  }
0x44: {  	[tilespmem:$0x660] =	vst v8  }
0x45: {  	[tilespmem:$0x670] =	vst v8  }
0x46: {  	[tilespmem:$0x680] =	vst v8  }
0x47: {  	[tilespmem:$0x690] =	vst v8  }
0x48: {  	[tilespmem:$0x6A0] =	vst v8  }
0x49: {  	[tilespmem:$0x6B0] =	vst v8  }
0x4a: {  	[tilespmem:$0x6C0] =	vst v8  }
0x4b: {  	[tilespmem:$0x6D0] =	vst v8  }
0x4c: {  	[tilespmem:$0x6E0] =	vst v8  }
0x4d: {  	[tilespmem:$0x6F0] =	vst v8  }
0x4e: {  	[tilespmem:$0x700] =	vst v8  }
0x4f: {  	[tilespmem:$0x710] =	vst v8  }
0x50: {  	[tilespmem:$0x720] =	vst v8  }
0x51: {  	[tilespmem:$0x730] =	vst v8  }
0x52: {  	[tilespmem:$0x740] =	vst v8  }
0x53: {  	[tilespmem:$0x750] =	vst v8  }
0x54: {  	[tilespmem:$0x760] =	vst v8  }
0x55: {  	[tilespmem:$0x770] =	vst v8  }
0x56: {  	[tilespmem:$0x780] =	vst v8  }
0x57: {  	[tilespmem:$0x790] =	vst v8  }
0x58: {  	[tilespmem:$0x7A0] =	vst v8  }
0x59: {  	[tilespmem:$0x7B0] =	vst v8  }
0x5a: {  	[tilespmem:$0x7C0] =	vst v8  }
0x5b: {  	[tilespmem:$0x7D0] =	vst v8  }
0x5c: {  	[tilespmem:$0x7E0] =	vst v8  }
0x5d: {  	[tilespmem:$0x7F0] =	vst v8  }
0x5e: {  	[tilespmem:$0x800] =	vst v8  }
0x5f: {  	[tilespmem:$0x810] =	vst v8  }
0x60: {  	[tilespmem:$0x820] =	vst v8  }
0x61: {  	[tilespmem:$0x830] =	vst v8  }
0x62: {  	[tilespmem:$0x840] =	vst v8  }
0x63: {  	[tilespmem:$0x850] =	vst v8  }
0x64: {  	[tilespmem:$0x860] =	vst v8  }
0x65: {  	[tilespmem:$0x870] =	vst v8  }
0x66: {  	[tilespmem:$0x880] =	vst v8  }
0x67: {  	[tilespmem:$0x890] =	vst v8  }
0x68: {  	[tilespmem:$0x8A0] =	vst v8  }
0x69: {  	[tilespmem:$0x8B0] =	vst v8  }
0x6a: {  	[tilespmem:$0x8C0] =	vst v8  }
0x6b: {  	[tilespmem:$0x8D0] =	vst v8  }
0x6c: {  	[tilespmem:$0x8E0] =	vst v8  }
0x6d: {  	[tilespmem:$0x8F0] =	vst v8  }
0x6e: {  	[tilespmem:$0x900] =	vst v8  }
0x6f: {  	[tilespmem:$0x910] =	vst v8  }
0x70: {  	[tilespmem:$0x920] =	vst v8  }
0x71: {  	[tilespmem:$0x930] =	vst v8  }
0x72: {  	[tilespmem:$0x940] =	vst v8  }
0x73: {  	[tilespmem:$0x950] =	vst v8  }
0x74: {  	[tilespmem:$0x960] =	vst v8  }
0x75: {  	[tilespmem:$0x970] =	vst v8  }
0x76: {  	[tilespmem:$0x980] =	vst v8  }
0x77: {  	[tilespmem:$0x990] =	vst v8  }
0x78: {  	[tilespmem:$0x9A0] =	vst v8  }
0x79: {  	[tilespmem:$0x9B0] =	vst v8  }
0x7a: {  	[tilespmem:$0x9C0] =	vst v8  }
0x7b: {  	[tilespmem:$0x9D0] =	vst v8  }
0x7c: {  	[tilespmem:$0x9E0] =	vst v8  }
0x7d: {  	[tilespmem:$0x9F0] =	vst v8  }
0x7e: {  	[tilespmem:$0xA00] =	vst v8  }
0x7f: {  	[tilespmem:$0xA10] =	vst v8  }
0x80: {  	[tilespmem:$0xA20] =	vst v8  }
0x81: {  	[tilespmem:$0xA30] =	vst v8  }
0x82: {  	[tilespmem:$0xA40] =	vst v8  }
0x83: {  	[tilespmem:$0xA50] =	vst v8  }
0x84: {  	[tilespmem:$0xA60] =	vst v8  }
0x85: {  	[tilespmem:$0xA70] =	vst v8  }
0x86: {  	[tilespmem:$0xA80] =	vst v8  }
0x87: {  	[tilespmem:$0xA90] =	vst v8  }
0x88: {  	[tilespmem:$0xAA0] =	vst v8  }
0x89: {  	[tilespmem:$0xAB0] =	vst v8  }
0x8a: {  	[tilespmem:$0xAC0] =	vst v8  }
0x8b: {  	[tilespmem:$0xAD0] =	vst v8  }
0x8c: {  	[tilespmem:$0xAE0] =	vst v8  }
0x8d: {  	[tilespmem:$0xAF0] =	vst v8;
	v9 =	vld [tilespmem:$0x0]  }
0x8e: {  	[tilespmem:$0xB00] =	vst v8  }
0x8f: {  	[tilespmem:$0xB10] =	vst v8  }
0x90: {  	[tilespmem:$0xB20] =	vst v8  }
0x91: {  	[tilespmem:$0xB30] =	vst v8  }
0x92: {  	[tilespmem:$0xB40] =	vst v8;
	v9 =	vadd.s32 v0, v9  }
0x93: {  	[tilespmem:$0x200] =	vst v9;
	v9 =	vld [tilespmem:$0x80]  }
0x94: {  	[tilespmem:$0xB50] =	vst v8  }
0x95: {  	[tilespmem:$0xB60] =	vst v8  }
0x96: {  	[tilespmem:$0xB70] =	vst v8  }
0x97: {  	[tilespmem:$0xB80] =	vst v8  }
0x98: {  	[tilespmem:$0xB90] =	vst v8;
	v9 =	vadd.s32 v0, v9  }
0x99: {  	[tilespmem:$0x280] =	vst v9;
	v9 =	vld [tilespmem:$0x100]  }
0x9a: {  	[tilespmem:$0xBA0] =	vst v8  }
0x9b: {  	[tilespmem:$0xBB0] =	vst v8  }
0x9c: {  	[tilespmem:$0xBC0] =	vst v8  }
0x9d: {  	[tilespmem:$0xBD0] =	vst v8  }
0x9e: {  	[tilespmem:$0x300] =	vst v9;
	v9 =	vld [tilespmem:$0x180]  }
0x9f: {  	[tilespmem:$0xBE0] =	vst v8  }
0xa0: {  	[tilespmem:$0xBF0] =	vst v8  }
0xa1: {  	[tilespmem:$0xC00] =	vst v8  }
0xa2: {  	[tilespmem:$0xC10] =	vst v8  }
0xa3: {  	[tilespmem:$0x380] =	vst v9;
	v9 =	vld [tilespmem:$0x10]  }
0xa4: {  	[tilespmem:$0xC20] =	vst v8  }
0xa5: {  	[tilespmem:$0xC30] =	vst v8  }
0xa6: {  	[tilespmem:$0xC40] =	vst v8  }
0xa7: {  	[tilespmem:$0xC50] =	vst v8  }
0xa8: {  	[tilespmem:$0xC60] =	vst v8;
	v9 =	vadd.s32 v1, v9  }
0xa9: {  	[tilespmem:$0x210] =	vst v9;
	v9 =	vld [tilespmem:$0x90]  }
0xaa: {  	[tilespmem:$0xC70] =	vst v8  }
0xab: {  	[tilespmem:$0xC80] =	vst v8  }
0xac: {  	[tilespmem:$0xC90] =	vst v8  }
0xad: {  	[tilespmem:$0xCA0] =	vst v8  }
0xae: {  	[tilespmem:$0xCB0] =	vst v8;
	v9 =	vadd.s32 v1, v9  }
0xaf: {  	[tilespmem:$0x290] =	vst v9;
	v9 =	vld [tilespmem:$0x110]  }
0xb0: {  	[tilespmem:$0xCC0] =	vst v8  }
0xb1: {  	[tilespmem:$0xCD0] =	vst v8  }
0xb2: {  	[tilespmem:$0xCE0] =	vst v8  }
0xb3: {  	[tilespmem:$0xCF0] =	vst v8  }
0xb4: {  	[tilespmem:$0x310] =	vst v9;
	v9 =	vld [tilespmem:$0x190]  }
0xb5: {  	[tilespmem:$0xD00] =	vst v8  }
0xb6: {  	[tilespmem:$0xD10] =	vst v8  }
0xb7: {  	[tilespmem:$0xD20] =	vst v8  }
0xb8: {  	[tilespmem:$0xD30] =	vst v8  }
0xb9: {  	[tilespmem:$0x390] =	vst v9;
	v9 =	vld [tilespmem:$0xA0]  }
0xba: {  	[tilespmem:$0xD40] =	vst v8  }
0xbb: {  	[tilespmem:$0xD50] =	vst v8  }
0xbc: {  	[tilespmem:$0xD60] =	vst v8  }
0xbd: {  	[tilespmem:$0xD70] =	vst v8  }
0xbe: {  	[tilespmem:$0xD80] =	vst v8;
	v9 =	vadd.s32 v2, v9  }
0xbf: {  	[tilespmem:$0x2A0] =	vst v9;
	v9 =	vld [tilespmem:$0x120]  }
0xc0: {  	[tilespmem:$0xD90] =	vst v8  }
0xc1: {  	[tilespmem:$0xDA0] =	vst v8  }
0xc2: {  	[tilespmem:$0xDB0] =	vst v8  }
0xc3: {  	[tilespmem:$0xDC0] =	vst v8  }
0xc4: {  	[tilespmem:$0x320] =	vst v9;
	v9 =	vld [tilespmem:$0x1A0]  }
0xc5: {  	[tilespmem:$0xDD0] =	vst v8  }
0xc6: {  	[tilespmem:$0xDE0] =	vst v8  }
0xc7: {  	[tilespmem:$0xDF0] =	vst v8  }
0xc8: {  	[tilespmem:$0xE00] =	vst v8  }
0xc9: {  	[tilespmem:$0x3A0] =	vst v9;
	v9 =	vld [tilespmem:$0x30]  }
0xca: {  	[tilespmem:$0xE10] =	vst v8  }
0xcb: {  	[tilespmem:$0xE20] =	vst v8  }
0xcc: {  	[tilespmem:$0xE30] =	vst v8  }
0xcd: {  	[tilespmem:$0xE40] =	vst v8  }
0xce: {  	[tilespmem:$0xE50] =	vst v8;
	v9 =	vadd.s32 v3, v9  }
0xcf: {  	[tilespmem:$0x230] =	vst v9;
	v9 =	vld [tilespmem:$0xB0]  }
0xd0: {  	[tilespmem:$0xE60] =	vst v8  }
0xd1: {  	[tilespmem:$0xE70] =	vst v8  }
0xd2: {  	[tilespmem:$0xE80] =	vst v8  }
0xd3: {  	[tilespmem:$0xE90] =	vst v8  }
0xd4: {  	[tilespmem:$0xEA0] =	vst v8;
	v9 =	vadd.s32 v3, v9  }
0xd5: {  	[tilespmem:$0x2B0] =	vst v9;
	v9 =	vld [tilespmem:$0x1B0]  }
0xd6: {  	[tilespmem:$0xEB0] =	vst v8  }
0xd7: {  	[tilespmem:$0xEC0] =	vst v8  }
0xd8: {  	[tilespmem:$0xED0] =	vst v8  }
0xd9: {  	[tilespmem:$0xEE0] =	vst v8  }
0xda: {  	[tilespmem:$0x3B0] =	vst v9;
	v9 =	vld [tilespmem:$0x40]  }
0xdb: {  	[tilespmem:$0xEF0] =	vst v8  }
0xdc: {  	[tilespmem:$0xF00] =	vst v8  }
0xdd: {  	[tilespmem:$0xF10] =	vst v8  }
0xde: {  	[tilespmem:$0xF20] =	vst v8  }
0xdf: {  	[tilespmem:$0xF30] =	vst v8;
	v9 =	vadd.s32 v4, v9  }
0xe0: {  	[tilespmem:$0x240] =	vst v9;
	v9 =	vld [tilespmem:$0xC0]  }
0xe1: {  	[tilespmem:$0xF40] =	vst v8  }
0xe2: {  	[tilespmem:$0xF50] =	vst v8  }
0xe3: {  	[tilespmem:$0xF60] =	vst v8  }
0xe4: {  	[tilespmem:$0xF70] =	vst v8  }
0xe5: {  	[tilespmem:$0xF80] =	vst v8;
	v9 =	vadd.s32 v4, v9  }
0xe6: {  	[tilespmem:$0x2C0] =	vst v9;
	v9 =	vld [tilespmem:$0x140]  }
0xe7: {  	[tilespmem:$0xF90] =	vst v8  }
0xe8: {  	[tilespmem:$0xFA0] =	vst v8  }
0xe9: {  	[tilespmem:$0xFB0] =	vst v8  }
0xea: {  	[tilespmem:$0xFC0] =	vst v8  }
0xeb: {  	[tilespmem:$0x340] =	vst v9;
	v9 =	vld [tilespmem:$0x50]  }
0xec: {  	[tilespmem:$0xFD0] =	vst v8  }
0xed: {  	[tilespmem:$0xFE0] =	vst v8  }
0xee: {  	[tilespmem:$0xFF0] =	vst v8  }
0xef: {  	[tilespmem:$0x1000] =	vst v8  }
0xf0: {  	[tilespmem:$0x1010] =	vst v8;
	v9 =	vadd.s32 v5, v9  }
0xf1: {  	[tilespmem:$0x250] =	vst v9;
	v9 =	vld [tilespmem:$0xD0]  }
0xf2: {  	[tilespmem:$0x1020] =	vst v8  }
0xf3: {  	[tilespmem:$0x1030] =	vst v8  }
0xf4: {  	[tilespmem:$0x1040] =	vst v8  }
0xf5: {  	[tilespmem:$0x1050] =	vst v8  }
0xf6: {  	[tilespmem:$0x1060] =	vst v8;
	v9 =	vadd.s32 v5, v9  }
0xf7: {  	[tilespmem:$0x2D0] =	vst v9;
	v9 =	vld [tilespmem:$0x150]  }
0xf8: {  	[tilespmem:$0x1070] =	vst v8  }
0xf9: {  	[tilespmem:$0x1080] =	vst v8  }
0xfa: {  	[tilespmem:$0x1090] =	vst v8  }
0xfb: {  	[tilespmem:$0x10A0] =	vst v8  }
0xfc: {  	[tilespmem:$0x350] =	vst v9;
	v9 =	vld [tilespmem:$0x1D0]  }
0xfd: {  	[tilespmem:$0x10B0] =	vst v8  }
0xfe: {  	[tilespmem:$0x10C0] =	vst v8  }
0xff: {  	[tilespmem:$0x10D0] =	vst v8  }
0x100: {  	[tilespmem:$0x10E0] =	vst v8  }
0x101: {  	[tilespmem:$0x3D0] =	vst v9;
	v9 =	vld [tilespmem:$0xE0]  }
0x102: {  	[tilespmem:$0x10F0] =	vst v8  }
0x103: {  	[tilespmem:$0x1100] =	vst v8  }
0x104: {  	[tilespmem:$0x1110] =	vst v8  }
0x105: {  	[tilespmem:$0x1120] =	vst v8  }
0x106: {  	[tilespmem:$0x1130] =	vst v8;
	v9 =	vadd.s32 v6, v9  }
0x107: {  	[tilespmem:$0x2E0] =	vst v9;
	v9 =	vld [tilespmem:$0x160]  }
0x108: {  	[tilespmem:$0x1140] =	vst v8  }
0x109: {  	[tilespmem:$0x1150] =	vst v8  }
0x10a: {  	[tilespmem:$0x1160] =	vst v8  }
0x10b: {  	[tilespmem:$0x1170] =	vst v8  }
0x10c: {  	[tilespmem:$0x360] =	vst v9;
	v9 =	vld [tilespmem:$0x1E0]  }
0x10d: {  	[tilespmem:$0x1180] =	vst v8  }
0x10e: {  	[tilespmem:$0x1190] =	vst v8  }
0x10f: {  	[tilespmem:$0x11A0] =	vst v8  }
0x110: {  	[tilespmem:$0x11B0] =	vst v8  }
0x111: {  	[tilespmem:$0x3E0] =	vst v9;
	v9 =	vld [tilespmem:$0x70]  }
0x112: {  	[tilespmem:$0x11C0] =	vst v8  }
0x113: {  	[tilespmem:$0x11D0] =	vst v8  }
0x114: {  	[tilespmem:$0x11E0] =	vst v8  }
0x115: {  	[tilespmem:$0x11F0] =	vst v8  }
0x116: {  	[tilespmem:$0x1200] =	vst v8;
	v9 =	vadd.s32 v7, v9  }
0x117: {  	[tilespmem:$0x270] =	vst v9;
	v9 =	vld [tilespmem:$0xF0]  }
0x118: {  	[tilespmem:$0x1210] =	vst v8  }
0x119: {  	[tilespmem:$0x1220] =	vst v8  }
0x11a: {  	[tilespmem:$0x1230] =	vst v8  }
0x11b: {  	[tilespmem:$0x1240] =	vst v8  }
0x11c: {  	[tilespmem:$0x1250] =	vst v8;
	v9 =	vadd.s32 v7, v9  }
0x11d: {  	[tilespmem:$0x2F0] =	vst v9;
	v9 =	vld [tilespmem:$0x60]  }
0x11e: {  	[tilespmem:$0x1260] =	vst v8  }
0x11f: {  	[tilespmem:$0x1270] =	vst v8  }
0x120: {  	[tilespmem:$0x1280] =	vst v8  }
0x121: {  	[tilespmem:$0x1290] =	vst v8  }
0x122: {  	[tilespmem:$0x12A0] =	vst v8;
	v9 =	vadd.s32 v6, v9  }
0x123: {  	[tilespmem:$0x260] =	vst v9;
	v9 =	vld [tilespmem:$0x1C0]  }
0x124: {  	[tilespmem:$0x12B0] =	vst v8  }
0x125: {  	[tilespmem:$0x12C0] =	vst v8  }
0x126: {  	[tilespmem:$0x12D0] =	vst v8  }
0x127: {  	[tilespmem:$0x12E0] =	vst v8  }
0x128: {  	[tilespmem:$0x3C0] =	vst v9;
	v9 =	vld [tilespmem:$0x130]  }
0x129: {  	[tilespmem:$0x12F0] =	vst v8  }
0x12a: {  	[tilespmem:$0x1300] =	vst v8  }
0x12b: {  	[tilespmem:$0x1310] =	vst v8  }
0x12c: {  	[tilespmem:$0x1320] =	vst v8  }
0x12d: {  	[tilespmem:$0x330] =	vst v9;
	v9 =	vld [tilespmem:$0x20]  }
0x12e: {  	[tilespmem:$0x1330] =	vst v8  }
0x12f: {  	[tilespmem:$0x1340] =	vst v8  }
0x130: {  	[tilespmem:$0x1350] =	vst v8  }
0x131: {  	[tilespmem:$0x1360] =	vst v8  }
0x132: {  	[tilespmem:$0x1370] =	vst v8;
	v9 =	vadd.s32 v2, v9  }
0x133: {  	[tilespmem:$0x220] =	vst v9;
	v9 =	vld [tilespmem:$0x170]  }
0x134: {  	[tilespmem:$0x1380] =	vst v8  }
0x135: {  	[tilespmem:$0x1390] =	vst v8  }
0x136: {  	[tilespmem:$0x13A0] =	vst v8  }
0x137: {  	[tilespmem:$0x13B0] =	vst v8  }
0x138: {  	[tilespmem:$0x370] =	vst v9;
	v9 =	vld [tilespmem:$0x1F0]  }
0x139: {  	[tilespmem:$0x13C0] =	vst v8  }
0x13a: {  	[tilespmem:$0x13D0] =	vst v8  }
0x13b: {  	[tilespmem:$0x13E0] =	vst v8  }
0x13c: {  	[tilespmem:$0x13F0] =	vst v8  }
0x13d: {  	[tilespmem:$0x3F0] =	vst v9  }
0x13e: {  	[hbm4b:s8+s3] =	stream.linear.scatter [tilespmem:s14], [sflag:$0x2], $0x1000, $0x38;
	[tilespmem:$0x1400] =	vst v63  }
0x13f: {  	_ =	swait.ge [sflag:s10], $0x1000  }
0x140: {  	p0 =	sne.s32 s9, $0x1;
	[sflag:s10] =	ssyncset.done $0x0  }
.Ltmp0:
0x141: {  	[sflag:s10] =	ssyncadd.s32 $0xFFFFF000;
	(pc) =	sbr.rel @p0 .LBB2_1-.Ltmp0, $4  }
0x142: {  	[hbm4b:s2+s12] =	stream.indirect.scatter [tilespmem:s16], [sflag:$0x1], $0x1, s15, s12, $0xb8;
	[tilespmem:$0x1400] =	vst v63  }
0x143: {  	_ =	swait.ge [sflag:s17], $0x100  }
0x144: {  	[sflag:s17] =	ssyncset.done $0x0  }
0x145: {  	s9 =	sadd.s32 $0xFFFFFFFF, s9;
	[sflag:s17] =	ssyncadd.s32 $0xFFFFFF00  }
0x146: {  	_ =	sfence.sel $0x180000  }
0x147: {  	[bflag:$0x0] =	sbarrier.arrive $0xFFFF  }
0x148: {  	p0 =	sne.s32 s0, $0x0;
	_ =	strace $0x90000047  }
0x149: {  	s0 =	sadd.s32 @!p0 $0x100000, s1;
	[bflag:$0x2] =	sbarrier.arrive $0xFFFF  }
0x14a: {  	[sflag:s0] =	ssyncadd.tile.s32 @!p0 $0x1;
	_ =	shalt  }
.Lfunc_end2:
_tile_overlayer_lowered:
.L_overlay_start_2:
0x14b: {  	(tag) =	ssettag $0x2  }
0x14c: {  	s0 =	rddreg [dreg:$0x0];
	s2 =	stileid.u32  }
0x14d: {  	s1 =	rddreg [dreg:$0x1];
	p0 =	sne.s32 s2, $0x0  }
0x14e: {  	s3 =	rddreg [dreg:$0x2];
	[bflag:$0x3] =	sbarrier.arrive $0xFFFF;
	s2 =	simm.s32 @!p0 $0x1C02  }
0x14f: {  	[timem:s3], [sflag:s2] =	dma.local @!p0 [hbm:s0], s1  }
0x150: {  	s0 =	simm.s32 @!p0 $0x2  }
0x151: {  	_ =	swait.ge @!p0 [sflag:s0], s1  }
0x152: {  	s1 =	ssub.s32 @!p0 $0x0, s1;
	[sflag:s0] =	ssyncset.done @!p0 $0x0  }
0x153: {  	[sflag:s0] =	ssyncadd.s32 @!p0 s1  }
0x154: {  	[bflag:$0x3] =	sbarrier.arrive $0xFFFF  }
0x155: {  	_ =	shalt  }

</sc_bundles>
